<compile_context>
chip_gen: v7x
topology: tpu7x:2x2x1
jax: 0.10.2.dev20260603
libtpu: 0.0.44.dev20260713+nightly
codegen_flags: <defaults>
</compile_context>

<pallas_src>
import functools

import jax
import jax.numpy as jnp
from jax import lax
from jax.experimental import pallas as pl
from jax.experimental.pallas import tpu as pltpu
from jax.experimental.pallas import tpu_sc as plsc

N = 10000
NP = 10240
E = 320000
D = 128
DEGW = 8

NC, NS, L = 2, 16, 16
EPC = E // NS
CH = 80
NCHUNK = EPC // CH
RPT = NP // NS

ROWS_TC = 2048

DH = D // 2


def _sc_mesh():
    return plsc.VectorSubcoreMesh(
        core_axis_name="c", subcore_axis_name="s",
        num_cores=NC, num_subcores=NS)


NB = 4


def _seg_sum_body(with_deg, *refs):
    if with_deg:
        (table_hbm, src2_hbm, dst_hbm, zf_hbm, zd_hbm, ones_hbm,
         out_hbm, deg_hbm,
         sidx_all, didx_all, rows0, rows1, rows2, rows3, ones_v,
         acc_sh, deg_sh,
         sg0, sg1, sg2, sg3, ss0, ss1, ss2, ss3, sd0, sd1, sd2, sd3) = refs
        semd = (sd0, sd1, sd2, sd3)
    else:
        (table_hbm, src2_hbm, dst_hbm, zf_hbm,
         out_hbm,
         sidx_all, didx_all, rows0, rows1, rows2, rows3,
         acc_sh,
         sg0, sg1, sg2, sg3, ss0, ss1, ss2, ss3) = refs

    c = lax.axis_index("c")
    s = lax.axis_index("s")
    r0 = s * RPT
    base = s * EPC
    rows = (rows0, rows1, rows2, rows3)
    semg = (sg0, sg1, sg2, sg3)
    sems = (ss0, ss1, ss2, ss3)

    pltpu.sync_copy(zf_hbm.at[pl.ds(r0, RPT)], acc_sh.at[pl.ds(r0, RPT)])
    if with_deg:
        pltpu.sync_copy(zd_hbm.at[pl.ds(r0, RPT)], deg_sh.at[pl.ds(r0, RPT)])
        pltpu.sync_copy(ones_hbm, ones_v)

    pltpu.sync_copy(src2_hbm.at[c, pl.ds(base, EPC)], sidx_all)
    pltpu.sync_copy(dst_hbm.at[pl.ds(base, EPC)], didx_all)
    plsc.subcore_barrier()

    def fetch(k, b):
        pltpu.async_copy(table_hbm.at[sidx_all.at[pl.ds(k * CH, CH)]],
                         rows[b], semg[b])

    def scat(k, b):
        didx = didx_all.at[pl.ds(k * CH, CH)]
        pltpu.make_async_copy(table_hbm.at[sidx_all.at[pl.ds(k * CH, CH)]],
                              rows[b], semg[b]).wait()
        pltpu.async_copy(rows[b], acc_sh.at[didx], sems[b], add=True)
        if with_deg:
            pltpu.async_copy(ones_v, deg_sh.at[didx], semd[b], add=True)

    def wait_scat(k, b):
        didx = didx_all.at[pl.ds(k * CH, CH)]
        pltpu.make_async_copy(rows[b], acc_sh.at[didx], sems[b]).wait()
        if with_deg:
            pltpu.make_async_copy(ones_v, deg_sh.at[didx], semd[b]).wait()

    for b in range(NB):
        fetch(b, b)

    def step(j, carry):
        k = j * NB
        for b in range(NB):
            scat(k + b, b)
        for b in range(NB):
            wait_scat(k + b, b)
            fetch(k + NB + b, b)
        return carry

    lax.fori_loop(0, NCHUNK // NB - 1, step, 0)
    kk = NCHUNK - NCHUNK % NB - NB
    for b in range(NB):
        scat(kk + b, b)
    for b in range(NCHUNK % NB):
        wait_scat(kk + b, b)
        fetch(kk + NB + b, b)
    for b in range(NCHUNK % NB):
        scat(kk + NB + b, b)
    for b in range(NCHUNK % NB, NB):
        wait_scat(kk + b, b)
    for b in range(NCHUNK % NB):
        wait_scat(kk + NB + b, b)
    plsc.subcore_barrier()

    pltpu.sync_copy(acc_sh.at[pl.ds(r0, RPT)], out_hbm.at[c, pl.ds(r0, RPT)])
    if with_deg:
        pltpu.sync_copy(deg_sh.at[pl.ds(r0, RPT)],
                        deg_hbm.at[c, pl.ds(r0, RPT)])


def _seg_sum_deg(table2, src2, dst, zf, zd, ones8):
    scratch = [
        pltpu.VMEM((EPC,), jnp.int32),
        pltpu.VMEM((EPC,), jnp.int32),
        pltpu.VMEM((CH, DH), jnp.float32),
        pltpu.VMEM((CH, DH), jnp.float32),
        pltpu.VMEM((CH, DH), jnp.float32),
        pltpu.VMEM((CH, DH), jnp.float32),
        pltpu.VMEM((CH, DEGW), jnp.float32),
        pltpu.VMEM_SHARED((NP, DH), jnp.float32),
        pltpu.VMEM_SHARED((NP, DEGW), jnp.float32),
    ] + [pltpu.SemaphoreType.DMA] * 12
    out_type = (jax.ShapeDtypeStruct((NC, NP, DH), jnp.float32),
                jax.ShapeDtypeStruct((NC, NP, DEGW), jnp.float32))
    return pl.kernel(functools.partial(_seg_sum_body, True), out_type,
                     mesh=_sc_mesh(), scratch_types=scratch,
                     compiler_params=pltpu.CompilerParams(
                         use_tc_tiling_on_sc=False),
                     name="sc_seg_sum_deg")(table2, src2, dst, zf, zd, ones8)


def _seg_sum(table2, src2, dst, zf):
    scratch = [
        pltpu.VMEM((EPC,), jnp.int32),
        pltpu.VMEM((EPC,), jnp.int32),
        pltpu.VMEM((CH, DH), jnp.float32),
        pltpu.VMEM((CH, DH), jnp.float32),
        pltpu.VMEM((CH, DH), jnp.float32),
        pltpu.VMEM((CH, DH), jnp.float32),
        pltpu.VMEM_SHARED((NP, DH), jnp.float32),
    ] + [pltpu.SemaphoreType.DMA] * 8
    out_type = jax.ShapeDtypeStruct((NC, NP, DH), jnp.float32)
    return pl.kernel(functools.partial(_seg_sum_body, False), out_type,
                     mesh=_sc_mesh(), scratch_types=scratch,
                     compiler_params=pltpu.CompilerParams(
                         use_tc_tiling_on_sc=False),
                     name="sc_seg_sum")(table2, src2, dst, zf)


EPW = E // (NC * NS)


def _edge_score_body(ac_hbm, src_hbm, dst_hbm, out_hbm,
                     ac_v, sidx_v, didx_v, out_v):
    c = lax.axis_index("c")
    s = lax.axis_index("s")
    wid = s * NC + c
    base = wid * EPW

    pltpu.sync_copy(ac_hbm, ac_v)
    pltpu.sync_copy(src_hbm.at[pl.ds(base, EPW)], sidx_v)
    pltpu.sync_copy(dst_hbm.at[pl.ds(base, EPW)], didx_v)

    def step(i, carry):
        o = i * L
        sv = sidx_v[pl.ds(o, L)]
        dv = didx_v[pl.ds(o, L)]
        a = plsc.load_gather(ac_v, [sv * 2])
        b = plsc.load_gather(ac_v, [dv * 2 + 1])
        out_v[pl.ds(o, L)] = a + b
        return carry

    lax.fori_loop(0, EPW // L, step, 0)
    pltpu.sync_copy(out_v, out_hbm.at[pl.ds(base, EPW)])


def _edge_score(ac, src, dst):
    scratch = [
        pltpu.VMEM((NP * 2,), jnp.float32),
        pltpu.VMEM((EPW,), jnp.int32),
        pltpu.VMEM((EPW,), jnp.int32),
        pltpu.VMEM((EPW,), jnp.float32),
    ]
    out_type = jax.ShapeDtypeStruct((E,), jnp.float32)
    return pl.kernel(_edge_score_body, out_type,
                     mesh=_sc_mesh(), scratch_types=scratch,
                     compiler_params=pltpu.CompilerParams(
                         needs_layout_passes=False),
                     name="sc_edge_score")(ac, src, dst)


def _conv1_body(x_b, agg_b, deg_b, w_b, b_b, out_b):
    deg = deg_b[0, :, 0:1]
    agg = jnp.concatenate([agg_b[0], agg_b[1]], axis=1)
    hn = (agg + x_b[...]) / (deg + 1.0)
    acc = jnp.dot(hn, w_b[...], preferred_element_type=jnp.float32)
    out_b[...] = jnp.maximum(acc + b_b[...], 0.0)


def _conv1(x, agg1, degp, W1, b1):
    grid = (NP // ROWS_TC,)
    return pl.pallas_call(
        _conv1_body,
        grid=grid,
        in_specs=[
            pl.BlockSpec((ROWS_TC, D), lambda i: (i, 0)),
            pl.BlockSpec((NC, ROWS_TC, DH), lambda i: (0, i, 0)),
            pl.BlockSpec((NC, ROWS_TC, DEGW), lambda i: (0, i, 0)),
            pl.BlockSpec((D, D), lambda i: (0, 0)),
            pl.BlockSpec((1, D), lambda i: (0, 0)),
        ],
        out_specs=pl.BlockSpec((ROWS_TC, D), lambda i: (i, 0)),
        out_shape=jax.ShapeDtypeStruct((NP, D), jnp.float32),
    )(x, agg1, degp, W1, b1.reshape(1, D))


def _conv2_body(h_b, agg_b, deg_b, ws_b, wn_b, b_b, wp_b, bp_b, out_b):
    deg = deg_b[0, :, 0:1]
    degc = jnp.maximum(deg, 1.0)
    agg = jnp.concatenate([agg_b[0], agg_b[1]], axis=1)
    hn = agg / degc
    h2 = (jnp.dot(h_b[...], ws_b[...], preferred_element_type=jnp.float32)
          + jnp.dot(hn, wn_b[...], preferred_element_type=jnp.float32)
          + b_b[...])
    out_b[...] = jnp.dot(h2, wp_b[...], preferred_element_type=jnp.float32) + bp_b[...]


def _conv2(h, agg2, degp, W2s, W2n, b2, Wp2, bp2):
    grid = (NP // ROWS_TC,)
    return pl.pallas_call(
        _conv2_body,
        grid=grid,
        in_specs=[
            pl.BlockSpec((ROWS_TC, D), lambda i: (i, 0)),
            pl.BlockSpec((NC, ROWS_TC, DH), lambda i: (0, i, 0)),
            pl.BlockSpec((NC, ROWS_TC, DEGW), lambda i: (0, i, 0)),
            pl.BlockSpec((D, D), lambda i: (0, 0)),
            pl.BlockSpec((D, D), lambda i: (0, 0)),
            pl.BlockSpec((1, D), lambda i: (0, 0)),
            pl.BlockSpec((D, 2), lambda i: (0, 0)),
            pl.BlockSpec((1, 2), lambda i: (0, 0)),
        ],
        out_specs=pl.BlockSpec((ROWS_TC, 2), lambda i: (i, 0)),
        out_shape=jax.ShapeDtypeStruct((NP, 2), jnp.float32),
    )(h, agg2, degp, W2s, W2n, b2.reshape(1, D), Wp2, bp2)


def kernel(x, edge_index, W1_neigh, b1, W2_self, W2_neigh, b2, W_pred, b_pred):
    src = edge_index[0]
    dst = edge_index[1]
    src2 = jnp.stack([src * 2, src * 2 + 1])
    xp = jnp.pad(x, ((0, NP - N), (0, 0)))
    zf = jnp.zeros((NP, DH), jnp.float32)
    zd = jnp.zeros((NP, DEGW), jnp.float32)
    ones8 = jnp.ones((CH, DEGW), jnp.float32)

    agg1, degp = _seg_sum_deg(
        xp.reshape(NP * 2, DH), src2, dst, zf, zd, ones8)
    h = _conv1(xp, agg1, degp, W1_neigh, b1)
    agg2 = _seg_sum(h.reshape(NP * 2, DH), src2, dst, zf)

    Wp2 = W_pred[:, 0].reshape(2, D).T
    bp2 = jnp.concatenate([b_pred, jnp.zeros((1,), jnp.float32)]).reshape(1, 2)
    ac = _conv2(h, agg2, degp, W2_self, W2_neigh, b2, Wp2, bp2)

    score = _edge_score(ac.reshape(NP * 2), src, dst)
    return score.reshape(E, 1)

# --- scband reference (transcript-rebuilt; emitter-appended) ---
"""Pipeline reference for scband-model-35253091565755 (READ-ONLY COPY).

The authoritative reference and input builder live on the scoring server;
editing this copy changes nothing except your own understanding.
"""

import jax, jax.numpy as jnp
import numpy as np

N = 10000
E = 320000
D_IN = 128
D_H = 128
D_OUT = 1


def setup_inputs(seed: int = 0) -> dict:
    key = jax.random.key(seed)
    ks = jax.random.split(key, 10)
    x = jax.random.normal(ks[0], (N, D_IN), dtype=jnp.float32)
    edge_index = jax.random.randint(ks[1], (2, E), 0, N, dtype=jnp.int32)
    # conv1: SAGEConv 'gcn' aggregator -> only fc_neigh + bias
    s1 = 1.0 / np.sqrt(D_IN)
    W1_neigh = jax.random.uniform(ks[2], (D_IN, D_H), jnp.float32, -s1, s1)
    b1 = jnp.zeros((D_H,), jnp.float32)
    # conv2: SAGEConv 'mean' aggregator -> fc_self + fc_neigh + bias
    s2 = 1.0 / np.sqrt(D_H)
    W2_self = jax.random.uniform(ks[3], (D_H, D_H), jnp.float32, -s2, s2)
    W2_neigh = jax.random.uniform(ks[4], (D_H, D_H), jnp.float32, -s2, s2)
    b2 = jnp.zeros((D_H,), jnp.float32)
    # MLPPredictor: Linear(2*D_H -> D_OUT) applied per edge on cat([h_src, h_dst])
    s3 = 1.0 / np.sqrt(2 * D_H)
    W_pred = jax.random.uniform(ks[5], (2 * D_H, D_OUT), jnp.float32, -s3, s3)
    b_pred = jnp.zeros((D_OUT,), jnp.float32)
    return {"x": x, "edge_index": edge_index, "W1_neigh": W1_neigh, "b1": b1,
            "W2_self": W2_self, "W2_neigh": W2_neigh, "b2": b2,
            "W_pred": W_pred, "b_pred": b_pred}


def reference(x, edge_index, W1_neigh, b1, W2_self, W2_neigh, b2, W_pred, b_pred):
    src = edge_index[0]
    dst = edge_index[1]
    n = x.shape[0]
    ones = jnp.ones((src.shape[0],), x.dtype)
    in_deg = jax.ops.segment_sum(ones, dst, num_segments=n)
    # ---- conv1: SAGEConv aggregator_type='gcn' ----
    # h_neigh = (sum_{u in N(v)} x_u + x_v) / (in_deg(v) + 1); rst = fc_neigh(h_neigh)
    agg1 = jax.ops.segment_sum(x[src], dst, num_segments=n)
    h = (agg1 + x) / (in_deg[:, None] + 1.0)
    h = h @ W1_neigh + b1
    h = jax.nn.relu(h)
    # ---- conv2: SAGEConv aggregator_type='mean' ----
    # h_neigh = mean_{u in N(v)} h_u ; rst = fc_self(h_v) + fc_neigh(h_neigh)
    agg2 = jax.ops.segment_sum(h[src], dst, num_segments=n)
    deg_clamped = jnp.maximum(in_deg, 1.0)
    h_neigh = agg2 / deg_clamped[:, None]
    h2 = h @ W2_self + h_neigh @ W2_neigh + b2
    # ---- MLPPredictor: per-edge score = W(cat[h_src, h_dst]) ----
    edge_feat = jnp.concatenate([h2[src], h2[dst]], axis=1)
    score = edge_feat @ W_pred + b_pred
    return score

if __name__ == "__main__":
    import jax
    _d = setup_inputs()
    print(jax.jit(kernel)(*tuple(_d.values())))

</pallas_src>

<mosaic_0001>
#map = affine_map<(d0, d1) -> (0, 0)>
#map1 = affine_map<(d0, d1) -> (0)>
#map2 = affine_map<(d0, d1) -> (0, 0, 0)>
module attributes {stable_mosaic.version = 14 : i64} {
  func.func @sc_seg_sum_deg(%arg0: i32, %arg1: i32, %arg2: memref<20480x64xf32, #tpu.memory_space<hbm>>, %arg3: memref<2x320000xi32, #tpu.memory_space<hbm>>, %arg4: memref<320000xi32, #tpu.memory_space<hbm>>, %arg5: memref<10240x64xf32, #tpu.memory_space<hbm>>, %arg6: memref<10240x8xf32, #tpu.memory_space<hbm>>, %arg7: memref<80x8xf32, #tpu.memory_space<hbm>>, %arg8: memref<2x10240x64xf32, #tpu.memory_space<hbm>>, %arg9: memref<2x10240x8xf32, #tpu.memory_space<hbm>>, %arg10: memref<20000xi32, #tpu.memory_space<vmem>>, %arg11: memref<20000xi32, #tpu.memory_space<vmem>>, %arg12: memref<80x64xf32, #tpu.memory_space<vmem>>, %arg13: memref<80x64xf32, #tpu.memory_space<vmem>>, %arg14: memref<80x64xf32, #tpu.memory_space<vmem>>, %arg15: memref<80x64xf32, #tpu.memory_space<vmem>>, %arg16: memref<80x8xf32, #tpu.memory_space<vmem>>, %arg17: memref<10240x64xf32, #tpu.memory_space<vmem_shared>>, %arg18: memref<10240x8xf32, #tpu.memory_space<vmem_shared>>, %arg19: memref<!tpu.dma_semaphore, #tpu.memory_space<semaphore_mem>>, %arg20: memref<!tpu.dma_semaphore, #tpu.memory_space<semaphore_mem>>, %arg21: memref<!tpu.dma_semaphore, #tpu.memory_space<semaphore_mem>>, %arg22: memref<!tpu.dma_semaphore, #tpu.memory_space<semaphore_mem>>, %arg23: memref<!tpu.dma_semaphore, #tpu.memory_space<semaphore_mem>>, %arg24: memref<!tpu.dma_semaphore, #tpu.memory_space<semaphore_mem>>, %arg25: memref<!tpu.dma_semaphore, #tpu.memory_space<semaphore_mem>>, %arg26: memref<!tpu.dma_semaphore, #tpu.memory_space<semaphore_mem>>, %arg27: memref<!tpu.dma_semaphore, #tpu.memory_space<semaphore_mem>>, %arg28: memref<!tpu.dma_semaphore, #tpu.memory_space<semaphore_mem>>, %arg29: memref<!tpu.dma_semaphore, #tpu.memory_space<semaphore_mem>>, %arg30: memref<!tpu.dma_semaphore, #tpu.memory_space<semaphore_mem>>) attributes {dimension_semantics = [#tpu.dimension_semantics<core_parallel>, #tpu.dimension_semantics<subcore_parallel>], iteration_bounds = array<i64: 2, 16>, scalar_prefetch = 0 : i64, scratch_operands = 21 : i64, tpu.core_type = #tpu.core_type<sc_vector_subcore>, window_params = [{transform_indices = #map}, {transform_indices = #map}, {transform_indices = #map1}, {transform_indices = #map}, {transform_indices = #map}, {transform_indices = #map}, {transform_indices = #map2}, {transform_indices = #map2}]} {
    %mul3A = arith.constant 640 : i32
    %mul3A_0 = arith.muli %arg1, %mul3A : i32
    %mul3A_1 = arith.constant 20000 : i32
    %mul3A_2 = arith.muli %arg1, %mul3A_1 : i32
    "tpu.region"() ({
      %run_scoped3A = tpu.sem_alloc : memref<!tpu.dma_semaphore, #tpu.memory_space<semaphore_mem>>
      %dma_start3A_187 = arith.constant 0 : i32
      %dma_start3A_188 = tpu.memref_slice %arg17[%mul3A_0, %dma_start3A_187] : memref<10240x64xf32, #tpu.memory_space<vmem_shared>> -> memref<640x64xf32, #tpu.memory_space<vmem_shared>>
      %dma_start3A_189 = arith.constant 0 : i32
      %dma_start3A_190 = tpu.memref_slice %arg5[%mul3A_0, %dma_start3A_189] : memref<10240x64xf32, #tpu.memory_space<hbm>> -> memref<640x64xf32, #tpu.memory_space<hbm>>
      tpu.enqueue_dma source(%dma_start3A_190 : memref<640x64xf32, #tpu.memory_space<hbm>>) target(%dma_start3A_188 : memref<640x64xf32, #tpu.memory_space<vmem_shared>>) target_semaphore(%run_scoped3A : memref<!tpu.dma_semaphore, #tpu.memory_space<semaphore_mem>>)
      %dma_wait3A_191 = arith.constant 0 : i32
      %dma_wait3A_192 = tpu.memref_slice %arg17[%mul3A_0, %dma_wait3A_191] : memref<10240x64xf32, #tpu.memory_space<vmem_shared>> -> memref<640x64xf32, #tpu.memory_space<vmem_shared>>
      %dma_wait3A_193 = arith.constant 0 : i32
      %dma_wait3A_194 = tpu.memref_slice %arg5[%mul3A_0, %dma_wait3A_193] : memref<10240x64xf32, #tpu.memory_space<hbm>> -> memref<640x64xf32, #tpu.memory_space<hbm>>
      tpu.wait_dma2 semaphore(%run_scoped3A : memref<!tpu.dma_semaphore, #tpu.memory_space<semaphore_mem>>) src(%dma_wait3A_194 : memref<640x64xf32, #tpu.memory_space<hbm>>) dst(%dma_wait3A_192 : memref<640x64xf32, #tpu.memory_space<vmem_shared>>)
      tpu.yield
    }) : () -> ()
    "tpu.region"() ({
      %run_scoped3A = tpu.sem_alloc : memref<!tpu.dma_semaphore, #tpu.memory_space<semaphore_mem>>
      %dma_start3A_187 = arith.constant 0 : i32
      %dma_start3A_188 = tpu.memref_slice %arg18[%mul3A_0, %dma_start3A_187] : memref<10240x8xf32, #tpu.memory_space<vmem_shared>> -> memref<640x8xf32, #tpu.memory_space<vmem_shared>>
      %dma_start3A_189 = arith.constant 0 : i32
      %dma_start3A_190 = tpu.memref_slice %arg6[%mul3A_0, %dma_start3A_189] : memref<10240x8xf32, #tpu.memory_space<hbm>> -> memref<640x8xf32, #tpu.memory_space<hbm>>
      tpu.enqueue_dma source(%dma_start3A_190 : memref<640x8xf32, #tpu.memory_space<hbm>>) target(%dma_start3A_188 : memref<640x8xf32, #tpu.memory_space<vmem_shared>>) target_semaphore(%run_scoped3A : memref<!tpu.dma_semaphore, #tpu.memory_space<semaphore_mem>>)
      %dma_wait3A_191 = arith.constant 0 : i32
      %dma_wait3A_192 = tpu.memref_slice %arg18[%mul3A_0, %dma_wait3A_191] : memref<10240x8xf32, #tpu.memory_space<vmem_shared>> -> memref<640x8xf32, #tpu.memory_space<vmem_shared>>
      %dma_wait3A_193 = arith.constant 0 : i32
      %dma_wait3A_194 = tpu.memref_slice %arg6[%mul3A_0, %dma_wait3A_193] : memref<10240x8xf32, #tpu.memory_space<hbm>> -> memref<640x8xf32, #tpu.memory_space<hbm>>
      tpu.wait_dma2 semaphore(%run_scoped3A : memref<!tpu.dma_semaphore, #tpu.memory_space<semaphore_mem>>) src(%dma_wait3A_194 : memref<640x8xf32, #tpu.memory_space<hbm>>) dst(%dma_wait3A_192 : memref<640x8xf32, #tpu.memory_space<vmem_shared>>)
      tpu.yield
    }) : () -> ()
    "tpu.region"() ({
      %run_scoped3A = tpu.sem_alloc : memref<!tpu.dma_semaphore, #tpu.memory_space<semaphore_mem>>
      tpu.enqueue_dma source(%arg7 : memref<80x8xf32, #tpu.memory_space<hbm>>) target(%arg16 : memref<80x8xf32, #tpu.memory_space<vmem>>) target_semaphore(%run_scoped3A : memref<!tpu.dma_semaphore, #tpu.memory_space<semaphore_mem>>)
      tpu.wait_dma2 semaphore(%run_scoped3A : memref<!tpu.dma_semaphore, #tpu.memory_space<semaphore_mem>>) src(%arg7 : memref<80x8xf32, #tpu.memory_space<hbm>>) dst(%arg16 : memref<80x8xf32, #tpu.memory_space<vmem>>)
      tpu.yield
    }) : () -> ()
    "tpu.region"() ({
      %run_scoped3A = tpu.sem_alloc : memref<!tpu.dma_semaphore, #tpu.memory_space<semaphore_mem>>
      %dma_start3A_187 = tpu.memref_slice %arg3[%arg0, %mul3A_2] : memref<2x320000xi32, #tpu.memory_space<hbm>> -> memref<1x20000xi32, #tpu.memory_space<hbm>>
      %dma_start3A_188 = tpu.memref_squeeze %dma_start3A_187 : memref<1x20000xi32, #tpu.memory_space<hbm>> -> memref<20000xi32, #tpu.memory_space<hbm>>
      %dma_start3A_189 = tpu.memref_slice %arg3[%arg0, %mul3A_2] : memref<2x320000xi32, #tpu.memory_space<hbm>> -> memref<1x20000xi32, #tpu.memory_space<hbm>>
      %dma_start3A_190 = tpu.memref_squeeze %dma_start3A_189 : memref<1x20000xi32, #tpu.memory_space<hbm>> -> memref<20000xi32, #tpu.memory_space<hbm>>
      tpu.enqueue_dma source(%dma_start3A_190 : memref<20000xi32, #tpu.memory_space<hbm>>) target(%arg10 : memref<20000xi32, #tpu.memory_space<vmem>>) target_semaphore(%run_scoped3A : memref<!tpu.dma_semaphore, #tpu.memory_space<semaphore_mem>>)
      %dma_wait3A_191 = tpu.memref_slice %arg3[%arg0, %mul3A_2] : memref<2x320000xi32, #tpu.memory_space<hbm>> -> memref<1x20000xi32, #tpu.memory_space<hbm>>
      %dma_wait3A_192 = tpu.memref_squeeze %dma_wait3A_191 : memref<1x20000xi32, #tpu.memory_space<hbm>> -> memref<20000xi32, #tpu.memory_space<hbm>>
      %dma_wait3A_193 = tpu.memref_slice %arg3[%arg0, %mul3A_2] : memref<2x320000xi32, #tpu.memory_space<hbm>> -> memref<1x20000xi32, #tpu.memory_space<hbm>>
      %dma_wait3A_194 = tpu.memref_squeeze %dma_wait3A_193 : memref<1x20000xi32, #tpu.memory_space<hbm>> -> memref<20000xi32, #tpu.memory_space<hbm>>
      tpu.wait_dma2 semaphore(%run_scoped3A : memref<!tpu.dma_semaphore, #tpu.memory_space<semaphore_mem>>) src(%dma_wait3A_194 : memref<20000xi32, #tpu.memory_space<hbm>>) dst(%arg10 : memref<20000xi32, #tpu.memory_space<vmem>>)
      tpu.yield
    }) : () -> ()
    "tpu.region"() ({
      %run_scoped3A = tpu.sem_alloc : memref<!tpu.dma_semaphore, #tpu.memory_space<semaphore_mem>>
      %dma_start3A_187 = tpu.memref_slice %arg4[%mul3A_2] : memref<320000xi32, #tpu.memory_space<hbm>> -> memref<20000xi32, #tpu.memory_space<hbm>>
      %dma_start3A_188 = tpu.memref_slice %arg4[%mul3A_2] : memref<320000xi32, #tpu.memory_space<hbm>> -> memref<20000xi32, #tpu.memory_space<hbm>>
      tpu.enqueue_dma source(%dma_start3A_188 : memref<20000xi32, #tpu.memory_space<hbm>>) target(%arg11 : memref<20000xi32, #tpu.memory_space<vmem>>) target_semaphore(%run_scoped3A : memref<!tpu.dma_semaphore, #tpu.memory_space<semaphore_mem>>)
      %dma_wait3A_189 = tpu.memref_slice %arg4[%mul3A_2] : memref<320000xi32, #tpu.memory_space<hbm>> -> memref<20000xi32, #tpu.memory_space<hbm>>
      %dma_wait3A_190 = tpu.memref_slice %arg4[%mul3A_2] : memref<320000xi32, #tpu.memory_space<hbm>> -> memref<20000xi32, #tpu.memory_space<hbm>>
      tpu.wait_dma2 semaphore(%run_scoped3A : memref<!tpu.dma_semaphore, #tpu.memory_space<semaphore_mem>>) src(%dma_wait3A_190 : memref<20000xi32, #tpu.memory_space<hbm>>) dst(%arg11 : memref<20000xi32, #tpu.memory_space<vmem>>)
      tpu.yield
    }) : () -> ()
    %barrier3A = arith.constant 0 : index
    tpu.barrier barrier_id(%barrier3A)
    %dma_start3A = arith.constant 0 : i32
    %dma_start3A_3 = tpu.memref_slice %arg10[%dma_start3A] : memref<20000xi32, #tpu.memory_space<vmem>> -> memref<80xi32, #tpu.memory_space<vmem>>
    %dma_start3A_4 = arith.constant 0 : i32
    %dma_start3A_5 = arith.constant 0 : i32
    %dma_start3A_6 = tpu.memref_slice %arg2[%dma_start3A_4, %dma_start3A_5] : memref<20480x64xf32, #tpu.memory_space<hbm>> -> memref<20480x64xf32, #tpu.memory_space<hbm>>
    tpu.enqueue_indirect_dma source(%dma_start3A_6 : memref<20480x64xf32, #tpu.memory_space<hbm>>) target(%arg12 : memref<80x64xf32, #tpu.memory_space<vmem>>) offsets(%dma_start3A_3 : memref<80xi32, #tpu.memory_space<vmem>>) semaphore(%arg19 : memref<!tpu.dma_semaphore, #tpu.memory_space<semaphore_mem>>)
    %dma_start3A_7 = arith.constant 80 : i32
    %dma_start3A_8 = tpu.memref_slice %arg10[%dma_start3A_7] : memref<20000xi32, #tpu.memory_space<vmem>> -> memref<80xi32, #tpu.memory_space<vmem>>
    %dma_start3A_9 = arith.constant 0 : i32
    %dma_start3A_10 = arith.constant 0 : i32
    %dma_start3A_11 = tpu.memref_slice %arg2[%dma_start3A_9, %dma_start3A_10] : memref<20480x64xf32, #tpu.memory_space<hbm>> -> memref<20480x64xf32, #tpu.memory_space<hbm>>
    tpu.enqueue_indirect_dma source(%dma_start3A_11 : memref<20480x64xf32, #tpu.memory_space<hbm>>) target(%arg13 : memref<80x64xf32, #tpu.memory_space<vmem>>) offsets(%dma_start3A_8 : memref<80xi32, #tpu.memory_space<vmem>>) semaphore(%arg20 : memref<!tpu.dma_semaphore, #tpu.memory_space<semaphore_mem>>)
    %dma_start3A_12 = arith.constant 160 : i32
    %dma_start3A_13 = tpu.memref_slice %arg10[%dma_start3A_12] : memref<20000xi32, #tpu.memory_space<vmem>> -> memref<80xi32, #tpu.memory_space<vmem>>
    %dma_start3A_14 = arith.constant 0 : i32
    %dma_start3A_15 = arith.constant 0 : i32
    %dma_start3A_16 = tpu.memref_slice %arg2[%dma_start3A_14, %dma_start3A_15] : memref<20480x64xf32, #tpu.memory_space<hbm>> -> memref<20480x64xf32, #tpu.memory_space<hbm>>
    tpu.enqueue_indirect_dma source(%dma_start3A_16 : memref<20480x64xf32, #tpu.memory_space<hbm>>) target(%arg14 : memref<80x64xf32, #tpu.memory_space<vmem>>) offsets(%dma_start3A_13 : memref<80xi32, #tpu.memory_space<vmem>>) semaphore(%arg21 : memref<!tpu.dma_semaphore, #tpu.memory_space<semaphore_mem>>)
    %dma_start3A_17 = arith.constant 240 : i32
    %dma_start3A_18 = tpu.memref_slice %arg10[%dma_start3A_17] : memref<20000xi32, #tpu.memory_space<vmem>> -> memref<80xi32, #tpu.memory_space<vmem>>
    %dma_start3A_19 = arith.constant 0 : i32
    %dma_start3A_20 = arith.constant 0 : i32
    %dma_start3A_21 = tpu.memref_slice %arg2[%dma_start3A_19, %dma_start3A_20] : memref<20480x64xf32, #tpu.memory_space<hbm>> -> memref<20480x64xf32, #tpu.memory_space<hbm>>
    tpu.enqueue_indirect_dma source(%dma_start3A_21 : memref<20480x64xf32, #tpu.memory_space<hbm>>) target(%arg15 : memref<80x64xf32, #tpu.memory_space<vmem>>) offsets(%dma_start3A_18 : memref<80xi32, #tpu.memory_space<vmem>>) semaphore(%arg22 : memref<!tpu.dma_semaphore, #tpu.memory_space<semaphore_mem>>)
    %scan3A = arith.constant 0 : i32
    %scan3A_22 = arith.constant 0 : i32
    %scan3A_23 = arith.constant 61 : i32
    %scan3A_24 = arith.addi %scan3A_22, %scan3A_23 : i32
    %scan3A_25 = arith.constant 1 : i32
    scf.for %scan3A_187 = %scan3A_22 to %scan3A_24 step %scan3A_25  : i32 {
      %mul3A_188 = arith.constant 4 : i32
      %mul3A_189 = arith.muli %scan3A_187, %mul3A_188 : i32
      %add3A = arith.constant 0 : i32
      %add3A_190 = arith.addi %mul3A_189, %add3A : i32
      %mul3A_191 = arith.constant 80 : i32
      %mul3A_192 = arith.muli %add3A_190, %mul3A_191 : i32
      %mul3A_193 = arith.constant 80 : i32
      %mul3A_194 = arith.muli %add3A_190, %mul3A_193 : i32
      %dma_wait3A_195 = tpu.memref_slice %arg10[%mul3A_194] : memref<20000xi32, #tpu.memory_space<vmem>> -> memref<80xi32, #tpu.memory_space<vmem>>
      %dma_wait3A_196 = arith.constant 0 : i32
      %dma_wait3A_197 = arith.constant 0 : i32
      %dma_wait3A_198 = tpu.memref_slice %arg2[%dma_wait3A_196, %dma_wait3A_197] : memref<20480x64xf32, #tpu.memory_space<hbm>> -> memref<20480x64xf32, #tpu.memory_space<hbm>>
      tpu.wait_indirect_dma semaphore(%arg19 : memref<!tpu.dma_semaphore, #tpu.memory_space<semaphore_mem>>) src(%dma_wait3A_198 : memref<20480x64xf32, #tpu.memory_space<hbm>>) dst(%arg12 : memref<80x64xf32, #tpu.memory_space<vmem>>)
      %dma_start3A_199 = tpu.memref_slice %arg11[%mul3A_192] : memref<20000xi32, #tpu.memory_space<vmem>> -> memref<80xi32, #tpu.memory_space<vmem>>
      %dma_start3A_200 = arith.constant 0 : i32
      %dma_start3A_201 = arith.constant 0 : i32
      %dma_start3A_202 = tpu.memref_slice %arg17[%dma_start3A_200, %dma_start3A_201] : memref<10240x64xf32, #tpu.memory_space<vmem_shared>> -> memref<10240x64xf32, #tpu.memory_space<vmem_shared>>
      tpu.enqueue_indirect_dma source(%arg12 : memref<80x64xf32, #tpu.memory_space<vmem>>) target(%dma_start3A_202 : memref<10240x64xf32, #tpu.memory_space<vmem_shared>>) offsets(%dma_start3A_199 : memref<80xi32, #tpu.memory_space<vmem>>) semaphore(%arg23 : memref<!tpu.dma_semaphore, #tpu.memory_space<semaphore_mem>>) {add = true}
      %dma_start3A_203 = tpu.memref_slice %arg11[%mul3A_192] : memref<20000xi32, #tpu.memory_space<vmem>> -> memref<80xi32, #tpu.memory_space<vmem>>
      %dma_start3A_204 = arith.constant 0 : i32
      %dma_start3A_205 = arith.constant 0 : i32
      %dma_start3A_206 = tpu.memref_slice %arg18[%dma_start3A_204, %dma_start3A_205] : memref<10240x8xf32, #tpu.memory_space<vmem_shared>> -> memref<10240x8xf32, #tpu.memory_space<vmem_shared>>
      tpu.enqueue_indirect_dma source(%arg16 : memref<80x8xf32, #tpu.memory_space<vmem>>) target(%dma_start3A_206 : memref<10240x8xf32, #tpu.memory_space<vmem_shared>>) offsets(%dma_start3A_203 : memref<80xi32, #tpu.memory_space<vmem>>) semaphore(%arg27 : memref<!tpu.dma_semaphore, #tpu.memory_space<semaphore_mem>>) {add = true}
      %add3A_207 = arith.constant 1 : i32
      %add3A_208 = arith.addi %mul3A_189, %add3A_207 : i32
      %mul3A_209 = arith.constant 80 : i32
      %mul3A_210 = arith.muli %add3A_208, %mul3A_209 : i32
      %mul3A_211 = arith.constant 80 : i32
      %mul3A_212 = arith.muli %add3A_208, %mul3A_211 : i32
      %dma_wait3A_213 = tpu.memref_slice %arg10[%mul3A_212] : memref<20000xi32, #tpu.memory_space<vmem>> -> memref<80xi32, #tpu.memory_space<vmem>>
      %dma_wait3A_214 = arith.constant 0 : i32
      %dma_wait3A_215 = arith.constant 0 : i32
      %dma_wait3A_216 = tpu.memref_slice %arg2[%dma_wait3A_214, %dma_wait3A_215] : memref<20480x64xf32, #tpu.memory_space<hbm>> -> memref<20480x64xf32, #tpu.memory_space<hbm>>
      tpu.wait_indirect_dma semaphore(%arg20 : memref<!tpu.dma_semaphore, #tpu.memory_space<semaphore_mem>>) src(%dma_wait3A_216 : memref<20480x64xf32, #tpu.memory_space<hbm>>) dst(%arg13 : memref<80x64xf32, #tpu.memory_space<vmem>>)
      %dma_start3A_217 = tpu.memref_slice %arg11[%mul3A_210] : memref<20000xi32, #tpu.memory_space<vmem>> -> memref<80xi32, #tpu.memory_space<vmem>>
      %dma_start3A_218 = arith.constant 0 : i32
      %dma_start3A_219 = arith.constant 0 : i32
      %dma_start3A_220 = tpu.memref_slice %arg17[%dma_start3A_218, %dma_start3A_219] : memref<10240x64xf32, #tpu.memory_space<vmem_shared>> -> memref<10240x64xf32, #tpu.memory_space<vmem_shared>>
      tpu.enqueue_indirect_dma source(%arg13 : memref<80x64xf32, #tpu.memory_space<vmem>>) target(%dma_start3A_220 : memref<10240x64xf32, #tpu.memory_space<vmem_shared>>) offsets(%dma_start3A_217 : memref<80xi32, #tpu.memory_space<vmem>>) semaphore(%arg24 : memref<!tpu.dma_semaphore, #tpu.memory_space<semaphore_mem>>) {add = true}
      %dma_start3A_221 = tpu.memref_slice %arg11[%mul3A_210] : memref<20000xi32, #tpu.memory_space<vmem>> -> memref<80xi32, #tpu.memory_space<vmem>>
      %dma_start3A_222 = arith.constant 0 : i32
      %dma_start3A_223 = arith.constant 0 : i32
      %dma_start3A_224 = tpu.memref_slice %arg18[%dma_start3A_222, %dma_start3A_223] : memref<10240x8xf32, #tpu.memory_space<vmem_shared>> -> memref<10240x8xf32, #tpu.memory_space<vmem_shared>>
      tpu.enqueue_indirect_dma source(%arg16 : memref<80x8xf32, #tpu.memory_space<vmem>>) target(%dma_start3A_224 : memref<10240x8xf32, #tpu.memory_space<vmem_shared>>) offsets(%dma_start3A_221 : memref<80xi32, #tpu.memory_space<vmem>>) semaphore(%arg28 : memref<!tpu.dma_semaphore, #tpu.memory_space<semaphore_mem>>) {add = true}
      %add3A_225 = arith.constant 2 : i32
      %add3A_226 = arith.addi %mul3A_189, %add3A_225 : i32
      %mul3A_227 = arith.constant 80 : i32
      %mul3A_228 = arith.muli %add3A_226, %mul3A_227 : i32
      %mul3A_229 = arith.constant 80 : i32
      %mul3A_230 = arith.muli %add3A_226, %mul3A_229 : i32
      %dma_wait3A_231 = tpu.memref_slice %arg10[%mul3A_230] : memref<20000xi32, #tpu.memory_space<vmem>> -> memref<80xi32, #tpu.memory_space<vmem>>
      %dma_wait3A_232 = arith.constant 0 : i32
      %dma_wait3A_233 = arith.constant 0 : i32
      %dma_wait3A_234 = tpu.memref_slice %arg2[%dma_wait3A_232, %dma_wait3A_233] : memref<20480x64xf32, #tpu.memory_space<hbm>> -> memref<20480x64xf32, #tpu.memory_space<hbm>>
      tpu.wait_indirect_dma semaphore(%arg21 : memref<!tpu.dma_semaphore, #tpu.memory_space<semaphore_mem>>) src(%dma_wait3A_234 : memref<20480x64xf32, #tpu.memory_space<hbm>>) dst(%arg14 : memref<80x64xf32, #tpu.memory_space<vmem>>)
      %dma_start3A_235 = tpu.memref_slice %arg11[%mul3A_228] : memref<20000xi32, #tpu.memory_space<vmem>> -> memref<80xi32, #tpu.memory_space<vmem>>
      %dma_start3A_236 = arith.constant 0 : i32
      %dma_start3A_237 = arith.constant 0 : i32
      %dma_start3A_238 = tpu.memref_slice %arg17[%dma_start3A_236, %dma_start3A_237] : memref<10240x64xf32, #tpu.memory_space<vmem_shared>> -> memref<10240x64xf32, #tpu.memory_space<vmem_shared>>
      tpu.enqueue_indirect_dma source(%arg14 : memref<80x64xf32, #tpu.memory_space<vmem>>) target(%dma_start3A_238 : memref<10240x64xf32, #tpu.memory_space<vmem_shared>>) offsets(%dma_start3A_235 : memref<80xi32, #tpu.memory_space<vmem>>) semaphore(%arg25 : memref<!tpu.dma_semaphore, #tpu.memory_space<semaphore_mem>>) {add = true}
      %dma_start3A_239 = tpu.memref_slice %arg11[%mul3A_228] : memref<20000xi32, #tpu.memory_space<vmem>> -> memref<80xi32, #tpu.memory_space<vmem>>
      %dma_start3A_240 = arith.constant 0 : i32
      %dma_start3A_241 = arith.constant 0 : i32
      %dma_start3A_242 = tpu.memref_slice %arg18[%dma_start3A_240, %dma_start3A_241] : memref<10240x8xf32, #tpu.memory_space<vmem_shared>> -> memref<10240x8xf32, #tpu.memory_space<vmem_shared>>
      tpu.enqueue_indirect_dma source(%arg16 : memref<80x8xf32, #tpu.memory_space<vmem>>) target(%dma_start3A_242 : memref<10240x8xf32, #tpu.memory_space<vmem_shared>>) offsets(%dma_start3A_239 : memref<80xi32, #tpu.memory_space<vmem>>) semaphore(%arg29 : memref<!tpu.dma_semaphore, #tpu.memory_space<semaphore_mem>>) {add = true}
      %add3A_243 = arith.constant 3 : i32
      %add3A_244 = arith.addi %mul3A_189, %add3A_243 : i32
      %mul3A_245 = arith.constant 80 : i32
      %mul3A_246 = arith.muli %add3A_244, %mul3A_245 : i32
      %mul3A_247 = arith.constant 80 : i32
      %mul3A_248 = arith.muli %add3A_244, %mul3A_247 : i32
      %dma_wait3A_249 = tpu.memref_slice %arg10[%mul3A_248] : memref<20000xi32, #tpu.memory_space<vmem>> -> memref<80xi32, #tpu.memory_space<vmem>>
      %dma_wait3A_250 = arith.constant 0 : i32
      %dma_wait3A_251 = arith.constant 0 : i32
      %dma_wait3A_252 = tpu.memref_slice %arg2[%dma_wait3A_250, %dma_wait3A_251] : memref<20480x64xf32, #tpu.memory_space<hbm>> -> memref<20480x64xf32, #tpu.memory_space<hbm>>
      tpu.wait_indirect_dma semaphore(%arg22 : memref<!tpu.dma_semaphore, #tpu.memory_space<semaphore_mem>>) src(%dma_wait3A_252 : memref<20480x64xf32, #tpu.memory_space<hbm>>) dst(%arg15 : memref<80x64xf32, #tpu.memory_space<vmem>>)
      %dma_start3A_253 = tpu.memref_slice %arg11[%mul3A_246] : memref<20000xi32, #tpu.memory_space<vmem>> -> memref<80xi32, #tpu.memory_space<vmem>>
      %dma_start3A_254 = arith.constant 0 : i32
      %dma_start3A_255 = arith.constant 0 : i32
      %dma_start3A_256 = tpu.memref_slice %arg17[%dma_start3A_254, %dma_start3A_255] : memref<10240x64xf32, #tpu.memory_space<vmem_shared>> -> memref<10240x64xf32, #tpu.memory_space<vmem_shared>>
      tpu.enqueue_indirect_dma source(%arg15 : memref<80x64xf32, #tpu.memory_space<vmem>>) target(%dma_start3A_256 : memref<10240x64xf32, #tpu.memory_space<vmem_shared>>) offsets(%dma_start3A_253 : memref<80xi32, #tpu.memory_space<vmem>>) semaphore(%arg26 : memref<!tpu.dma_semaphore, #tpu.memory_space<semaphore_mem>>) {add = true}
      %dma_start3A_257 = tpu.memref_slice %arg11[%mul3A_246] : memref<20000xi32, #tpu.memory_space<vmem>> -> memref<80xi32, #tpu.memory_space<vmem>>
      %dma_start3A_258 = arith.constant 0 : i32
      %dma_start3A_259 = arith.constant 0 : i32
      %dma_start3A_260 = tpu.memref_slice %arg18[%dma_start3A_258, %dma_start3A_259] : memref<10240x8xf32, #tpu.memory_space<vmem_shared>> -> memref<10240x8xf32, #tpu.memory_space<vmem_shared>>
      tpu.enqueue_indirect_dma source(%arg16 : memref<80x8xf32, #tpu.memory_space<vmem>>) target(%dma_start3A_260 : memref<10240x8xf32, #tpu.memory_space<vmem_shared>>) offsets(%dma_start3A_257 : memref<80xi32, #tpu.memory_space<vmem>>) semaphore(%arg30 : memref<!tpu.dma_semaphore, #tpu.memory_space<semaphore_mem>>) {add = true}
      %add3A_261 = arith.constant 0 : i32
      %add3A_262 = arith.addi %mul3A_189, %add3A_261 : i32
      %mul3A_263 = arith.constant 80 : i32
      %mul3A_264 = arith.muli %add3A_262, %mul3A_263 : i32
      %dma_wait3A_265 = tpu.memref_slice %arg11[%mul3A_264] : memref<20000xi32, #tpu.memory_space<vmem>> -> memref<80xi32, #tpu.memory_space<vmem>>
      %dma_wait3A_266 = arith.constant 0 : i32
      %dma_wait3A_267 = arith.constant 0 : i32
      %dma_wait3A_268 = tpu.memref_slice %arg17[%dma_wait3A_266, %dma_wait3A_267] : memref<10240x64xf32, #tpu.memory_space<vmem_shared>> -> memref<10240x64xf32, #tpu.memory_space<vmem_shared>>
      tpu.wait_indirect_dma semaphore(%arg23 : memref<!tpu.dma_semaphore, #tpu.memory_space<semaphore_mem>>) src(%arg12 : memref<80x64xf32, #tpu.memory_space<vmem>>) dst(%dma_wait3A_268 : memref<10240x64xf32, #tpu.memory_space<vmem_shared>>)
      %dma_wait3A_269 = tpu.memref_slice %arg11[%mul3A_264] : memref<20000xi32, #tpu.memory_space<vmem>> -> memref<80xi32, #tpu.memory_space<vmem>>
      %dma_wait3A_270 = arith.constant 0 : i32
      %dma_wait3A_271 = arith.constant 0 : i32
      %dma_wait3A_272 = tpu.memref_slice %arg18[%dma_wait3A_270, %dma_wait3A_271] : memref<10240x8xf32, #tpu.memory_space<vmem_shared>> -> memref<10240x8xf32, #tpu.memory_space<vmem_shared>>
      tpu.wait_indirect_dma semaphore(%arg27 : memref<!tpu.dma_semaphore, #tpu.memory_space<semaphore_mem>>) src(%arg16 : memref<80x8xf32, #tpu.memory_space<vmem>>) dst(%dma_wait3A_272 : memref<10240x8xf32, #tpu.memory_space<vmem_shared>>)
      %add3A_273 = arith.constant 4 : i32
      %add3A_274 = arith.addi %mul3A_189, %add3A_273 : i32
      %add3A_275 = arith.constant 0 : i32
      %add3A_276 = arith.addi %add3A_274, %add3A_275 : i32
      %mul3A_277 = arith.constant 80 : i32
      %mul3A_278 = arith.muli %add3A_276, %mul3A_277 : i32
      %dma_start3A_279 = tpu.memref_slice %arg10[%mul3A_278] : memref<20000xi32, #tpu.memory_space<vmem>> -> memref<80xi32, #tpu.memory_space<vmem>>
      %dma_start3A_280 = arith.constant 0 : i32
      %dma_start3A_281 = arith.constant 0 : i32
      %dma_start3A_282 = tpu.memref_slice %arg2[%dma_start3A_280, %dma_start3A_281] : memref<20480x64xf32, #tpu.memory_space<hbm>> -> memref<20480x64xf32, #tpu.memory_space<hbm>>
      tpu.enqueue_indirect_dma source(%dma_start3A_282 : memref<20480x64xf32, #tpu.memory_space<hbm>>) target(%arg12 : memref<80x64xf32, #tpu.memory_space<vmem>>) offsets(%dma_start3A_279 : memref<80xi32, #tpu.memory_space<vmem>>) semaphore(%arg19 : memref<!tpu.dma_semaphore, #tpu.memory_space<semaphore_mem>>)
      %add3A_283 = arith.constant 1 : i32
      %add3A_284 = arith.addi %mul3A_189, %add3A_283 : i32
      %mul3A_285 = arith.constant 80 : i32
      %mul3A_286 = arith.muli %add3A_284, %mul3A_285 : i32
      %dma_wait3A_287 = tpu.memref_slice %arg11[%mul3A_286] : memref<20000xi32, #tpu.memory_space<vmem>> -> memref<80xi32, #tpu.memory_space<vmem>>
      %dma_wait3A_288 = arith.constant 0 : i32
      %dma_wait3A_289 = arith.constant 0 : i32
      %dma_wait3A_290 = tpu.memref_slice %arg17[%dma_wait3A_288, %dma_wait3A_289] : memref<10240x64xf32, #tpu.memory_space<vmem_shared>> -> memref<10240x64xf32, #tpu.memory_space<vmem_shared>>
      tpu.wait_indirect_dma semaphore(%arg24 : memref<!tpu.dma_semaphore, #tpu.memory_space<semaphore_mem>>) src(%arg13 : memref<80x64xf32, #tpu.memory_space<vmem>>) dst(%dma_wait3A_290 : memref<10240x64xf32, #tpu.memory_space<vmem_shared>>)
      %dma_wait3A_291 = tpu.memref_slice %arg11[%mul3A_286] : memref<20000xi32, #tpu.memory_space<vmem>> -> memref<80xi32, #tpu.memory_space<vmem>>
      %dma_wait3A_292 = arith.constant 0 : i32
      %dma_wait3A_293 = arith.constant 0 : i32
      %dma_wait3A_294 = tpu.memref_slice %arg18[%dma_wait3A_292, %dma_wait3A_293] : memref<10240x8xf32, #tpu.memory_space<vmem_shared>> -> memref<10240x8xf32, #tpu.memory_space<vmem_shared>>
      tpu.wait_indirect_dma semaphore(%arg28 : memref<!tpu.dma_semaphore, #tpu.memory_space<semaphore_mem>>) src(%arg16 : memref<80x8xf32, #tpu.memory_space<vmem>>) dst(%dma_wait3A_294 : memref<10240x8xf32, #tpu.memory_space<vmem_shared>>)
      %add3A_295 = arith.constant 4 : i32
      %add3A_296 = arith.addi %mul3A_189, %add3A_295 : i32
      %add3A_297 = arith.constant 1 : i32
      %add3A_298 = arith.addi %add3A_296, %add3A_297 : i32
      %mul3A_299 = arith.constant 80 : i32
      %mul3A_300 = arith.muli %add3A_298, %mul3A_299 : i32
      %dma_start3A_301 = tpu.memref_slice %arg10[%mul3A_300] : memref<20000xi32, #tpu.memory_space<vmem>> -> memref<80xi32, #tpu.memory_space<vmem>>
      %dma_start3A_302 = arith.constant 0 : i32
      %dma_start3A_303 = arith.constant 0 : i32
      %dma_start3A_304 = tpu.memref_slice %arg2[%dma_start3A_302, %dma_start3A_303] : memref<20480x64xf32, #tpu.memory_space<hbm>> -> memref<20480x64xf32, #tpu.memory_space<hbm>>
      tpu.enqueue_indirect_dma source(%dma_start3A_304 : memref<20480x64xf32, #tpu.memory_space<hbm>>) target(%arg13 : memref<80x64xf32, #tpu.memory_space<vmem>>) offsets(%dma_start3A_301 : memref<80xi32, #tpu.memory_space<vmem>>) semaphore(%arg20 : memref<!tpu.dma_semaphore, #tpu.memory_space<semaphore_mem>>)
      %add3A_305 = arith.constant 2 : i32
      %add3A_306 = arith.addi %mul3A_189, %add3A_305 : i32
      %mul3A_307 = arith.constant 80 : i32
      %mul3A_308 = arith.muli %add3A_306, %mul3A_307 : i32
      %dma_wait3A_309 = tpu.memref_slice %arg11[%mul3A_308] : memref<20000xi32, #tpu.memory_space<vmem>> -> memref<80xi32, #tpu.memory_space<vmem>>
      %dma_wait3A_310 = arith.constant 0 : i32
      %dma_wait3A_311 = arith.constant 0 : i32
      %dma_wait3A_312 = tpu.memref_slice %arg17[%dma_wait3A_310, %dma_wait3A_311] : memref<10240x64xf32, #tpu.memory_space<vmem_shared>> -> memref<10240x64xf32, #tpu.memory_space<vmem_shared>>
      tpu.wait_indirect_dma semaphore(%arg25 : memref<!tpu.dma_semaphore, #tpu.memory_space<semaphore_mem>>) src(%arg14 : memref<80x64xf32, #tpu.memory_space<vmem>>) dst(%dma_wait3A_312 : memref<10240x64xf32, #tpu.memory_space<vmem_shared>>)
      %dma_wait3A_313 = tpu.memref_slice %arg11[%mul3A_308] : memref<20000xi32, #tpu.memory_space<vmem>> -> memref<80xi32, #tpu.memory_space<vmem>>
      %dma_wait3A_314 = arith.constant 0 : i32
      %dma_wait3A_315 = arith.constant 0 : i32
      %dma_wait3A_316 = tpu.memref_slice %arg18[%dma_wait3A_314, %dma_wait3A_315] : memref<10240x8xf32, #tpu.memory_space<vmem_shared>> -> memref<10240x8xf32, #tpu.memory_space<vmem_shared>>
      tpu.wait_indirect_dma semaphore(%arg29 : memref<!tpu.dma_semaphore, #tpu.memory_space<semaphore_mem>>) src(%arg16 : memref<80x8xf32, #tpu.memory_space<vmem>>) dst(%dma_wait3A_316 : memref<10240x8xf32, #tpu.memory_space<vmem_shared>>)
      %add3A_317 = arith.constant 4 : i32
      %add3A_318 = arith.addi %mul3A_189, %add3A_317 : i32
      %add3A_319 = arith.constant 2 : i32
      %add3A_320 = arith.addi %add3A_318, %add3A_319 : i32
      %mul3A_321 = arith.constant 80 : i32
      %mul3A_322 = arith.muli %add3A_320, %mul3A_321 : i32
      %dma_start3A_323 = tpu.memref_slice %arg10[%mul3A_322] : memref<20000xi32, #tpu.memory_space<vmem>> -> memref<80xi32, #tpu.memory_space<vmem>>
      %dma_start3A_324 = arith.constant 0 : i32
      %dma_start3A_325 = arith.constant 0 : i32
      %dma_start3A_326 = tpu.memref_slice %arg2[%dma_start3A_324, %dma_start3A_325] : memref<20480x64xf32, #tpu.memory_space<hbm>> -> memref<20480x64xf32, #tpu.memory_space<hbm>>
      tpu.enqueue_indirect_dma source(%dma_start3A_326 : memref<20480x64xf32, #tpu.memory_space<hbm>>) target(%arg14 : memref<80x64xf32, #tpu.memory_space<vmem>>) offsets(%dma_start3A_323 : memref<80xi32, #tpu.memory_space<vmem>>) semaphore(%arg21 : memref<!tpu.dma_semaphore, #tpu.memory_space<semaphore_mem>>)
      %add3A_327 = arith.constant 3 : i32
      %add3A_328 = arith.addi %mul3A_189, %add3A_327 : i32
      %mul3A_329 = arith.constant 80 : i32
      %mul3A_330 = arith.muli %add3A_328, %mul3A_329 : i32
      %dma_wait3A_331 = tpu.memref_slice %arg11[%mul3A_330] : memref<20000xi32, #tpu.memory_space<vmem>> -> memref<80xi32, #tpu.memory_space<vmem>>
      %dma_wait3A_332 = arith.constant 0 : i32
      %dma_wait3A_333 = arith.constant 0 : i32
      %dma_wait3A_334 = tpu.memref_slice %arg17[%dma_wait3A_332, %dma_wait3A_333] : memref<10240x64xf32, #tpu.memory_space<vmem_shared>> -> memref<10240x64xf32, #tpu.memory_space<vmem_shared>>
      tpu.wait_indirect_dma semaphore(%arg26 : memref<!tpu.dma_semaphore, #tpu.memory_space<semaphore_mem>>) src(%arg15 : memref<80x64xf32, #tpu.memory_space<vmem>>) dst(%dma_wait3A_334 : memref<10240x64xf32, #tpu.memory_space<vmem_shared>>)
      %dma_wait3A_335 = tpu.memref_slice %arg11[%mul3A_330] : memref<20000xi32, #tpu.memory_space<vmem>> -> memref<80xi32, #tpu.memory_space<vmem>>
      %dma_wait3A_336 = arith.constant 0 : i32
      %dma_wait3A_337 = arith.constant 0 : i32
      %dma_wait3A_338 = tpu.memref_slice %arg18[%dma_wait3A_336, %dma_wait3A_337] : memref<10240x8xf32, #tpu.memory_space<vmem_shared>> -> memref<10240x8xf32, #tpu.memory_space<vmem_shared>>
      tpu.wait_indirect_dma semaphore(%arg30 : memref<!tpu.dma_semaphore, #tpu.memory_space<semaphore_mem>>) src(%arg16 : memref<80x8xf32, #tpu.memory_space<vmem>>) dst(%dma_wait3A_338 : memref<10240x8xf32, #tpu.memory_space<vmem_shared>>)
      %add3A_339 = arith.constant 4 : i32
      %add3A_340 = arith.addi %mul3A_189, %add3A_339 : i32
      %add3A_341 = arith.constant 3 : i32
      %add3A_342 = arith.addi %add3A_340, %add3A_341 : i32
      %mul3A_343 = arith.constant 80 : i32
      %mul3A_344 = arith.muli %add3A_342, %mul3A_343 : i32
      %dma_start3A_345 = tpu.memref_slice %arg10[%mul3A_344] : memref<20000xi32, #tpu.memory_space<vmem>> -> memref<80xi32, #tpu.memory_space<vmem>>
      %dma_start3A_346 = arith.constant 0 : i32
      %dma_start3A_347 = arith.constant 0 : i32
      %dma_start3A_348 = tpu.memref_slice %arg2[%dma_start3A_346, %dma_start3A_347] : memref<20480x64xf32, #tpu.memory_space<hbm>> -> memref<20480x64xf32, #tpu.memory_space<hbm>>
      tpu.enqueue_indirect_dma source(%dma_start3A_348 : memref<20480x64xf32, #tpu.memory_space<hbm>>) target(%arg15 : memref<80x64xf32, #tpu.memory_space<vmem>>) offsets(%dma_start3A_345 : memref<80xi32, #tpu.memory_space<vmem>>) semaphore(%arg22 : memref<!tpu.dma_semaphore, #tpu.memory_space<semaphore_mem>>)
    }
    %scan3A_26 = arith.constant 61 : i32
    %dma_wait3A = arith.constant 19520 : i32
    %dma_wait3A_27 = tpu.memref_slice %arg10[%dma_wait3A] : memref<20000xi32, #tpu.memory_space<vmem>> -> memref<80xi32, #tpu.memory_space<vmem>>
    %dma_wait3A_28 = arith.constant 0 : i32
    %dma_wait3A_29 = arith.constant 0 : i32
    %dma_wait3A_30 = tpu.memref_slice %arg2[%dma_wait3A_28, %dma_wait3A_29] : memref<20480x64xf32, #tpu.memory_space<hbm>> -> memref<20480x64xf32, #tpu.memory_space<hbm>>
    tpu.wait_indirect_dma semaphore(%arg19 : memref<!tpu.dma_semaphore, #tpu.memory_space<semaphore_mem>>) src(%dma_wait3A_30 : memref<20480x64xf32, #tpu.memory_space<hbm>>) dst(%arg12 : memref<80x64xf32, #tpu.memory_space<vmem>>)
    %dma_start3A_31 = arith.constant 19520 : i32
    %dma_start3A_32 = tpu.memref_slice %arg11[%dma_start3A_31] : memref<20000xi32, #tpu.memory_space<vmem>> -> memref<80xi32, #tpu.memory_space<vmem>>
    %dma_start3A_33 = arith.constant 0 : i32
    %dma_start3A_34 = arith.constant 0 : i32
    %dma_start3A_35 = tpu.memref_slice %arg17[%dma_start3A_33, %dma_start3A_34] : memref<10240x64xf32, #tpu.memory_space<vmem_shared>> -> memref<10240x64xf32, #tpu.memory_space<vmem_shared>>
    tpu.enqueue_indirect_dma source(%arg12 : memref<80x64xf32, #tpu.memory_space<vmem>>) target(%dma_start3A_35 : memref<10240x64xf32, #tpu.memory_space<vmem_shared>>) offsets(%dma_start3A_32 : memref<80xi32, #tpu.memory_space<vmem>>) semaphore(%arg23 : memref<!tpu.dma_semaphore, #tpu.memory_space<semaphore_mem>>) {add = true}
    %dma_start3A_36 = arith.constant 19520 : i32
    %dma_start3A_37 = tpu.memref_slice %arg11[%dma_start3A_36] : memref<20000xi32, #tpu.memory_space<vmem>> -> memref<80xi32, #tpu.memory_space<vmem>>
    %dma_start3A_38 = arith.constant 0 : i32
    %dma_start3A_39 = arith.constant 0 : i32
    %dma_start3A_40 = tpu.memref_slice %arg18[%dma_start3A_38, %dma_start3A_39] : memref<10240x8xf32, #tpu.memory_space<vmem_shared>> -> memref<10240x8xf32, #tpu.memory_space<vmem_shared>>
    tpu.enqueue_indirect_dma source(%arg16 : memref<80x8xf32, #tpu.memory_space<vmem>>) target(%dma_start3A_40 : memref<10240x8xf32, #tpu.memory_space<vmem_shared>>) offsets(%dma_start3A_37 : memref<80xi32, #tpu.memory_space<vmem>>) semaphore(%arg27 : memref<!tpu.dma_semaphore, #tpu.memory_space<semaphore_mem>>) {add = true}
    %dma_wait3A_41 = arith.constant 19600 : i32
    %dma_wait3A_42 = tpu.memref_slice %arg10[%dma_wait3A_41] : memref<20000xi32, #tpu.memory_space<vmem>> -> memref<80xi32, #tpu.memory_space<vmem>>
    %dma_wait3A_43 = arith.constant 0 : i32
    %dma_wait3A_44 = arith.constant 0 : i32
    %dma_wait3A_45 = tpu.memref_slice %arg2[%dma_wait3A_43, %dma_wait3A_44] : memref<20480x64xf32, #tpu.memory_space<hbm>> -> memref<20480x64xf32, #tpu.memory_space<hbm>>
    tpu.wait_indirect_dma semaphore(%arg20 : memref<!tpu.dma_semaphore, #tpu.memory_space<semaphore_mem>>) src(%dma_wait3A_45 : memref<20480x64xf32, #tpu.memory_space<hbm>>) dst(%arg13 : memref<80x64xf32, #tpu.memory_space<vmem>>)
    %dma_start3A_46 = arith.constant 19600 : i32
    %dma_start3A_47 = tpu.memref_slice %arg11[%dma_start3A_46] : memref<20000xi32, #tpu.memory_space<vmem>> -> memref<80xi32, #tpu.memory_space<vmem>>
    %dma_start3A_48 = arith.constant 0 : i32
    %dma_start3A_49 = arith.constant 0 : i32
    %dma_start3A_50 = tpu.memref_slice %arg17[%dma_start3A_48, %dma_start3A_49] : memref<10240x64xf32, #tpu.memory_space<vmem_shared>> -> memref<10240x64xf32, #tpu.memory_space<vmem_shared>>
    tpu.enqueue_indirect_dma source(%arg13 : memref<80x64xf32, #tpu.memory_space<vmem>>) target(%dma_start3A_50 : memref<10240x64xf32, #tpu.memory_space<vmem_shared>>) offsets(%dma_start3A_47 : memref<80xi32, #tpu.memory_space<vmem>>) semaphore(%arg24 : memref<!tpu.dma_semaphore, #tpu.memory_space<semaphore_mem>>) {add = true}
    %dma_start3A_51 = arith.constant 19600 : i32
    %dma_start3A_52 = tpu.memref_slice %arg11[%dma_start3A_51] : memref<20000xi32, #tpu.memory_space<vmem>> -> memref<80xi32, #tpu.memory_space<vmem>>
    %dma_start3A_53 = arith.constant 0 : i32
    %dma_start3A_54 = arith.constant 0 : i32
    %dma_start3A_55 = tpu.memref_slice %arg18[%dma_start3A_53, %dma_start3A_54] : memref<10240x8xf32, #tpu.memory_space<vmem_shared>> -> memref<10240x8xf32, #tpu.memory_space<vmem_shared>>
    tpu.enqueue_indirect_dma source(%arg16 : memref<80x8xf32, #tpu.memory_space<vmem>>) target(%dma_start3A_55 : memref<10240x8xf32, #tpu.memory_space<vmem_shared>>) offsets(%dma_start3A_52 : memref<80xi32, #tpu.memory_space<vmem>>) semaphore(%arg28 : memref<!tpu.dma_semaphore, #tpu.memory_space<semaphore_mem>>) {add = true}
    %dma_wait3A_56 = arith.constant 19680 : i32
    %dma_wait3A_57 = tpu.memref_slice %arg10[%dma_wait3A_56] : memref<20000xi32, #tpu.memory_space<vmem>> -> memref<80xi32, #tpu.memory_space<vmem>>
    %dma_wait3A_58 = arith.constant 0 : i32
    %dma_wait3A_59 = arith.constant 0 : i32
    %dma_wait3A_60 = tpu.memref_slice %arg2[%dma_wait3A_58, %dma_wait3A_59] : memref<20480x64xf32, #tpu.memory_space<hbm>> -> memref<20480x64xf32, #tpu.memory_space<hbm>>
    tpu.wait_indirect_dma semaphore(%arg21 : memref<!tpu.dma_semaphore, #tpu.memory_space<semaphore_mem>>) src(%dma_wait3A_60 : memref<20480x64xf32, #tpu.memory_space<hbm>>) dst(%arg14 : memref<80x64xf32, #tpu.memory_space<vmem>>)
    %dma_start3A_61 = arith.constant 19680 : i32
    %dma_start3A_62 = tpu.memref_slice %arg11[%dma_start3A_61] : memref<20000xi32, #tpu.memory_space<vmem>> -> memref<80xi32, #tpu.memory_space<vmem>>
    %dma_start3A_63 = arith.constant 0 : i32
    %dma_start3A_64 = arith.constant 0 : i32
    %dma_start3A_65 = tpu.memref_slice %arg17[%dma_start3A_63, %dma_start3A_64] : memref<10240x64xf32, #tpu.memory_space<vmem_shared>> -> memref<10240x64xf32, #tpu.memory_space<vmem_shared>>
    tpu.enqueue_indirect_dma source(%arg14 : memref<80x64xf32, #tpu.memory_space<vmem>>) target(%dma_start3A_65 : memref<10240x64xf32, #tpu.memory_space<vmem_shared>>) offsets(%dma_start3A_62 : memref<80xi32, #tpu.memory_space<vmem>>) semaphore(%arg25 : memref<!tpu.dma_semaphore, #tpu.memory_space<semaphore_mem>>) {add = true}
    %dma_start3A_66 = arith.constant 19680 : i32
    %dma_start3A_67 = tpu.memref_slice %arg11[%dma_start3A_66] : memref<20000xi32, #tpu.memory_space<vmem>> -> memref<80xi32, #tpu.memory_space<vmem>>
    %dma_start3A_68 = arith.constant 0 : i32
    %dma_start3A_69 = arith.constant 0 : i32
    %dma_start3A_70 = tpu.memref_slice %arg18[%dma_start3A_68, %dma_start3A_69] : memref<10240x8xf32, #tpu.memory_space<vmem_shared>> -> memref<10240x8xf32, #tpu.memory_space<vmem_shared>>
    tpu.enqueue_indirect_dma source(%arg16 : memref<80x8xf32, #tpu.memory_space<vmem>>) target(%dma_start3A_70 : memref<10240x8xf32, #tpu.memory_space<vmem_shared>>) offsets(%dma_start3A_67 : memref<80xi32, #tpu.memory_space<vmem>>) semaphore(%arg29 : memref<!tpu.dma_semaphore, #tpu.memory_space<semaphore_mem>>) {add = true}
    %dma_wait3A_71 = arith.constant 19760 : i32
    %dma_wait3A_72 = tpu.memref_slice %arg10[%dma_wait3A_71] : memref<20000xi32, #tpu.memory_space<vmem>> -> memref<80xi32, #tpu.memory_space<vmem>>
    %dma_wait3A_73 = arith.constant 0 : i32
    %dma_wait3A_74 = arith.constant 0 : i32
    %dma_wait3A_75 = tpu.memref_slice %arg2[%dma_wait3A_73, %dma_wait3A_74] : memref<20480x64xf32, #tpu.memory_space<hbm>> -> memref<20480x64xf32, #tpu.memory_space<hbm>>
    tpu.wait_indirect_dma semaphore(%arg22 : memref<!tpu.dma_semaphore, #tpu.memory_space<semaphore_mem>>) src(%dma_wait3A_75 : memref<20480x64xf32, #tpu.memory_space<hbm>>) dst(%arg15 : memref<80x64xf32, #tpu.memory_space<vmem>>)
    %dma_start3A_76 = arith.constant 19760 : i32
    %dma_start3A_77 = tpu.memref_slice %arg11[%dma_start3A_76] : memref<20000xi32, #tpu.memory_space<vmem>> -> memref<80xi32, #tpu.memory_space<vmem>>
    %dma_start3A_78 = arith.constant 0 : i32
    %dma_start3A_79 = arith.constant 0 : i32
    %dma_start3A_80 = tpu.memref_slice %arg17[%dma_start3A_78, %dma_start3A_79] : memref<10240x64xf32, #tpu.memory_space<vmem_shared>> -> memref<10240x64xf32, #tpu.memory_space<vmem_shared>>
    tpu.enqueue_indirect_dma source(%arg15 : memref<80x64xf32, #tpu.memory_space<vmem>>) target(%dma_start3A_80 : memref<10240x64xf32, #tpu.memory_space<vmem_shared>>) offsets(%dma_start3A_77 : memref<80xi32, #tpu.memory_space<vmem>>) semaphore(%arg26 : memref<!tpu.dma_semaphore, #tpu.memory_space<semaphore_mem>>) {add = true}
    %dma_start3A_81 = arith.constant 19760 : i32
    %dma_start3A_82 = tpu.memref_slice %arg11[%dma_start3A_81] : memref<20000xi32, #tpu.memory_space<vmem>> -> memref<80xi32, #tpu.memory_space<vmem>>
    %dma_start3A_83 = arith.constant 0 : i32
    %dma_start3A_84 = arith.constant 0 : i32
    %dma_start3A_85 = tpu.memref_slice %arg18[%dma_start3A_83, %dma_start3A_84] : memref<10240x8xf32, #tpu.memory_space<vmem_shared>> -> memref<10240x8xf32, #tpu.memory_space<vmem_shared>>
    tpu.enqueue_indirect_dma source(%arg16 : memref<80x8xf32, #tpu.memory_space<vmem>>) target(%dma_start3A_85 : memref<10240x8xf32, #tpu.memory_space<vmem_shared>>) offsets(%dma_start3A_82 : memref<80xi32, #tpu.memory_space<vmem>>) semaphore(%arg30 : memref<!tpu.dma_semaphore, #tpu.memory_space<semaphore_mem>>) {add = true}
    %dma_wait3A_86 = arith.constant 19520 : i32
    %dma_wait3A_87 = tpu.memref_slice %arg11[%dma_wait3A_86] : memref<20000xi32, #tpu.memory_space<vmem>> -> memref<80xi32, #tpu.memory_space<vmem>>
    %dma_wait3A_88 = arith.constant 0 : i32
    %dma_wait3A_89 = arith.constant 0 : i32
    %dma_wait3A_90 = tpu.memref_slice %arg17[%dma_wait3A_88, %dma_wait3A_89] : memref<10240x64xf32, #tpu.memory_space<vmem_shared>> -> memref<10240x64xf32, #tpu.memory_space<vmem_shared>>
    tpu.wait_indirect_dma semaphore(%arg23 : memref<!tpu.dma_semaphore, #tpu.memory_space<semaphore_mem>>) src(%arg12 : memref<80x64xf32, #tpu.memory_space<vmem>>) dst(%dma_wait3A_90 : memref<10240x64xf32, #tpu.memory_space<vmem_shared>>)
    %dma_wait3A_91 = arith.constant 19520 : i32
    %dma_wait3A_92 = tpu.memref_slice %arg11[%dma_wait3A_91] : memref<20000xi32, #tpu.memory_space<vmem>> -> memref<80xi32, #tpu.memory_space<vmem>>
    %dma_wait3A_93 = arith.constant 0 : i32
    %dma_wait3A_94 = arith.constant 0 : i32
    %dma_wait3A_95 = tpu.memref_slice %arg18[%dma_wait3A_93, %dma_wait3A_94] : memref<10240x8xf32, #tpu.memory_space<vmem_shared>> -> memref<10240x8xf32, #tpu.memory_space<vmem_shared>>
    tpu.wait_indirect_dma semaphore(%arg27 : memref<!tpu.dma_semaphore, #tpu.memory_space<semaphore_mem>>) src(%arg16 : memref<80x8xf32, #tpu.memory_space<vmem>>) dst(%dma_wait3A_95 : memref<10240x8xf32, #tpu.memory_space<vmem_shared>>)
    %dma_start3A_96 = arith.constant 19840 : i32
    %dma_start3A_97 = tpu.memref_slice %arg10[%dma_start3A_96] : memref<20000xi32, #tpu.memory_space<vmem>> -> memref<80xi32, #tpu.memory_space<vmem>>
    %dma_start3A_98 = arith.constant 0 : i32
    %dma_start3A_99 = arith.constant 0 : i32
    %dma_start3A_100 = tpu.memref_slice %arg2[%dma_start3A_98, %dma_start3A_99] : memref<20480x64xf32, #tpu.memory_space<hbm>> -> memref<20480x64xf32, #tpu.memory_space<hbm>>
    tpu.enqueue_indirect_dma source(%dma_start3A_100 : memref<20480x64xf32, #tpu.memory_space<hbm>>) target(%arg12 : memref<80x64xf32, #tpu.memory_space<vmem>>) offsets(%dma_start3A_97 : memref<80xi32, #tpu.memory_space<vmem>>) semaphore(%arg19 : memref<!tpu.dma_semaphore, #tpu.memory_space<semaphore_mem>>)
    %dma_wait3A_101 = arith.constant 19600 : i32
    %dma_wait3A_102 = tpu.memref_slice %arg11[%dma_wait3A_101] : memref<20000xi32, #tpu.memory_space<vmem>> -> memref<80xi32, #tpu.memory_space<vmem>>
    %dma_wait3A_103 = arith.constant 0 : i32
    %dma_wait3A_104 = arith.constant 0 : i32
    %dma_wait3A_105 = tpu.memref_slice %arg17[%dma_wait3A_103, %dma_wait3A_104] : memref<10240x64xf32, #tpu.memory_space<vmem_shared>> -> memref<10240x64xf32, #tpu.memory_space<vmem_shared>>
    tpu.wait_indirect_dma semaphore(%arg24 : memref<!tpu.dma_semaphore, #tpu.memory_space<semaphore_mem>>) src(%arg13 : memref<80x64xf32, #tpu.memory_space<vmem>>) dst(%dma_wait3A_105 : memref<10240x64xf32, #tpu.memory_space<vmem_shared>>)
    %dma_wait3A_106 = arith.constant 19600 : i32
    %dma_wait3A_107 = tpu.memref_slice %arg11[%dma_wait3A_106] : memref<20000xi32, #tpu.memory_space<vmem>> -> memref<80xi32, #tpu.memory_space<vmem>>
    %dma_wait3A_108 = arith.constant 0 : i32
    %dma_wait3A_109 = arith.constant 0 : i32
    %dma_wait3A_110 = tpu.memref_slice %arg18[%dma_wait3A_108, %dma_wait3A_109] : memref<10240x8xf32, #tpu.memory_space<vmem_shared>> -> memref<10240x8xf32, #tpu.memory_space<vmem_shared>>
    tpu.wait_indirect_dma semaphore(%arg28 : memref<!tpu.dma_semaphore, #tpu.memory_space<semaphore_mem>>) src(%arg16 : memref<80x8xf32, #tpu.memory_space<vmem>>) dst(%dma_wait3A_110 : memref<10240x8xf32, #tpu.memory_space<vmem_shared>>)
    %dma_start3A_111 = arith.constant 19920 : i32
    %dma_start3A_112 = tpu.memref_slice %arg10[%dma_start3A_111] : memref<20000xi32, #tpu.memory_space<vmem>> -> memref<80xi32, #tpu.memory_space<vmem>>
    %dma_start3A_113 = arith.constant 0 : i32
    %dma_start3A_114 = arith.constant 0 : i32
    %dma_start3A_115 = tpu.memref_slice %arg2[%dma_start3A_113, %dma_start3A_114] : memref<20480x64xf32, #tpu.memory_space<hbm>> -> memref<20480x64xf32, #tpu.memory_space<hbm>>
    tpu.enqueue_indirect_dma source(%dma_start3A_115 : memref<20480x64xf32, #tpu.memory_space<hbm>>) target(%arg13 : memref<80x64xf32, #tpu.memory_space<vmem>>) offsets(%dma_start3A_112 : memref<80xi32, #tpu.memory_space<vmem>>) semaphore(%arg20 : memref<!tpu.dma_semaphore, #tpu.memory_space<semaphore_mem>>)
    %dma_wait3A_116 = arith.constant 19840 : i32
    %dma_wait3A_117 = tpu.memref_slice %arg10[%dma_wait3A_116] : memref<20000xi32, #tpu.memory_space<vmem>> -> memref<80xi32, #tpu.memory_space<vmem>>
    %dma_wait3A_118 = arith.constant 0 : i32
    %dma_wait3A_119 = arith.constant 0 : i32
    %dma_wait3A_120 = tpu.memref_slice %arg2[%dma_wait3A_118, %dma_wait3A_119] : memref<20480x64xf32, #tpu.memory_space<hbm>> -> memref<20480x64xf32, #tpu.memory_space<hbm>>
    tpu.wait_indirect_dma semaphore(%arg19 : memref<!tpu.dma_semaphore, #tpu.memory_space<semaphore_mem>>) src(%dma_wait3A_120 : memref<20480x64xf32, #tpu.memory_space<hbm>>) dst(%arg12 : memref<80x64xf32, #tpu.memory_space<vmem>>)
    %dma_start3A_121 = arith.constant 19840 : i32
    %dma_start3A_122 = tpu.memref_slice %arg11[%dma_start3A_121] : memref<20000xi32, #tpu.memory_space<vmem>> -> memref<80xi32, #tpu.memory_space<vmem>>
    %dma_start3A_123 = arith.constant 0 : i32
    %dma_start3A_124 = arith.constant 0 : i32
    %dma_start3A_125 = tpu.memref_slice %arg17[%dma_start3A_123, %dma_start3A_124] : memref<10240x64xf32, #tpu.memory_space<vmem_shared>> -> memref<10240x64xf32, #tpu.memory_space<vmem_shared>>
    tpu.enqueue_indirect_dma source(%arg12 : memref<80x64xf32, #tpu.memory_space<vmem>>) target(%dma_start3A_125 : memref<10240x64xf32, #tpu.memory_space<vmem_shared>>) offsets(%dma_start3A_122 : memref<80xi32, #tpu.memory_space<vmem>>) semaphore(%arg23 : memref<!tpu.dma_semaphore, #tpu.memory_space<semaphore_mem>>) {add = true}
    %dma_start3A_126 = arith.constant 19840 : i32
    %dma_start3A_127 = tpu.memref_slice %arg11[%dma_start3A_126] : memref<20000xi32, #tpu.memory_space<vmem>> -> memref<80xi32, #tpu.memory_space<vmem>>
    %dma_start3A_128 = arith.constant 0 : i32
    %dma_start3A_129 = arith.constant 0 : i32
    %dma_start3A_130 = tpu.memref_slice %arg18[%dma_start3A_128, %dma_start3A_129] : memref<10240x8xf32, #tpu.memory_space<vmem_shared>> -> memref<10240x8xf32, #tpu.memory_space<vmem_shared>>
    tpu.enqueue_indirect_dma source(%arg16 : memref<80x8xf32, #tpu.memory_space<vmem>>) target(%dma_start3A_130 : memref<10240x8xf32, #tpu.memory_space<vmem_shared>>) offsets(%dma_start3A_127 : memref<80xi32, #tpu.memory_space<vmem>>) semaphore(%arg27 : memref<!tpu.dma_semaphore, #tpu.memory_space<semaphore_mem>>) {add = true}
    %dma_wait3A_131 = arith.constant 19920 : i32
    %dma_wait3A_132 = tpu.memref_slice %arg10[%dma_wait3A_131] : memref<20000xi32, #tpu.memory_space<vmem>> -> memref<80xi32, #tpu.memory_space<vmem>>
    %dma_wait3A_133 = arith.constant 0 : i32
    %dma_wait3A_134 = arith.constant 0 : i32
    %dma_wait3A_135 = tpu.memref_slice %arg2[%dma_wait3A_133, %dma_wait3A_134] : memref<20480x64xf32, #tpu.memory_space<hbm>> -> memref<20480x64xf32, #tpu.memory_space<hbm>>
    tpu.wait_indirect_dma semaphore(%arg20 : memref<!tpu.dma_semaphore, #tpu.memory_space<semaphore_mem>>) src(%dma_wait3A_135 : memref<20480x64xf32, #tpu.memory_space<hbm>>) dst(%arg13 : memref<80x64xf32, #tpu.memory_space<vmem>>)
    %dma_start3A_136 = arith.constant 19920 : i32
    %dma_start3A_137 = tpu.memref_slice %arg11[%dma_start3A_136] : memref<20000xi32, #tpu.memory_space<vmem>> -> memref<80xi32, #tpu.memory_space<vmem>>
    %dma_start3A_138 = arith.constant 0 : i32
    %dma_start3A_139 = arith.constant 0 : i32
    %dma_start3A_140 = tpu.memref_slice %arg17[%dma_start3A_138, %dma_start3A_139] : memref<10240x64xf32, #tpu.memory_space<vmem_shared>> -> memref<10240x64xf32, #tpu.memory_space<vmem_shared>>
    tpu.enqueue_indirect_dma source(%arg13 : memref<80x64xf32, #tpu.memory_space<vmem>>) target(%dma_start3A_140 : memref<10240x64xf32, #tpu.memory_space<vmem_shared>>) offsets(%dma_start3A_137 : memref<80xi32, #tpu.memory_space<vmem>>) semaphore(%arg24 : memref<!tpu.dma_semaphore, #tpu.memory_space<semaphore_mem>>) {add = true}
    %dma_start3A_141 = arith.constant 19920 : i32
    %dma_start3A_142 = tpu.memref_slice %arg11[%dma_start3A_141] : memref<20000xi32, #tpu.memory_space<vmem>> -> memref<80xi32, #tpu.memory_space<vmem>>
    %dma_start3A_143 = arith.constant 0 : i32
    %dma_start3A_144 = arith.constant 0 : i32
    %dma_start3A_145 = tpu.memref_slice %arg18[%dma_start3A_143, %dma_start3A_144] : memref<10240x8xf32, #tpu.memory_space<vmem_shared>> -> memref<10240x8xf32, #tpu.memory_space<vmem_shared>>
    tpu.enqueue_indirect_dma source(%arg16 : memref<80x8xf32, #tpu.memory_space<vmem>>) target(%dma_start3A_145 : memref<10240x8xf32, #tpu.memory_space<vmem_shared>>) offsets(%dma_start3A_142 : memref<80xi32, #tpu.memory_space<vmem>>) semaphore(%arg28 : memref<!tpu.dma_semaphore, #tpu.memory_space<semaphore_mem>>) {add = true}
    %dma_wait3A_146 = arith.constant 19680 : i32
    %dma_wait3A_147 = tpu.memref_slice %arg11[%dma_wait3A_146] : memref<20000xi32, #tpu.memory_space<vmem>> -> memref<80xi32, #tpu.memory_space<vmem>>
    %dma_wait3A_148 = arith.constant 0 : i32
    %dma_wait3A_149 = arith.constant 0 : i32
    %dma_wait3A_150 = tpu.memref_slice %arg17[%dma_wait3A_148, %dma_wait3A_149] : memref<10240x64xf32, #tpu.memory_space<vmem_shared>> -> memref<10240x64xf32, #tpu.memory_space<vmem_shared>>
    tpu.wait_indirect_dma semaphore(%arg25 : memref<!tpu.dma_semaphore, #tpu.memory_space<semaphore_mem>>) src(%arg14 : memref<80x64xf32, #tpu.memory_space<vmem>>) dst(%dma_wait3A_150 : memref<10240x64xf32, #tpu.memory_space<vmem_shared>>)
    %dma_wait3A_151 = arith.constant 19680 : i32
    %dma_wait3A_152 = tpu.memref_slice %arg11[%dma_wait3A_151] : memref<20000xi32, #tpu.memory_space<vmem>> -> memref<80xi32, #tpu.memory_space<vmem>>
    %dma_wait3A_153 = arith.constant 0 : i32
    %dma_wait3A_154 = arith.constant 0 : i32
    %dma_wait3A_155 = tpu.memref_slice %arg18[%dma_wait3A_153, %dma_wait3A_154] : memref<10240x8xf32, #tpu.memory_space<vmem_shared>> -> memref<10240x8xf32, #tpu.memory_space<vmem_shared>>
    tpu.wait_indirect_dma semaphore(%arg29 : memref<!tpu.dma_semaphore, #tpu.memory_space<semaphore_mem>>) src(%arg16 : memref<80x8xf32, #tpu.memory_space<vmem>>) dst(%dma_wait3A_155 : memref<10240x8xf32, #tpu.memory_space<vmem_shared>>)
    %dma_wait3A_156 = arith.constant 19760 : i32
    %dma_wait3A_157 = tpu.memref_slice %arg11[%dma_wait3A_156] : memref<20000xi32, #tpu.memory_space<vmem>> -> memref<80xi32, #tpu.memory_space<vmem>>
    %dma_wait3A_158 = arith.constant 0 : i32
    %dma_wait3A_159 = arith.constant 0 : i32
    %dma_wait3A_160 = tpu.memref_slice %arg17[%dma_wait3A_158, %dma_wait3A_159] : memref<10240x64xf32, #tpu.memory_space<vmem_shared>> -> memref<10240x64xf32, #tpu.memory_space<vmem_shared>>
    tpu.wait_indirect_dma semaphore(%arg26 : memref<!tpu.dma_semaphore, #tpu.memory_space<semaphore_mem>>) src(%arg15 : memref<80x64xf32, #tpu.memory_space<vmem>>) dst(%dma_wait3A_160 : memref<10240x64xf32, #tpu.memory_space<vmem_shared>>)
    %dma_wait3A_161 = arith.constant 19760 : i32
    %dma_wait3A_162 = tpu.memref_slice %arg11[%dma_wait3A_161] : memref<20000xi32, #tpu.memory_space<vmem>> -> memref<80xi32, #tpu.memory_space<vmem>>
    %dma_wait3A_163 = arith.constant 0 : i32
    %dma_wait3A_164 = arith.constant 0 : i32
    %dma_wait3A_165 = tpu.memref_slice %arg18[%dma_wait3A_163, %dma_wait3A_164] : memref<10240x8xf32, #tpu.memory_space<vmem_shared>> -> memref<10240x8xf32, #tpu.memory_space<vmem_shared>>
    tpu.wait_indirect_dma semaphore(%arg30 : memref<!tpu.dma_semaphore, #tpu.memory_space<semaphore_mem>>) src(%arg16 : memref<80x8xf32, #tpu.memory_space<vmem>>) dst(%dma_wait3A_165 : memref<10240x8xf32, #tpu.memory_space<vmem_shared>>)
    %dma_wait3A_166 = arith.constant 19840 : i32
    %dma_wait3A_167 = tpu.memref_slice %arg11[%dma_wait3A_166] : memref<20000xi32, #tpu.memory_space<vmem>> -> memref<80xi32, #tpu.memory_space<vmem>>
    %dma_wait3A_168 = arith.constant 0 : i32
    %dma_wait3A_169 = arith.constant 0 : i32
    %dma_wait3A_170 = tpu.memref_slice %arg17[%dma_wait3A_168, %dma_wait3A_169] : memref<10240x64xf32, #tpu.memory_space<vmem_shared>> -> memref<10240x64xf32, #tpu.memory_space<vmem_shared>>
    tpu.wait_indirect_dma semaphore(%arg23 : memref<!tpu.dma_semaphore, #tpu.memory_space<semaphore_mem>>) src(%arg12 : memref<80x64xf32, #tpu.memory_space<vmem>>) dst(%dma_wait3A_170 : memref<10240x64xf32, #tpu.memory_space<vmem_shared>>)
    %dma_wait3A_171 = arith.constant 19840 : i32
    %dma_wait3A_172 = tpu.memref_slice %arg11[%dma_wait3A_171] : memref<20000xi32, #tpu.memory_space<vmem>> -> memref<80xi32, #tpu.memory_space<vmem>>
    %dma_wait3A_173 = arith.constant 0 : i32
    %dma_wait3A_174 = arith.constant 0 : i32
    %dma_wait3A_175 = tpu.memref_slice %arg18[%dma_wait3A_173, %dma_wait3A_174] : memref<10240x8xf32, #tpu.memory_space<vmem_shared>> -> memref<10240x8xf32, #tpu.memory_space<vmem_shared>>
    tpu.wait_indirect_dma semaphore(%arg27 : memref<!tpu.dma_semaphore, #tpu.memory_space<semaphore_mem>>) src(%arg16 : memref<80x8xf32, #tpu.memory_space<vmem>>) dst(%dma_wait3A_175 : memref<10240x8xf32, #tpu.memory_space<vmem_shared>>)
    %dma_wait3A_176 = arith.constant 19920 : i32
    %dma_wait3A_177 = tpu.memref_slice %arg11[%dma_wait3A_176] : memref<20000xi32, #tpu.memory_space<vmem>> -> memref<80xi32, #tpu.memory_space<vmem>>
    %dma_wait3A_178 = arith.constant 0 : i32
    %dma_wait3A_179 = arith.constant 0 : i32
    %dma_wait3A_180 = tpu.memref_slice %arg17[%dma_wait3A_178, %dma_wait3A_179] : memref<10240x64xf32, #tpu.memory_space<vmem_shared>> -> memref<10240x64xf32, #tpu.memory_space<vmem_shared>>
    tpu.wait_indirect_dma semaphore(%arg24 : memref<!tpu.dma_semaphore, #tpu.memory_space<semaphore_mem>>) src(%arg13 : memref<80x64xf32, #tpu.memory_space<vmem>>) dst(%dma_wait3A_180 : memref<10240x64xf32, #tpu.memory_space<vmem_shared>>)
    %dma_wait3A_181 = arith.constant 19920 : i32
    %dma_wait3A_182 = tpu.memref_slice %arg11[%dma_wait3A_181] : memref<20000xi32, #tpu.memory_space<vmem>> -> memref<80xi32, #tpu.memory_space<vmem>>
    %dma_wait3A_183 = arith.constant 0 : i32
    %dma_wait3A_184 = arith.constant 0 : i32
    %dma_wait3A_185 = tpu.memref_slice %arg18[%dma_wait3A_183, %dma_wait3A_184] : memref<10240x8xf32, #tpu.memory_space<vmem_shared>> -> memref<10240x8xf32, #tpu.memory_space<vmem_shared>>
    tpu.wait_indirect_dma semaphore(%arg28 : memref<!tpu.dma_semaphore, #tpu.memory_space<semaphore_mem>>) src(%arg16 : memref<80x8xf32, #tpu.memory_space<vmem>>) dst(%dma_wait3A_185 : memref<10240x8xf32, #tpu.memory_space<vmem_shared>>)
    %barrier3A_186 = arith.constant 0 : index
    tpu.barrier barrier_id(%barrier3A_186)
    "tpu.region"() ({
      %run_scoped3A = tpu.sem_alloc : memref<!tpu.dma_semaphore, #tpu.memory_space<semaphore_mem>>
      %dma_start3A_187 = arith.constant 0 : i32
      %dma_start3A_188 = tpu.memref_slice %arg8[%arg0, %mul3A_0, %dma_start3A_187] : memref<2x10240x64xf32, #tpu.memory_space<hbm>> -> memref<1x640x64xf32, #tpu.memory_space<hbm>>
      %dma_start3A_189 = tpu.memref_squeeze %dma_start3A_188 : memref<1x640x64xf32, #tpu.memory_space<hbm>> -> memref<640x64xf32, #tpu.memory_space<hbm>>
      %dma_start3A_190 = arith.constant 0 : i32
      %dma_start3A_191 = tpu.memref_slice %arg17[%mul3A_0, %dma_start3A_190] : memref<10240x64xf32, #tpu.memory_space<vmem_shared>> -> memref<640x64xf32, #tpu.memory_space<vmem_shared>>
      tpu.enqueue_dma source(%dma_start3A_191 : memref<640x64xf32, #tpu.memory_space<vmem_shared>>) target(%dma_start3A_189 : memref<640x64xf32, #tpu.memory_space<hbm>>) target_semaphore(%run_scoped3A : memref<!tpu.dma_semaphore, #tpu.memory_space<semaphore_mem>>)
      %dma_wait3A_192 = arith.constant 0 : i32
      %dma_wait3A_193 = tpu.memref_slice %arg8[%arg0, %mul3A_0, %dma_wait3A_192] : memref<2x10240x64xf32, #tpu.memory_space<hbm>> -> memref<1x640x64xf32, #tpu.memory_space<hbm>>
      %dma_wait3A_194 = tpu.memref_squeeze %dma_wait3A_193 : memref<1x640x64xf32, #tpu.memory_space<hbm>> -> memref<640x64xf32, #tpu.memory_space<hbm>>
      %dma_wait3A_195 = arith.constant 0 : i32
      %dma_wait3A_196 = tpu.memref_slice %arg17[%mul3A_0, %dma_wait3A_195] : memref<10240x64xf32, #tpu.memory_space<vmem_shared>> -> memref<640x64xf32, #tpu.memory_space<vmem_shared>>
      tpu.wait_dma2 semaphore(%run_scoped3A : memref<!tpu.dma_semaphore, #tpu.memory_space<semaphore_mem>>) src(%dma_wait3A_196 : memref<640x64xf32, #tpu.memory_space<vmem_shared>>) dst(%dma_wait3A_194 : memref<640x64xf32, #tpu.memory_space<hbm>>)
      tpu.yield
    }) : () -> ()
    "tpu.region"() ({
      %run_scoped3A = tpu.sem_alloc : memref<!tpu.dma_semaphore, #tpu.memory_space<semaphore_mem>>
      %dma_start3A_187 = arith.constant 0 : i32
      %dma_start3A_188 = tpu.memref_slice %arg9[%arg0, %mul3A_0, %dma_start3A_187] : memref<2x10240x8xf32, #tpu.memory_space<hbm>> -> memref<1x640x8xf32, #tpu.memory_space<hbm>>
      %dma_start3A_189 = tpu.memref_squeeze %dma_start3A_188 : memref<1x640x8xf32, #tpu.memory_space<hbm>> -> memref<640x8xf32, #tpu.memory_space<hbm>>
      %dma_start3A_190 = arith.constant 0 : i32
      %dma_start3A_191 = tpu.memref_slice %arg18[%mul3A_0, %dma_start3A_190] : memref<10240x8xf32, #tpu.memory_space<vmem_shared>> -> memref<640x8xf32, #tpu.memory_space<vmem_shared>>
      tpu.enqueue_dma source(%dma_start3A_191 : memref<640x8xf32, #tpu.memory_space<vmem_shared>>) target(%dma_start3A_189 : memref<640x8xf32, #tpu.memory_space<hbm>>) target_semaphore(%run_scoped3A : memref<!tpu.dma_semaphore, #tpu.memory_space<semaphore_mem>>)
      %dma_wait3A_192 = arith.constant 0 : i32
      %dma_wait3A_193 = tpu.memref_slice %arg9[%arg0, %mul3A_0, %dma_wait3A_192] : memref<2x10240x8xf32, #tpu.memory_space<hbm>> -> memref<1x640x8xf32, #tpu.memory_space<hbm>>
      %dma_wait3A_194 = tpu.memref_squeeze %dma_wait3A_193 : memref<1x640x8xf32, #tpu.memory_space<hbm>> -> memref<640x8xf32, #tpu.memory_space<hbm>>
      %dma_wait3A_195 = arith.constant 0 : i32
      %dma_wait3A_196 = tpu.memref_slice %arg18[%mul3A_0, %dma_wait3A_195] : memref<10240x8xf32, #tpu.memory_space<vmem_shared>> -> memref<640x8xf32, #tpu.memory_space<vmem_shared>>
      tpu.wait_dma2 semaphore(%run_scoped3A : memref<!tpu.dma_semaphore, #tpu.memory_space<semaphore_mem>>) src(%dma_wait3A_196 : memref<640x8xf32, #tpu.memory_space<vmem_shared>>) dst(%dma_wait3A_194 : memref<640x8xf32, #tpu.memory_space<hbm>>)
      tpu.yield
    }) : () -> ()
    return
  }
}

#map = affine_map<(d0, d1) -> (0, 0)>
#map1 = affine_map<(d0, d1) -> (0)>
#map2 = affine_map<(d0, d1) -> (0, 0, 0)>
module attributes {stable_mosaic.version = 14 : i64} {
  func.func @sc_seg_sum(%arg0: i32, %arg1: i32, %arg2: memref<20480x64xf32, #tpu.memory_space<hbm>>, %arg3: memref<2x320000xi32, #tpu.memory_space<hbm>>, %arg4: memref<320000xi32, #tpu.memory_space<hbm>>, %arg5: memref<10240x64xf32, #tpu.memory_space<hbm>>, %arg6: memref<2x10240x64xf32, #tpu.memory_space<hbm>>, %arg7: memref<20000xi32, #tpu.memory_space<vmem>>, %arg8: memref<20000xi32, #tpu.memory_space<vmem>>, %arg9: memref<80x64xf32, #tpu.memory_space<vmem>>, %arg10: memref<80x64xf32, #tpu.memory_space<vmem>>, %arg11: memref<80x64xf32, #tpu.memory_space<vmem>>, %arg12: memref<80x64xf32, #tpu.memory_space<vmem>>, %arg13: memref<10240x64xf32, #tpu.memory_space<vmem_shared>>, %arg14: memref<!tpu.dma_semaphore, #tpu.memory_space<semaphore_mem>>, %arg15: memref<!tpu.dma_semaphore, #tpu.memory_space<semaphore_mem>>, %arg16: memref<!tpu.dma_semaphore, #tpu.memory_space<semaphore_mem>>, %arg17: memref<!tpu.dma_semaphore, #tpu.memory_space<semaphore_mem>>, %arg18: memref<!tpu.dma_semaphore, #tpu.memory_space<semaphore_mem>>, %arg19: memref<!tpu.dma_semaphore, #tpu.memory_space<semaphore_mem>>, %arg20: memref<!tpu.dma_semaphore, #tpu.memory_space<semaphore_mem>>, %arg21: memref<!tpu.dma_semaphore, #tpu.memory_space<semaphore_mem>>) attributes {dimension_semantics = [#tpu.dimension_semantics<core_parallel>, #tpu.dimension_semantics<subcore_parallel>], iteration_bounds = array<i64: 2, 16>, scalar_prefetch = 0 : i64, scratch_operands = 15 : i64, tpu.core_type = #tpu.core_type<sc_vector_subcore>, window_params = [{transform_indices = #map}, {transform_indices = #map}, {transform_indices = #map1}, {transform_indices = #map}, {transform_indices = #map2}]} {
    %mul3A = arith.constant 640 : i32
    %mul3A_0 = arith.muli %arg1, %mul3A : i32
    %mul3A_1 = arith.constant 20000 : i32
    %mul3A_2 = arith.muli %arg1, %mul3A_1 : i32
    "tpu.region"() ({
      %run_scoped3A = tpu.sem_alloc : memref<!tpu.dma_semaphore, #tpu.memory_space<semaphore_mem>>
      %dma_start3A_127 = arith.constant 0 : i32
      %dma_start3A_128 = tpu.memref_slice %arg13[%mul3A_0, %dma_start3A_127] : memref<10240x64xf32, #tpu.memory_space<vmem_shared>> -> memref<640x64xf32, #tpu.memory_space<vmem_shared>>
      %dma_start3A_129 = arith.constant 0 : i32
      %dma_start3A_130 = tpu.memref_slice %arg5[%mul3A_0, %dma_start3A_129] : memref<10240x64xf32, #tpu.memory_space<hbm>> -> memref<640x64xf32, #tpu.memory_space<hbm>>
      tpu.enqueue_dma source(%dma_start3A_130 : memref<640x64xf32, #tpu.memory_space<hbm>>) target(%dma_start3A_128 : memref<640x64xf32, #tpu.memory_space<vmem_shared>>) target_semaphore(%run_scoped3A : memref<!tpu.dma_semaphore, #tpu.memory_space<semaphore_mem>>)
      %dma_wait3A_131 = arith.constant 0 : i32
      %dma_wait3A_132 = tpu.memref_slice %arg13[%mul3A_0, %dma_wait3A_131] : memref<10240x64xf32, #tpu.memory_space<vmem_shared>> -> memref<640x64xf32, #tpu.memory_space<vmem_shared>>
      %dma_wait3A_133 = arith.constant 0 : i32
      %dma_wait3A_134 = tpu.memref_slice %arg5[%mul3A_0, %dma_wait3A_133] : memref<10240x64xf32, #tpu.memory_space<hbm>> -> memref<640x64xf32, #tpu.memory_space<hbm>>
      tpu.wait_dma2 semaphore(%run_scoped3A : memref<!tpu.dma_semaphore, #tpu.memory_space<semaphore_mem>>) src(%dma_wait3A_134 : memref<640x64xf32, #tpu.memory_space<hbm>>) dst(%dma_wait3A_132 : memref<640x64xf32, #tpu.memory_space<vmem_shared>>)
      tpu.yield
    }) : () -> ()
    "tpu.region"() ({
      %run_scoped3A = tpu.sem_alloc : memref<!tpu.dma_semaphore, #tpu.memory_space<semaphore_mem>>
      %dma_start3A_127 = tpu.memref_slice %arg3[%arg0, %mul3A_2] : memref<2x320000xi32, #tpu.memory_space<hbm>> -> memref<1x20000xi32, #tpu.memory_space<hbm>>
      %dma_start3A_128 = tpu.memref_squeeze %dma_start3A_127 : memref<1x20000xi32, #tpu.memory_space<hbm>> -> memref<20000xi32, #tpu.memory_space<hbm>>
      %dma_start3A_129 = tpu.memref_slice %arg3[%arg0, %mul3A_2] : memref<2x320000xi32, #tpu.memory_space<hbm>> -> memref<1x20000xi32, #tpu.memory_space<hbm>>
      %dma_start3A_130 = tpu.memref_squeeze %dma_start3A_129 : memref<1x20000xi32, #tpu.memory_space<hbm>> -> memref<20000xi32, #tpu.memory_space<hbm>>
      tpu.enqueue_dma source(%dma_start3A_130 : memref<20000xi32, #tpu.memory_space<hbm>>) target(%arg7 : memref<20000xi32, #tpu.memory_space<vmem>>) target_semaphore(%run_scoped3A : memref<!tpu.dma_semaphore, #tpu.memory_space<semaphore_mem>>)
      %dma_wait3A_131 = tpu.memref_slice %arg3[%arg0, %mul3A_2] : memref<2x320000xi32, #tpu.memory_space<hbm>> -> memref<1x20000xi32, #tpu.memory_space<hbm>>
      %dma_wait3A_132 = tpu.memref_squeeze %dma_wait3A_131 : memref<1x20000xi32, #tpu.memory_space<hbm>> -> memref<20000xi32, #tpu.memory_space<hbm>>
      %dma_wait3A_133 = tpu.memref_slice %arg3[%arg0, %mul3A_2] : memref<2x320000xi32, #tpu.memory_space<hbm>> -> memref<1x20000xi32, #tpu.memory_space<hbm>>
      %dma_wait3A_134 = tpu.memref_squeeze %dma_wait3A_133 : memref<1x20000xi32, #tpu.memory_space<hbm>> -> memref<20000xi32, #tpu.memory_space<hbm>>
      tpu.wait_dma2 semaphore(%run_scoped3A : memref<!tpu.dma_semaphore, #tpu.memory_space<semaphore_mem>>) src(%dma_wait3A_134 : memref<20000xi32, #tpu.memory_space<hbm>>) dst(%arg7 : memref<20000xi32, #tpu.memory_space<vmem>>)
      tpu.yield
    }) : () -> ()
    "tpu.region"() ({
      %run_scoped3A = tpu.sem_alloc : memref<!tpu.dma_semaphore, #tpu.memory_space<semaphore_mem>>
      %dma_start3A_127 = tpu.memref_slice %arg4[%mul3A_2] : memref<320000xi32, #tpu.memory_space<hbm>> -> memref<20000xi32, #tpu.memory_space<hbm>>
      %dma_start3A_128 = tpu.memref_slice %arg4[%mul3A_2] : memref<320000xi32, #tpu.memory_space<hbm>> -> memref<20000xi32, #tpu.memory_space<hbm>>
      tpu.enqueue_dma source(%dma_start3A_128 : memref<20000xi32, #tpu.memory_space<hbm>>) target(%arg8 : memref<20000xi32, #tpu.memory_space<vmem>>) target_semaphore(%run_scoped3A : memref<!tpu.dma_semaphore, #tpu.memory_space<semaphore_mem>>)
      %dma_wait3A_129 = tpu.memref_slice %arg4[%mul3A_2] : memref<320000xi32, #tpu.memory_space<hbm>> -> memref<20000xi32, #tpu.memory_space<hbm>>
      %dma_wait3A_130 = tpu.memref_slice %arg4[%mul3A_2] : memref<320000xi32, #tpu.memory_space<hbm>> -> memref<20000xi32, #tpu.memory_space<hbm>>
      tpu.wait_dma2 semaphore(%run_scoped3A : memref<!tpu.dma_semaphore, #tpu.memory_space<semaphore_mem>>) src(%dma_wait3A_130 : memref<20000xi32, #tpu.memory_space<hbm>>) dst(%arg8 : memref<20000xi32, #tpu.memory_space<vmem>>)
      tpu.yield
    }) : () -> ()
    %barrier3A = arith.constant 0 : index
    tpu.barrier barrier_id(%barrier3A)
    %dma_start3A = arith.constant 0 : i32
    %dma_start3A_3 = tpu.memref_slice %arg7[%dma_start3A] : memref<20000xi32, #tpu.memory_space<vmem>> -> memref<80xi32, #tpu.memory_space<vmem>>
    %dma_start3A_4 = arith.constant 0 : i32
    %dma_start3A_5 = arith.constant 0 : i32
    %dma_start3A_6 = tpu.memref_slice %arg2[%dma_start3A_4, %dma_start3A_5] : memref<20480x64xf32, #tpu.memory_space<hbm>> -> memref<20480x64xf32, #tpu.memory_space<hbm>>
    tpu.enqueue_indirect_dma source(%dma_start3A_6 : memref<20480x64xf32, #tpu.memory_space<hbm>>) target(%arg9 : memref<80x64xf32, #tpu.memory_space<vmem>>) offsets(%dma_start3A_3 : memref<80xi32, #tpu.memory_space<vmem>>) semaphore(%arg14 : memref<!tpu.dma_semaphore, #tpu.memory_space<semaphore_mem>>)
    %dma_start3A_7 = arith.constant 80 : i32
    %dma_start3A_8 = tpu.memref_slice %arg7[%dma_start3A_7] : memref<20000xi32, #tpu.memory_space<vmem>> -> memref<80xi32, #tpu.memory_space<vmem>>
    %dma_start3A_9 = arith.constant 0 : i32
    %dma_start3A_10 = arith.constant 0 : i32
    %dma_start3A_11 = tpu.memref_slice %arg2[%dma_start3A_9, %dma_start3A_10] : memref<20480x64xf32, #tpu.memory_space<hbm>> -> memref<20480x64xf32, #tpu.memory_space<hbm>>
    tpu.enqueue_indirect_dma source(%dma_start3A_11 : memref<20480x64xf32, #tpu.memory_space<hbm>>) target(%arg10 : memref<80x64xf32, #tpu.memory_space<vmem>>) offsets(%dma_start3A_8 : memref<80xi32, #tpu.memory_space<vmem>>) semaphore(%arg15 : memref<!tpu.dma_semaphore, #tpu.memory_space<semaphore_mem>>)
    %dma_start3A_12 = arith.constant 160 : i32
    %dma_start3A_13 = tpu.memref_slice %arg7[%dma_start3A_12] : memref<20000xi32, #tpu.memory_space<vmem>> -> memref<80xi32, #tpu.memory_space<vmem>>
    %dma_start3A_14 = arith.constant 0 : i32
    %dma_start3A_15 = arith.constant 0 : i32
    %dma_start3A_16 = tpu.memref_slice %arg2[%dma_start3A_14, %dma_start3A_15] : memref<20480x64xf32, #tpu.memory_space<hbm>> -> memref<20480x64xf32, #tpu.memory_space<hbm>>
    tpu.enqueue_indirect_dma source(%dma_start3A_16 : memref<20480x64xf32, #tpu.memory_space<hbm>>) target(%arg11 : memref<80x64xf32, #tpu.memory_space<vmem>>) offsets(%dma_start3A_13 : memref<80xi32, #tpu.memory_space<vmem>>) semaphore(%arg16 : memref<!tpu.dma_semaphore, #tpu.memory_space<semaphore_mem>>)
    %dma_start3A_17 = arith.constant 240 : i32
    %dma_start3A_18 = tpu.memref_slice %arg7[%dma_start3A_17] : memref<20000xi32, #tpu.memory_space<vmem>> -> memref<80xi32, #tpu.memory_space<vmem>>
    %dma_start3A_19 = arith.constant 0 : i32
    %dma_start3A_20 = arith.constant 0 : i32
    %dma_start3A_21 = tpu.memref_slice %arg2[%dma_start3A_19, %dma_start3A_20] : memref<20480x64xf32, #tpu.memory_space<hbm>> -> memref<20480x64xf32, #tpu.memory_space<hbm>>
    tpu.enqueue_indirect_dma source(%dma_start3A_21 : memref<20480x64xf32, #tpu.memory_space<hbm>>) target(%arg12 : memref<80x64xf32, #tpu.memory_space<vmem>>) offsets(%dma_start3A_18 : memref<80xi32, #tpu.memory_space<vmem>>) semaphore(%arg17 : memref<!tpu.dma_semaphore, #tpu.memory_space<semaphore_mem>>)
    %scan3A = arith.constant 0 : i32
    %scan3A_22 = arith.constant 0 : i32
    %scan3A_23 = arith.constant 61 : i32
    %scan3A_24 = arith.addi %scan3A_22, %scan3A_23 : i32
    %scan3A_25 = arith.constant 1 : i32
    scf.for %scan3A_127 = %scan3A_22 to %scan3A_24 step %scan3A_25  : i32 {
      %mul3A_128 = arith.constant 4 : i32
      %mul3A_129 = arith.muli %scan3A_127, %mul3A_128 : i32
      %add3A = arith.constant 0 : i32
      %add3A_130 = arith.addi %mul3A_129, %add3A : i32
      %mul3A_131 = arith.constant 80 : i32
      %mul3A_132 = arith.muli %add3A_130, %mul3A_131 : i32
      %mul3A_133 = arith.constant 80 : i32
      %mul3A_134 = arith.muli %add3A_130, %mul3A_133 : i32
      %dma_wait3A_135 = tpu.memref_slice %arg7[%mul3A_134] : memref<20000xi32, #tpu.memory_space<vmem>> -> memref<80xi32, #tpu.memory_space<vmem>>
      %dma_wait3A_136 = arith.constant 0 : i32
      %dma_wait3A_137 = arith.constant 0 : i32
      %dma_wait3A_138 = tpu.memref_slice %arg2[%dma_wait3A_136, %dma_wait3A_137] : memref<20480x64xf32, #tpu.memory_space<hbm>> -> memref<20480x64xf32, #tpu.memory_space<hbm>>
      tpu.wait_indirect_dma semaphore(%arg14 : memref<!tpu.dma_semaphore, #tpu.memory_space<semaphore_mem>>) src(%dma_wait3A_138 : memref<20480x64xf32, #tpu.memory_space<hbm>>) dst(%arg9 : memref<80x64xf32, #tpu.memory_space<vmem>>)
      %dma_start3A_139 = tpu.memref_slice %arg8[%mul3A_132] : memref<20000xi32, #tpu.memory_space<vmem>> -> memref<80xi32, #tpu.memory_space<vmem>>
      %dma_start3A_140 = arith.constant 0 : i32
      %dma_start3A_141 = arith.constant 0 : i32
      %dma_start3A_142 = tpu.memref_slice %arg13[%dma_start3A_140, %dma_start3A_141] : memref<10240x64xf32, #tpu.memory_space<vmem_shared>> -> memref<10240x64xf32, #tpu.memory_space<vmem_shared>>
      tpu.enqueue_indirect_dma source(%arg9 : memref<80x64xf32, #tpu.memory_space<vmem>>) target(%dma_start3A_142 : memref<10240x64xf32, #tpu.memory_space<vmem_shared>>) offsets(%dma_start3A_139 : memref<80xi32, #tpu.memory_space<vmem>>) semaphore(%arg18 : memref<!tpu.dma_semaphore, #tpu.memory_space<semaphore_mem>>) {add = true}
      %add3A_143 = arith.constant 1 : i32
      %add3A_144 = arith.addi %mul3A_129, %add3A_143 : i32
      %mul3A_145 = arith.constant 80 : i32
      %mul3A_146 = arith.muli %add3A_144, %mul3A_145 : i32
      %mul3A_147 = arith.constant 80 : i32
      %mul3A_148 = arith.muli %add3A_144, %mul3A_147 : i32
      %dma_wait3A_149 = tpu.memref_slice %arg7[%mul3A_148] : memref<20000xi32, #tpu.memory_space<vmem>> -> memref<80xi32, #tpu.memory_space<vmem>>
      %dma_wait3A_150 = arith.constant 0 : i32
      %dma_wait3A_151 = arith.constant 0 : i32
      %dma_wait3A_152 = tpu.memref_slice %arg2[%dma_wait3A_150, %dma_wait3A_151] : memref<20480x64xf32, #tpu.memory_space<hbm>> -> memref<20480x64xf32, #tpu.memory_space<hbm>>
      tpu.wait_indirect_dma semaphore(%arg15 : memref<!tpu.dma_semaphore, #tpu.memory_space<semaphore_mem>>) src(%dma_wait3A_152 : memref<20480x64xf32, #tpu.memory_space<hbm>>) dst(%arg10 : memref<80x64xf32, #tpu.memory_space<vmem>>)
      %dma_start3A_153 = tpu.memref_slice %arg8[%mul3A_146] : memref<20000xi32, #tpu.memory_space<vmem>> -> memref<80xi32, #tpu.memory_space<vmem>>
      %dma_start3A_154 = arith.constant 0 : i32
      %dma_start3A_155 = arith.constant 0 : i32
      %dma_start3A_156 = tpu.memref_slice %arg13[%dma_start3A_154, %dma_start3A_155] : memref<10240x64xf32, #tpu.memory_space<vmem_shared>> -> memref<10240x64xf32, #tpu.memory_space<vmem_shared>>
      tpu.enqueue_indirect_dma source(%arg10 : memref<80x64xf32, #tpu.memory_space<vmem>>) target(%dma_start3A_156 : memref<10240x64xf32, #tpu.memory_space<vmem_shared>>) offsets(%dma_start3A_153 : memref<80xi32, #tpu.memory_space<vmem>>) semaphore(%arg19 : memref<!tpu.dma_semaphore, #tpu.memory_space<semaphore_mem>>) {add = true}
      %add3A_157 = arith.constant 2 : i32
      %add3A_158 = arith.addi %mul3A_129, %add3A_157 : i32
      %mul3A_159 = arith.constant 80 : i32
      %mul3A_160 = arith.muli %add3A_158, %mul3A_159 : i32
      %mul3A_161 = arith.constant 80 : i32
      %mul3A_162 = arith.muli %add3A_158, %mul3A_161 : i32
      %dma_wait3A_163 = tpu.memref_slice %arg7[%mul3A_162] : memref<20000xi32, #tpu.memory_space<vmem>> -> memref<80xi32, #tpu.memory_space<vmem>>
      %dma_wait3A_164 = arith.constant 0 : i32
      %dma_wait3A_165 = arith.constant 0 : i32
      %dma_wait3A_166 = tpu.memref_slice %arg2[%dma_wait3A_164, %dma_wait3A_165] : memref<20480x64xf32, #tpu.memory_space<hbm>> -> memref<20480x64xf32, #tpu.memory_space<hbm>>
      tpu.wait_indirect_dma semaphore(%arg16 : memref<!tpu.dma_semaphore, #tpu.memory_space<semaphore_mem>>) src(%dma_wait3A_166 : memref<20480x64xf32, #tpu.memory_space<hbm>>) dst(%arg11 : memref<80x64xf32, #tpu.memory_space<vmem>>)
      %dma_start3A_167 = tpu.memref_slice %arg8[%mul3A_160] : memref<20000xi32, #tpu.memory_space<vmem>> -> memref<80xi32, #tpu.memory_space<vmem>>
      %dma_start3A_168 = arith.constant 0 : i32
      %dma_start3A_169 = arith.constant 0 : i32
      %dma_start3A_170 = tpu.memref_slice %arg13[%dma_start3A_168, %dma_start3A_169] : memref<10240x64xf32, #tpu.memory_space<vmem_shared>> -> memref<10240x64xf32, #tpu.memory_space<vmem_shared>>
      tpu.enqueue_indirect_dma source(%arg11 : memref<80x64xf32, #tpu.memory_space<vmem>>) target(%dma_start3A_170 : memref<10240x64xf32, #tpu.memory_space<vmem_shared>>) offsets(%dma_start3A_167 : memref<80xi32, #tpu.memory_space<vmem>>) semaphore(%arg20 : memref<!tpu.dma_semaphore, #tpu.memory_space<semaphore_mem>>) {add = true}
      %add3A_171 = arith.constant 3 : i32
      %add3A_172 = arith.addi %mul3A_129, %add3A_171 : i32
      %mul3A_173 = arith.constant 80 : i32
      %mul3A_174 = arith.muli %add3A_172, %mul3A_173 : i32
      %mul3A_175 = arith.constant 80 : i32
      %mul3A_176 = arith.muli %add3A_172, %mul3A_175 : i32
      %dma_wait3A_177 = tpu.memref_slice %arg7[%mul3A_176] : memref<20000xi32, #tpu.memory_space<vmem>> -> memref<80xi32, #tpu.memory_space<vmem>>
      %dma_wait3A_178 = arith.constant 0 : i32
      %dma_wait3A_179 = arith.constant 0 : i32
      %dma_wait3A_180 = tpu.memref_slice %arg2[%dma_wait3A_178, %dma_wait3A_179] : memref<20480x64xf32, #tpu.memory_space<hbm>> -> memref<20480x64xf32, #tpu.memory_space<hbm>>
      tpu.wait_indirect_dma semaphore(%arg17 : memref<!tpu.dma_semaphore, #tpu.memory_space<semaphore_mem>>) src(%dma_wait3A_180 : memref<20480x64xf32, #tpu.memory_space<hbm>>) dst(%arg12 : memref<80x64xf32, #tpu.memory_space<vmem>>)
      %dma_start3A_181 = tpu.memref_slice %arg8[%mul3A_174] : memref<20000xi32, #tpu.memory_space<vmem>> -> memref<80xi32, #tpu.memory_space<vmem>>
      %dma_start3A_182 = arith.constant 0 : i32
      %dma_start3A_183 = arith.constant 0 : i32
      %dma_start3A_184 = tpu.memref_slice %arg13[%dma_start3A_182, %dma_start3A_183] : memref<10240x64xf32, #tpu.memory_space<vmem_shared>> -> memref<10240x64xf32, #tpu.memory_space<vmem_shared>>
      tpu.enqueue_indirect_dma source(%arg12 : memref<80x64xf32, #tpu.memory_space<vmem>>) target(%dma_start3A_184 : memref<10240x64xf32, #tpu.memory_space<vmem_shared>>) offsets(%dma_start3A_181 : memref<80xi32, #tpu.memory_space<vmem>>) semaphore(%arg21 : memref<!tpu.dma_semaphore, #tpu.memory_space<semaphore_mem>>) {add = true}
      %add3A_185 = arith.constant 0 : i32
      %add3A_186 = arith.addi %mul3A_129, %add3A_185 : i32
      %mul3A_187 = arith.constant 80 : i32
      %mul3A_188 = arith.muli %add3A_186, %mul3A_187 : i32
      %dma_wait3A_189 = tpu.memref_slice %arg8[%mul3A_188] : memref<20000xi32, #tpu.memory_space<vmem>> -> memref<80xi32, #tpu.memory_space<vmem>>
      %dma_wait3A_190 = arith.constant 0 : i32
      %dma_wait3A_191 = arith.constant 0 : i32
      %dma_wait3A_192 = tpu.memref_slice %arg13[%dma_wait3A_190, %dma_wait3A_191] : memref<10240x64xf32, #tpu.memory_space<vmem_shared>> -> memref<10240x64xf32, #tpu.memory_space<vmem_shared>>
      tpu.wait_indirect_dma semaphore(%arg18 : memref<!tpu.dma_semaphore, #tpu.memory_space<semaphore_mem>>) src(%arg9 : memref<80x64xf32, #tpu.memory_space<vmem>>) dst(%dma_wait3A_192 : memref<10240x64xf32, #tpu.memory_space<vmem_shared>>)
      %add3A_193 = arith.constant 4 : i32
      %add3A_194 = arith.addi %mul3A_129, %add3A_193 : i32
      %add3A_195 = arith.constant 0 : i32
      %add3A_196 = arith.addi %add3A_194, %add3A_195 : i32
      %mul3A_197 = arith.constant 80 : i32
      %mul3A_198 = arith.muli %add3A_196, %mul3A_197 : i32
      %dma_start3A_199 = tpu.memref_slice %arg7[%mul3A_198] : memref<20000xi32, #tpu.memory_space<vmem>> -> memref<80xi32, #tpu.memory_space<vmem>>
      %dma_start3A_200 = arith.constant 0 : i32
      %dma_start3A_201 = arith.constant 0 : i32
      %dma_start3A_202 = tpu.memref_slice %arg2[%dma_start3A_200, %dma_start3A_201] : memref<20480x64xf32, #tpu.memory_space<hbm>> -> memref<20480x64xf32, #tpu.memory_space<hbm>>
      tpu.enqueue_indirect_dma source(%dma_start3A_202 : memref<20480x64xf32, #tpu.memory_space<hbm>>) target(%arg9 : memref<80x64xf32, #tpu.memory_space<vmem>>) offsets(%dma_start3A_199 : memref<80xi32, #tpu.memory_space<vmem>>) semaphore(%arg14 : memref<!tpu.dma_semaphore, #tpu.memory_space<semaphore_mem>>)
      %add3A_203 = arith.constant 1 : i32
      %add3A_204 = arith.addi %mul3A_129, %add3A_203 : i32
      %mul3A_205 = arith.constant 80 : i32
      %mul3A_206 = arith.muli %add3A_204, %mul3A_205 : i32
      %dma_wait3A_207 = tpu.memref_slice %arg8[%mul3A_206] : memref<20000xi32, #tpu.memory_space<vmem>> -> memref<80xi32, #tpu.memory_space<vmem>>
      %dma_wait3A_208 = arith.constant 0 : i32
      %dma_wait3A_209 = arith.constant 0 : i32
      %dma_wait3A_210 = tpu.memref_slice %arg13[%dma_wait3A_208, %dma_wait3A_209] : memref<10240x64xf32, #tpu.memory_space<vmem_shared>> -> memref<10240x64xf32, #tpu.memory_space<vmem_shared>>
      tpu.wait_indirect_dma semaphore(%arg19 : memref<!tpu.dma_semaphore, #tpu.memory_space<semaphore_mem>>) src(%arg10 : memref<80x64xf32, #tpu.memory_space<vmem>>) dst(%dma_wait3A_210 : memref<10240x64xf32, #tpu.memory_space<vmem_shared>>)
      %add3A_211 = arith.constant 4 : i32
      %add3A_212 = arith.addi %mul3A_129, %add3A_211 : i32
      %add3A_213 = arith.constant 1 : i32
      %add3A_214 = arith.addi %add3A_212, %add3A_213 : i32
      %mul3A_215 = arith.constant 80 : i32
      %mul3A_216 = arith.muli %add3A_214, %mul3A_215 : i32
      %dma_start3A_217 = tpu.memref_slice %arg7[%mul3A_216] : memref<20000xi32, #tpu.memory_space<vmem>> -> memref<80xi32, #tpu.memory_space<vmem>>
      %dma_start3A_218 = arith.constant 0 : i32
      %dma_start3A_219 = arith.constant 0 : i32
      %dma_start3A_220 = tpu.memref_slice %arg2[%dma_start3A_218, %dma_start3A_219] : memref<20480x64xf32, #tpu.memory_space<hbm>> -> memref<20480x64xf32, #tpu.memory_space<hbm>>
      tpu.enqueue_indirect_dma source(%dma_start3A_220 : memref<20480x64xf32, #tpu.memory_space<hbm>>) target(%arg10 : memref<80x64xf32, #tpu.memory_space<vmem>>) offsets(%dma_start3A_217 : memref<80xi32, #tpu.memory_space<vmem>>) semaphore(%arg15 : memref<!tpu.dma_semaphore, #tpu.memory_space<semaphore_mem>>)
      %add3A_221 = arith.constant 2 : i32
      %add3A_222 = arith.addi %mul3A_129, %add3A_221 : i32
      %mul3A_223 = arith.constant 80 : i32
      %mul3A_224 = arith.muli %add3A_222, %mul3A_223 : i32
      %dma_wait3A_225 = tpu.memref_slice %arg8[%mul3A_224] : memref<20000xi32, #tpu.memory_space<vmem>> -> memref<80xi32, #tpu.memory_space<vmem>>
      %dma_wait3A_226 = arith.constant 0 : i32
      %dma_wait3A_227 = arith.constant 0 : i32
      %dma_wait3A_228 = tpu.memref_slice %arg13[%dma_wait3A_226, %dma_wait3A_227] : memref<10240x64xf32, #tpu.memory_space<vmem_shared>> -> memref<10240x64xf32, #tpu.memory_space<vmem_shared>>
      tpu.wait_indirect_dma semaphore(%arg20 : memref<!tpu.dma_semaphore, #tpu.memory_space<semaphore_mem>>) src(%arg11 : memref<80x64xf32, #tpu.memory_space<vmem>>) dst(%dma_wait3A_228 : memref<10240x64xf32, #tpu.memory_space<vmem_shared>>)
      %add3A_229 = arith.constant 4 : i32
      %add3A_230 = arith.addi %mul3A_129, %add3A_229 : i32
      %add3A_231 = arith.constant 2 : i32
      %add3A_232 = arith.addi %add3A_230, %add3A_231 : i32
      %mul3A_233 = arith.constant 80 : i32
      %mul3A_234 = arith.muli %add3A_232, %mul3A_233 : i32
      %dma_start3A_235 = tpu.memref_slice %arg7[%mul3A_234] : memref<20000xi32, #tpu.memory_space<vmem>> -> memref<80xi32, #tpu.memory_space<vmem>>
      %dma_start3A_236 = arith.constant 0 : i32
      %dma_start3A_237 = arith.constant 0 : i32
      %dma_start3A_238 = tpu.memref_slice %arg2[%dma_start3A_236, %dma_start3A_237] : memref<20480x64xf32, #tpu.memory_space<hbm>> -> memref<20480x64xf32, #tpu.memory_space<hbm>>
      tpu.enqueue_indirect_dma source(%dma_start3A_238 : memref<20480x64xf32, #tpu.memory_space<hbm>>) target(%arg11 : memref<80x64xf32, #tpu.memory_space<vmem>>) offsets(%dma_start3A_235 : memref<80xi32, #tpu.memory_space<vmem>>) semaphore(%arg16 : memref<!tpu.dma_semaphore, #tpu.memory_space<semaphore_mem>>)
      %add3A_239 = arith.constant 3 : i32
      %add3A_240 = arith.addi %mul3A_129, %add3A_239 : i32
      %mul3A_241 = arith.constant 80 : i32
      %mul3A_242 = arith.muli %add3A_240, %mul3A_241 : i32
      %dma_wait3A_243 = tpu.memref_slice %arg8[%mul3A_242] : memref<20000xi32, #tpu.memory_space<vmem>> -> memref<80xi32, #tpu.memory_space<vmem>>
      %dma_wait3A_244 = arith.constant 0 : i32
      %dma_wait3A_245 = arith.constant 0 : i32
      %dma_wait3A_246 = tpu.memref_slice %arg13[%dma_wait3A_244, %dma_wait3A_245] : memref<10240x64xf32, #tpu.memory_space<vmem_shared>> -> memref<10240x64xf32, #tpu.memory_space<vmem_shared>>
      tpu.wait_indirect_dma semaphore(%arg21 : memref<!tpu.dma_semaphore, #tpu.memory_space<semaphore_mem>>) src(%arg12 : memref<80x64xf32, #tpu.memory_space<vmem>>) dst(%dma_wait3A_246 : memref<10240x64xf32, #tpu.memory_space<vmem_shared>>)
      %add3A_247 = arith.constant 4 : i32
      %add3A_248 = arith.addi %mul3A_129, %add3A_247 : i32
      %add3A_249 = arith.constant 3 : i32
      %add3A_250 = arith.addi %add3A_248, %add3A_249 : i32
      %mul3A_251 = arith.constant 80 : i32
      %mul3A_252 = arith.muli %add3A_250, %mul3A_251 : i32
      %dma_start3A_253 = tpu.memref_slice %arg7[%mul3A_252] : memref<20000xi32, #tpu.memory_space<vmem>> -> memref<80xi32, #tpu.memory_space<vmem>>
      %dma_start3A_254 = arith.constant 0 : i32
      %dma_start3A_255 = arith.constant 0 : i32
      %dma_start3A_256 = tpu.memref_slice %arg2[%dma_start3A_254, %dma_start3A_255] : memref<20480x64xf32, #tpu.memory_space<hbm>> -> memref<20480x64xf32, #tpu.memory_space<hbm>>
      tpu.enqueue_indirect_dma source(%dma_start3A_256 : memref<20480x64xf32, #tpu.memory_space<hbm>>) target(%arg12 : memref<80x64xf32, #tpu.memory_space<vmem>>) offsets(%dma_start3A_253 : memref<80xi32, #tpu.memory_space<vmem>>) semaphore(%arg17 : memref<!tpu.dma_semaphore, #tpu.memory_space<semaphore_mem>>)
    }
    %scan3A_26 = arith.constant 61 : i32
    %dma_wait3A = arith.constant 19520 : i32
    %dma_wait3A_27 = tpu.memref_slice %arg7[%dma_wait3A] : memref<20000xi32, #tpu.memory_space<vmem>> -> memref<80xi32, #tpu.memory_space<vmem>>
    %dma_wait3A_28 = arith.constant 0 : i32
    %dma_wait3A_29 = arith.constant 0 : i32
    %dma_wait3A_30 = tpu.memref_slice %arg2[%dma_wait3A_28, %dma_wait3A_29] : memref<20480x64xf32, #tpu.memory_space<hbm>> -> memref<20480x64xf32, #tpu.memory_space<hbm>>
    tpu.wait_indirect_dma semaphore(%arg14 : memref<!tpu.dma_semaphore, #tpu.memory_space<semaphore_mem>>) src(%dma_wait3A_30 : memref<20480x64xf32, #tpu.memory_space<hbm>>) dst(%arg9 : memref<80x64xf32, #tpu.memory_space<vmem>>)
    %dma_start3A_31 = arith.constant 19520 : i32
    %dma_start3A_32 = tpu.memref_slice %arg8[%dma_start3A_31] : memref<20000xi32, #tpu.memory_space<vmem>> -> memref<80xi32, #tpu.memory_space<vmem>>
    %dma_start3A_33 = arith.constant 0 : i32
    %dma_start3A_34 = arith.constant 0 : i32
    %dma_start3A_35 = tpu.memref_slice %arg13[%dma_start3A_33, %dma_start3A_34] : memref<10240x64xf32, #tpu.memory_space<vmem_shared>> -> memref<10240x64xf32, #tpu.memory_space<vmem_shared>>
    tpu.enqueue_indirect_dma source(%arg9 : memref<80x64xf32, #tpu.memory_space<vmem>>) target(%dma_start3A_35 : memref<10240x64xf32, #tpu.memory_space<vmem_shared>>) offsets(%dma_start3A_32 : memref<80xi32, #tpu.memory_space<vmem>>) semaphore(%arg18 : memref<!tpu.dma_semaphore, #tpu.memory_space<semaphore_mem>>) {add = true}
    %dma_wait3A_36 = arith.constant 19600 : i32
    %dma_wait3A_37 = tpu.memref_slice %arg7[%dma_wait3A_36] : memref<20000xi32, #tpu.memory_space<vmem>> -> memref<80xi32, #tpu.memory_space<vmem>>
    %dma_wait3A_38 = arith.constant 0 : i32
    %dma_wait3A_39 = arith.constant 0 : i32
    %dma_wait3A_40 = tpu.memref_slice %arg2[%dma_wait3A_38, %dma_wait3A_39] : memref<20480x64xf32, #tpu.memory_space<hbm>> -> memref<20480x64xf32, #tpu.memory_space<hbm>>
    tpu.wait_indirect_dma semaphore(%arg15 : memref<!tpu.dma_semaphore, #tpu.memory_space<semaphore_mem>>) src(%dma_wait3A_40 : memref<20480x64xf32, #tpu.memory_space<hbm>>) dst(%arg10 : memref<80x64xf32, #tpu.memory_space<vmem>>)
    %dma_start3A_41 = arith.constant 19600 : i32
    %dma_start3A_42 = tpu.memref_slice %arg8[%dma_start3A_41] : memref<20000xi32, #tpu.memory_space<vmem>> -> memref<80xi32, #tpu.memory_space<vmem>>
    %dma_start3A_43 = arith.constant 0 : i32
    %dma_start3A_44 = arith.constant 0 : i32
    %dma_start3A_45 = tpu.memref_slice %arg13[%dma_start3A_43, %dma_start3A_44] : memref<10240x64xf32, #tpu.memory_space<vmem_shared>> -> memref<10240x64xf32, #tpu.memory_space<vmem_shared>>
    tpu.enqueue_indirect_dma source(%arg10 : memref<80x64xf32, #tpu.memory_space<vmem>>) target(%dma_start3A_45 : memref<10240x64xf32, #tpu.memory_space<vmem_shared>>) offsets(%dma_start3A_42 : memref<80xi32, #tpu.memory_space<vmem>>) semaphore(%arg19 : memref<!tpu.dma_semaphore, #tpu.memory_space<semaphore_mem>>) {add = true}
    %dma_wait3A_46 = arith.constant 19680 : i32
    %dma_wait3A_47 = tpu.memref_slice %arg7[%dma_wait3A_46] : memref<20000xi32, #tpu.memory_space<vmem>> -> memref<80xi32, #tpu.memory_space<vmem>>
    %dma_wait3A_48 = arith.constant 0 : i32
    %dma_wait3A_49 = arith.constant 0 : i32
    %dma_wait3A_50 = tpu.memref_slice %arg2[%dma_wait3A_48, %dma_wait3A_49] : memref<20480x64xf32, #tpu.memory_space<hbm>> -> memref<20480x64xf32, #tpu.memory_space<hbm>>
    tpu.wait_indirect_dma semaphore(%arg16 : memref<!tpu.dma_semaphore, #tpu.memory_space<semaphore_mem>>) src(%dma_wait3A_50 : memref<20480x64xf32, #tpu.memory_space<hbm>>) dst(%arg11 : memref<80x64xf32, #tpu.memory_space<vmem>>)
    %dma_start3A_51 = arith.constant 19680 : i32
    %dma_start3A_52 = tpu.memref_slice %arg8[%dma_start3A_51] : memref<20000xi32, #tpu.memory_space<vmem>> -> memref<80xi32, #tpu.memory_space<vmem>>
    %dma_start3A_53 = arith.constant 0 : i32
    %dma_start3A_54 = arith.constant 0 : i32
    %dma_start3A_55 = tpu.memref_slice %arg13[%dma_start3A_53, %dma_start3A_54] : memref<10240x64xf32, #tpu.memory_space<vmem_shared>> -> memref<10240x64xf32, #tpu.memory_space<vmem_shared>>
    tpu.enqueue_indirect_dma source(%arg11 : memref<80x64xf32, #tpu.memory_space<vmem>>) target(%dma_start3A_55 : memref<10240x64xf32, #tpu.memory_space<vmem_shared>>) offsets(%dma_start3A_52 : memref<80xi32, #tpu.memory_space<vmem>>) semaphore(%arg20 : memref<!tpu.dma_semaphore, #tpu.memory_space<semaphore_mem>>) {add = true}
    %dma_wait3A_56 = arith.constant 19760 : i32
    %dma_wait3A_57 = tpu.memref_slice %arg7[%dma_wait3A_56] : memref<20000xi32, #tpu.memory_space<vmem>> -> memref<80xi32, #tpu.memory_space<vmem>>
    %dma_wait3A_58 = arith.constant 0 : i32
    %dma_wait3A_59 = arith.constant 0 : i32
    %dma_wait3A_60 = tpu.memref_slice %arg2[%dma_wait3A_58, %dma_wait3A_59] : memref<20480x64xf32, #tpu.memory_space<hbm>> -> memref<20480x64xf32, #tpu.memory_space<hbm>>
    tpu.wait_indirect_dma semaphore(%arg17 : memref<!tpu.dma_semaphore, #tpu.memory_space<semaphore_mem>>) src(%dma_wait3A_60 : memref<20480x64xf32, #tpu.memory_space<hbm>>) dst(%arg12 : memref<80x64xf32, #tpu.memory_space<vmem>>)
    %dma_start3A_61 = arith.constant 19760 : i32
    %dma_start3A_62 = tpu.memref_slice %arg8[%dma_start3A_61] : memref<20000xi32, #tpu.memory_space<vmem>> -> memref<80xi32, #tpu.memory_space<vmem>>
    %dma_start3A_63 = arith.constant 0 : i32
    %dma_start3A_64 = arith.constant 0 : i32
    %dma_start3A_65 = tpu.memref_slice %arg13[%dma_start3A_63, %dma_start3A_64] : memref<10240x64xf32, #tpu.memory_space<vmem_shared>> -> memref<10240x64xf32, #tpu.memory_space<vmem_shared>>
    tpu.enqueue_indirect_dma source(%arg12 : memref<80x64xf32, #tpu.memory_space<vmem>>) target(%dma_start3A_65 : memref<10240x64xf32, #tpu.memory_space<vmem_shared>>) offsets(%dma_start3A_62 : memref<80xi32, #tpu.memory_space<vmem>>) semaphore(%arg21 : memref<!tpu.dma_semaphore, #tpu.memory_space<semaphore_mem>>) {add = true}
    %dma_wait3A_66 = arith.constant 19520 : i32
    %dma_wait3A_67 = tpu.memref_slice %arg8[%dma_wait3A_66] : memref<20000xi32, #tpu.memory_space<vmem>> -> memref<80xi32, #tpu.memory_space<vmem>>
    %dma_wait3A_68 = arith.constant 0 : i32
    %dma_wait3A_69 = arith.constant 0 : i32
    %dma_wait3A_70 = tpu.memref_slice %arg13[%dma_wait3A_68, %dma_wait3A_69] : memref<10240x64xf32, #tpu.memory_space<vmem_shared>> -> memref<10240x64xf32, #tpu.memory_space<vmem_shared>>
    tpu.wait_indirect_dma semaphore(%arg18 : memref<!tpu.dma_semaphore, #tpu.memory_space<semaphore_mem>>) src(%arg9 : memref<80x64xf32, #tpu.memory_space<vmem>>) dst(%dma_wait3A_70 : memref<10240x64xf32, #tpu.memory_space<vmem_shared>>)
    %dma_start3A_71 = arith.constant 19840 : i32
    %dma_start3A_72 = tpu.memref_slice %arg7[%dma_start3A_71] : memref<20000xi32, #tpu.memory_space<vmem>> -> memref<80xi32, #tpu.memory_space<vmem>>
    %dma_start3A_73 = arith.constant 0 : i32
    %dma_start3A_74 = arith.constant 0 : i32
    %dma_start3A_75 = tpu.memref_slice %arg2[%dma_start3A_73, %dma_start3A_74] : memref<20480x64xf32, #tpu.memory_space<hbm>> -> memref<20480x64xf32, #tpu.memory_space<hbm>>
    tpu.enqueue_indirect_dma source(%dma_start3A_75 : memref<20480x64xf32, #tpu.memory_space<hbm>>) target(%arg9 : memref<80x64xf32, #tpu.memory_space<vmem>>) offsets(%dma_start3A_72 : memref<80xi32, #tpu.memory_space<vmem>>) semaphore(%arg14 : memref<!tpu.dma_semaphore, #tpu.memory_space<semaphore_mem>>)
    %dma_wait3A_76 = arith.constant 19600 : i32
    %dma_wait3A_77 = tpu.memref_slice %arg8[%dma_wait3A_76] : memref<20000xi32, #tpu.memory_space<vmem>> -> memref<80xi32, #tpu.memory_space<vmem>>
    %dma_wait3A_78 = arith.constant 0 : i32
    %dma_wait3A_79 = arith.constant 0 : i32
    %dma_wait3A_80 = tpu.memref_slice %arg13[%dma_wait3A_78, %dma_wait3A_79] : memref<10240x64xf32, #tpu.memory_space<vmem_shared>> -> memref<10240x64xf32, #tpu.memory_space<vmem_shared>>
    tpu.wait_indirect_dma semaphore(%arg19 : memref<!tpu.dma_semaphore, #tpu.memory_space<semaphore_mem>>) src(%arg10 : memref<80x64xf32, #tpu.memory_space<vmem>>) dst(%dma_wait3A_80 : memref<10240x64xf32, #tpu.memory_space<vmem_shared>>)
    %dma_start3A_81 = arith.constant 19920 : i32
    %dma_start3A_82 = tpu.memref_slice %arg7[%dma_start3A_81] : memref<20000xi32, #tpu.memory_space<vmem>> -> memref<80xi32, #tpu.memory_space<vmem>>
    %dma_start3A_83 = arith.constant 0 : i32
    %dma_start3A_84 = arith.constant 0 : i32
    %dma_start3A_85 = tpu.memref_slice %arg2[%dma_start3A_83, %dma_start3A_84] : memref<20480x64xf32, #tpu.memory_space<hbm>> -> memref<20480x64xf32, #tpu.memory_space<hbm>>
    tpu.enqueue_indirect_dma source(%dma_start3A_85 : memref<20480x64xf32, #tpu.memory_space<hbm>>) target(%arg10 : memref<80x64xf32, #tpu.memory_space<vmem>>) offsets(%dma_start3A_82 : memref<80xi32, #tpu.memory_space<vmem>>) semaphore(%arg15 : memref<!tpu.dma_semaphore, #tpu.memory_space<semaphore_mem>>)
    %dma_wait3A_86 = arith.constant 19840 : i32
    %dma_wait3A_87 = tpu.memref_slice %arg7[%dma_wait3A_86] : memref<20000xi32, #tpu.memory_space<vmem>> -> memref<80xi32, #tpu.memory_space<vmem>>
    %dma_wait3A_88 = arith.constant 0 : i32
    %dma_wait3A_89 = arith.constant 0 : i32
    %dma_wait3A_90 = tpu.memref_slice %arg2[%dma_wait3A_88, %dma_wait3A_89] : memref<20480x64xf32, #tpu.memory_space<hbm>> -> memref<20480x64xf32, #tpu.memory_space<hbm>>
    tpu.wait_indirect_dma semaphore(%arg14 : memref<!tpu.dma_semaphore, #tpu.memory_space<semaphore_mem>>) src(%dma_wait3A_90 : memref<20480x64xf32, #tpu.memory_space<hbm>>) dst(%arg9 : memref<80x64xf32, #tpu.memory_space<vmem>>)
    %dma_start3A_91 = arith.constant 19840 : i32
    %dma_start3A_92 = tpu.memref_slice %arg8[%dma_start3A_91] : memref<20000xi32, #tpu.memory_space<vmem>> -> memref<80xi32, #tpu.memory_space<vmem>>
    %dma_start3A_93 = arith.constant 0 : i32
    %dma_start3A_94 = arith.constant 0 : i32
    %dma_start3A_95 = tpu.memref_slice %arg13[%dma_start3A_93, %dma_start3A_94] : memref<10240x64xf32, #tpu.memory_space<vmem_shared>> -> memref<10240x64xf32, #tpu.memory_space<vmem_shared>>
    tpu.enqueue_indirect_dma source(%arg9 : memref<80x64xf32, #tpu.memory_space<vmem>>) target(%dma_start3A_95 : memref<10240x64xf32, #tpu.memory_space<vmem_shared>>) offsets(%dma_start3A_92 : memref<80xi32, #tpu.memory_space<vmem>>) semaphore(%arg18 : memref<!tpu.dma_semaphore, #tpu.memory_space<semaphore_mem>>) {add = true}
    %dma_wait3A_96 = arith.constant 19920 : i32
    %dma_wait3A_97 = tpu.memref_slice %arg7[%dma_wait3A_96] : memref<20000xi32, #tpu.memory_space<vmem>> -> memref<80xi32, #tpu.memory_space<vmem>>
    %dma_wait3A_98 = arith.constant 0 : i32
    %dma_wait3A_99 = arith.constant 0 : i32
    %dma_wait3A_100 = tpu.memref_slice %arg2[%dma_wait3A_98, %dma_wait3A_99] : memref<20480x64xf32, #tpu.memory_space<hbm>> -> memref<20480x64xf32, #tpu.memory_space<hbm>>
    tpu.wait_indirect_dma semaphore(%arg15 : memref<!tpu.dma_semaphore, #tpu.memory_space<semaphore_mem>>) src(%dma_wait3A_100 : memref<20480x64xf32, #tpu.memory_space<hbm>>) dst(%arg10 : memref<80x64xf32, #tpu.memory_space<vmem>>)
    %dma_start3A_101 = arith.constant 19920 : i32
    %dma_start3A_102 = tpu.memref_slice %arg8[%dma_start3A_101] : memref<20000xi32, #tpu.memory_space<vmem>> -> memref<80xi32, #tpu.memory_space<vmem>>
    %dma_start3A_103 = arith.constant 0 : i32
    %dma_start3A_104 = arith.constant 0 : i32
    %dma_start3A_105 = tpu.memref_slice %arg13[%dma_start3A_103, %dma_start3A_104] : memref<10240x64xf32, #tpu.memory_space<vmem_shared>> -> memref<10240x64xf32, #tpu.memory_space<vmem_shared>>
    tpu.enqueue_indirect_dma source(%arg10 : memref<80x64xf32, #tpu.memory_space<vmem>>) target(%dma_start3A_105 : memref<10240x64xf32, #tpu.memory_space<vmem_shared>>) offsets(%dma_start3A_102 : memref<80xi32, #tpu.memory_space<vmem>>) semaphore(%arg19 : memref<!tpu.dma_semaphore, #tpu.memory_space<semaphore_mem>>) {add = true}
    %dma_wait3A_106 = arith.constant 19680 : i32
    %dma_wait3A_107 = tpu.memref_slice %arg8[%dma_wait3A_106] : memref<20000xi32, #tpu.memory_space<vmem>> -> memref<80xi32, #tpu.memory_space<vmem>>
    %dma_wait3A_108 = arith.constant 0 : i32
    %dma_wait3A_109 = arith.constant 0 : i32
    %dma_wait3A_110 = tpu.memref_slice %arg13[%dma_wait3A_108, %dma_wait3A_109] : memref<10240x64xf32, #tpu.memory_space<vmem_shared>> -> memref<10240x64xf32, #tpu.memory_space<vmem_shared>>
    tpu.wait_indirect_dma semaphore(%arg20 : memref<!tpu.dma_semaphore, #tpu.memory_space<semaphore_mem>>) src(%arg11 : memref<80x64xf32, #tpu.memory_space<vmem>>) dst(%dma_wait3A_110 : memref<10240x64xf32, #tpu.memory_space<vmem_shared>>)
    %dma_wait3A_111 = arith.constant 19760 : i32
    %dma_wait3A_112 = tpu.memref_slice %arg8[%dma_wait3A_111] : memref<20000xi32, #tpu.memory_space<vmem>> -> memref<80xi32, #tpu.memory_space<vmem>>
    %dma_wait3A_113 = arith.constant 0 : i32
    %dma_wait3A_114 = arith.constant 0 : i32
    %dma_wait3A_115 = tpu.memref_slice %arg13[%dma_wait3A_113, %dma_wait3A_114] : memref<10240x64xf32, #tpu.memory_space<vmem_shared>> -> memref<10240x64xf32, #tpu.memory_space<vmem_shared>>
    tpu.wait_indirect_dma semaphore(%arg21 : memref<!tpu.dma_semaphore, #tpu.memory_space<semaphore_mem>>) src(%arg12 : memref<80x64xf32, #tpu.memory_space<vmem>>) dst(%dma_wait3A_115 : memref<10240x64xf32, #tpu.memory_space<vmem_shared>>)
    %dma_wait3A_116 = arith.constant 19840 : i32
    %dma_wait3A_117 = tpu.memref_slice %arg8[%dma_wait3A_116] : memref<20000xi32, #tpu.memory_space<vmem>> -> memref<80xi32, #tpu.memory_space<vmem>>
    %dma_wait3A_118 = arith.constant 0 : i32
    %dma_wait3A_119 = arith.constant 0 : i32
    %dma_wait3A_120 = tpu.memref_slice %arg13[%dma_wait3A_118, %dma_wait3A_119] : memref<10240x64xf32, #tpu.memory_space<vmem_shared>> -> memref<10240x64xf32, #tpu.memory_space<vmem_shared>>
    tpu.wait_indirect_dma semaphore(%arg18 : memref<!tpu.dma_semaphore, #tpu.memory_space<semaphore_mem>>) src(%arg9 : memref<80x64xf32, #tpu.memory_space<vmem>>) dst(%dma_wait3A_120 : memref<10240x64xf32, #tpu.memory_space<vmem_shared>>)
    %dma_wait3A_121 = arith.constant 19920 : i32
    %dma_wait3A_122 = tpu.memref_slice %arg8[%dma_wait3A_121] : memref<20000xi32, #tpu.memory_space<vmem>> -> memref<80xi32, #tpu.memory_space<vmem>>
    %dma_wait3A_123 = arith.constant 0 : i32
    %dma_wait3A_124 = arith.constant 0 : i32
    %dma_wait3A_125 = tpu.memref_slice %arg13[%dma_wait3A_123, %dma_wait3A_124] : memref<10240x64xf32, #tpu.memory_space<vmem_shared>> -> memref<10240x64xf32, #tpu.memory_space<vmem_shared>>
    tpu.wait_indirect_dma semaphore(%arg19 : memref<!tpu.dma_semaphore, #tpu.memory_space<semaphore_mem>>) src(%arg10 : memref<80x64xf32, #tpu.memory_space<vmem>>) dst(%dma_wait3A_125 : memref<10240x64xf32, #tpu.memory_space<vmem_shared>>)
    %barrier3A_126 = arith.constant 0 : index
    tpu.barrier barrier_id(%barrier3A_126)
    "tpu.region"() ({
      %run_scoped3A = tpu.sem_alloc : memref<!tpu.dma_semaphore, #tpu.memory_space<semaphore_mem>>
      %dma_start3A_127 = arith.constant 0 : i32
      %dma_start3A_128 = tpu.memref_slice %arg6[%arg0, %mul3A_0, %dma_start3A_127] : memref<2x10240x64xf32, #tpu.memory_space<hbm>> -> memref<1x640x64xf32, #tpu.memory_space<hbm>>
      %dma_start3A_129 = tpu.memref_squeeze %dma_start3A_128 : memref<1x640x64xf32, #tpu.memory_space<hbm>> -> memref<640x64xf32, #tpu.memory_space<hbm>>
      %dma_start3A_130 = arith.constant 0 : i32
      %dma_start3A_131 = tpu.memref_slice %arg13[%mul3A_0, %dma_start3A_130] : memref<10240x64xf32, #tpu.memory_space<vmem_shared>> -> memref<640x64xf32, #tpu.memory_space<vmem_shared>>
      tpu.enqueue_dma source(%dma_start3A_131 : memref<640x64xf32, #tpu.memory_space<vmem_shared>>) target(%dma_start3A_129 : memref<640x64xf32, #tpu.memory_space<hbm>>) target_semaphore(%run_scoped3A : memref<!tpu.dma_semaphore, #tpu.memory_space<semaphore_mem>>)
      %dma_wait3A_132 = arith.constant 0 : i32
      %dma_wait3A_133 = tpu.memref_slice %arg6[%arg0, %mul3A_0, %dma_wait3A_132] : memref<2x10240x64xf32, #tpu.memory_space<hbm>> -> memref<1x640x64xf32, #tpu.memory_space<hbm>>
      %dma_wait3A_134 = tpu.memref_squeeze %dma_wait3A_133 : memref<1x640x64xf32, #tpu.memory_space<hbm>> -> memref<640x64xf32, #tpu.memory_space<hbm>>
      %dma_wait3A_135 = arith.constant 0 : i32
      %dma_wait3A_136 = tpu.memref_slice %arg13[%mul3A_0, %dma_wait3A_135] : memref<10240x64xf32, #tpu.memory_space<vmem_shared>> -> memref<640x64xf32, #tpu.memory_space<vmem_shared>>
      tpu.wait_dma2 semaphore(%run_scoped3A : memref<!tpu.dma_semaphore, #tpu.memory_space<semaphore_mem>>) src(%dma_wait3A_136 : memref<640x64xf32, #tpu.memory_space<vmem_shared>>) dst(%dma_wait3A_134 : memref<640x64xf32, #tpu.memory_space<hbm>>)
      tpu.yield
    }) : () -> ()
    return
  }
}

#map = affine_map<(d0, d1) -> (0)>
module attributes {stable_mosaic.version = 14 : i64} {
  func.func @sc_edge_score(%arg0: i32, %arg1: i32, %arg2: memref<20480xf32, #tpu.memory_space<hbm>>, %arg3: memref<320000xi32, #tpu.memory_space<hbm>>, %arg4: memref<320000xi32, #tpu.memory_space<hbm>>, %arg5: memref<320000xf32, #tpu.memory_space<hbm>>, %arg6: memref<20480xf32, #tpu.memory_space<vmem>>, %arg7: memref<10000xi32, #tpu.memory_space<vmem>>, %arg8: memref<10000xi32, #tpu.memory_space<vmem>>, %arg9: memref<10000xf32, #tpu.memory_space<vmem>>) attributes {dimension_semantics = [#tpu.dimension_semantics<core_parallel>, #tpu.dimension_semantics<subcore_parallel>], iteration_bounds = array<i64: 2, 16>, scalar_prefetch = 0 : i64, scratch_operands = 4 : i64, tpu.core_type = #tpu.core_type<sc_vector_subcore>, window_params = [{transform_indices = #map}, {transform_indices = #map}, {transform_indices = #map}, {transform_indices = #map}]} {
    %mul3A = arith.constant 2 : i32
    %mul3A_0 = arith.muli %arg1, %mul3A : i32
    %add3A = arith.addi %mul3A_0, %arg0 : i32
    %mul3A_1 = arith.constant 10000 : i32
    %mul3A_2 = arith.muli %add3A, %mul3A_1 : i32
    "tpu.region"() ({
      %run_scoped3A = tpu.sem_alloc : memref<!tpu.dma_semaphore, #tpu.memory_space<semaphore_mem>>
      tpu.enqueue_dma source(%arg2 : memref<20480xf32, #tpu.memory_space<hbm>>) target(%arg6 : memref<20480xf32, #tpu.memory_space<vmem>>) target_semaphore(%run_scoped3A : memref<!tpu.dma_semaphore, #tpu.memory_space<semaphore_mem>>)
      tpu.wait_dma2 semaphore(%run_scoped3A : memref<!tpu.dma_semaphore, #tpu.memory_space<semaphore_mem>>) src(%arg2 : memref<20480xf32, #tpu.memory_space<hbm>>) dst(%arg6 : memref<20480xf32, #tpu.memory_space<vmem>>)
      tpu.yield
    }) : () -> ()
    "tpu.region"() ({
      %run_scoped3A = tpu.sem_alloc : memref<!tpu.dma_semaphore, #tpu.memory_space<semaphore_mem>>
      %dma_start3A = tpu.memref_slice %arg3[%mul3A_2] : memref<320000xi32, #tpu.memory_space<hbm>> -> memref<10000xi32, #tpu.memory_space<hbm>>
      %dma_start3A_8 = tpu.memref_slice %arg3[%mul3A_2] : memref<320000xi32, #tpu.memory_space<hbm>> -> memref<10000xi32, #tpu.memory_space<hbm>>
      tpu.enqueue_dma source(%dma_start3A_8 : memref<10000xi32, #tpu.memory_space<hbm>>) target(%arg7 : memref<10000xi32, #tpu.memory_space<vmem>>) target_semaphore(%run_scoped3A : memref<!tpu.dma_semaphore, #tpu.memory_space<semaphore_mem>>)
      %dma_wait3A = tpu.memref_slice %arg3[%mul3A_2] : memref<320000xi32, #tpu.memory_space<hbm>> -> memref<10000xi32, #tpu.memory_space<hbm>>
      %dma_wait3A_9 = tpu.memref_slice %arg3[%mul3A_2] : memref<320000xi32, #tpu.memory_space<hbm>> -> memref<10000xi32, #tpu.memory_space<hbm>>
      tpu.wait_dma2 semaphore(%run_scoped3A : memref<!tpu.dma_semaphore, #tpu.memory_space<semaphore_mem>>) src(%dma_wait3A_9 : memref<10000xi32, #tpu.memory_space<hbm>>) dst(%arg7 : memref<10000xi32, #tpu.memory_space<vmem>>)
      tpu.yield
    }) : () -> ()
    "tpu.region"() ({
      %run_scoped3A = tpu.sem_alloc : memref<!tpu.dma_semaphore, #tpu.memory_space<semaphore_mem>>
      %dma_start3A = tpu.memref_slice %arg4[%mul3A_2] : memref<320000xi32, #tpu.memory_space<hbm>> -> memref<10000xi32, #tpu.memory_space<hbm>>
      %dma_start3A_8 = tpu.memref_slice %arg4[%mul3A_2] : memref<320000xi32, #tpu.memory_space<hbm>> -> memref<10000xi32, #tpu.memory_space<hbm>>
      tpu.enqueue_dma source(%dma_start3A_8 : memref<10000xi32, #tpu.memory_space<hbm>>) target(%arg8 : memref<10000xi32, #tpu.memory_space<vmem>>) target_semaphore(%run_scoped3A : memref<!tpu.dma_semaphore, #tpu.memory_space<semaphore_mem>>)
      %dma_wait3A = tpu.memref_slice %arg4[%mul3A_2] : memref<320000xi32, #tpu.memory_space<hbm>> -> memref<10000xi32, #tpu.memory_space<hbm>>
      %dma_wait3A_9 = tpu.memref_slice %arg4[%mul3A_2] : memref<320000xi32, #tpu.memory_space<hbm>> -> memref<10000xi32, #tpu.memory_space<hbm>>
      tpu.wait_dma2 semaphore(%run_scoped3A : memref<!tpu.dma_semaphore, #tpu.memory_space<semaphore_mem>>) src(%dma_wait3A_9 : memref<10000xi32, #tpu.memory_space<hbm>>) dst(%arg8 : memref<10000xi32, #tpu.memory_space<vmem>>)
      tpu.yield
    }) : () -> ()
    %scan3A = arith.constant 0 : i32
    %scan3A_3 = arith.constant 0 : i32
    %scan3A_4 = arith.constant 625 : i32
    %scan3A_5 = arith.addi %scan3A_3, %scan3A_4 : i32
    %scan3A_6 = arith.constant 1 : i32
    scf.for %scan3A_8 = %scan3A_3 to %scan3A_5 step %scan3A_6  : i32 {
      %mul3A_9 = arith.constant 16 : i32
      %mul3A_10 = arith.muli %scan3A_8, %mul3A_9 : i32
      %get3A = arith.index_cast %mul3A_10 : i32 to index
      %get3A_11 = tpu.vector_load %arg7[%get3A] {strides = array<i32>} : memref<10000xi32, #tpu.memory_space<vmem>>, vector<16xi32>,
      %get3A_12 = arith.index_cast %mul3A_10 : i32 to index
      %get3A_13 = tpu.vector_load %arg8[%get3A_12] {strides = array<i32>} : memref<10000xi32, #tpu.memory_space<vmem>>, vector<16xi32>,
      %mul3A_14 = arith.constant 2 : i32
      %mul3A_15 = vector.broadcast %mul3A_14 : i32 to vector<16xi32>
      %mul3A_16 = arith.muli %get3A_11, %mul3A_15 : vector<16xi32>
      %gather3A = tpu.vector_load_idx %arg6[%mul3A_16] : memref<20480xf32, #tpu.memory_space<vmem>>[vector<16xi32>], vector<16xf32>,
      %mul3A_17 = arith.constant 2 : i32
      %mul3A_18 = vector.broadcast %mul3A_17 : i32 to vector<16xi32>
      %mul3A_19 = arith.muli %get3A_13, %mul3A_18 : vector<16xi32>
      %add3A_20 = arith.constant 1 : i32
      %add3A_21 = vector.broadcast %add3A_20 : i32 to vector<16xi32>
      %add3A_22 = arith.addi %mul3A_19, %add3A_21 : vector<16xi32>
      %gather3A_23 = tpu.vector_load_idx %arg6[%add3A_22] : memref<20480xf32, #tpu.memory_space<vmem>>[vector<16xi32>], vector<16xf32>,
      %add3A_24 = arith.addf %gather3A, %gather3A_23 : vector<16xf32>
      %swap3A = arith.index_cast %mul3A_10 : i32 to index
      %swap3A_25 = tpu.vector_load %arg9[%swap3A] {strides = array<i32>} : memref<10000xf32, #tpu.memory_space<vmem>>, vector<16xf32>,
      tpu.vector_store %arg9[%swap3A], %add3A_24 {strides = array<i32>} : memref<10000xf32, #tpu.memory_space<vmem>>, vector<16xf32>,
    }
    %scan3A_7 = arith.constant 625 : i32
    "tpu.region"() ({
      %run_scoped3A = tpu.sem_alloc : memref<!tpu.dma_semaphore, #tpu.memory_space<semaphore_mem>>
      %dma_start3A = tpu.memref_slice %arg5[%mul3A_2] : memref<320000xf32, #tpu.memory_space<hbm>> -> memref<10000xf32, #tpu.memory_space<hbm>>
      %dma_start3A_8 = tpu.memref_slice %arg5[%mul3A_2] : memref<320000xf32, #tpu.memory_space<hbm>> -> memref<10000xf32, #tpu.memory_space<hbm>>
      tpu.enqueue_dma source(%arg9 : memref<10000xf32, #tpu.memory_space<vmem>>) target(%dma_start3A_8 : memref<10000xf32, #tpu.memory_space<hbm>>) target_semaphore(%run_scoped3A : memref<!tpu.dma_semaphore, #tpu.memory_space<semaphore_mem>>)
      %dma_wait3A = tpu.memref_slice %arg5[%mul3A_2] : memref<320000xf32, #tpu.memory_space<hbm>> -> memref<10000xf32, #tpu.memory_space<hbm>>
      %dma_wait3A_9 = tpu.memref_slice %arg5[%mul3A_2] : memref<320000xf32, #tpu.memory_space<hbm>> -> memref<10000xf32, #tpu.memory_space<hbm>>
      tpu.wait_dma2 semaphore(%run_scoped3A : memref<!tpu.dma_semaphore, #tpu.memory_space<semaphore_mem>>) src(%arg9 : memref<10000xf32, #tpu.memory_space<vmem>>) dst(%dma_wait3A_9 : memref<10000xf32, #tpu.memory_space<hbm>>)
      tpu.yield
    }) : () -> ()
    return
  }
}

module attributes {stable_mosaic.version = 14 : i64} {
  func.func @_conv1_body(%arg0: i32, %arg1: memref<2048x128xf32, #tpu.memory_space<vmem>>, %arg2: memref<2x2048x64xf32, #tpu.memory_space<vmem>>, %arg3: memref<2x2048x8xf32, #tpu.memory_space<vmem>>, %arg4: memref<128x128xf32, #tpu.memory_space<vmem>>, %arg5: memref<1x128xf32, #tpu.memory_space<vmem>>, %arg6: memref<2048x128xf32, #tpu.memory_space<vmem>>) attributes {dimension_semantics = [#tpu.dimension_semantics<arbitrary>], iteration_bounds = array<i64: 5>, scalar_prefetch = 0 : i64, scratch_operands = 0 : i64, tpu.core_type = #tpu.core_type<tc>, window_params = [{transform_indices = @transform_0, window_bounds = array<i64: 2048, 128>}, {transform_indices = @transform_1, window_bounds = array<i64: 2, 2048, 64>}, {transform_indices = @transform_2, window_bounds = array<i64: 2, 2048, 8>}, {pipeline_mode = #tpu.pipeline_mode<synchronous>, transform_indices = @transform_3, window_bounds = array<i64: 128, 128>}, {pipeline_mode = #tpu.pipeline_mode<synchronous>, transform_indices = @transform_4, window_bounds = array<i64: 1, 128>}, {transform_indices = @transform_5, window_bounds = array<i64: 2048, 128>}]} {
    %get3A = arith.constant 0 : index
    %get3A_0 = arith.constant 0 : index
    %get3A_1 = arith.constant 0 : index
    %get3A_2 = vector.load %arg3[%get3A, %get3A_0, %get3A_1] : memref<2x2048x8xf32, #tpu.memory_space<vmem>>, vector<1x2048x1xf32>
    %get3A_3 = vector.shape_cast %get3A_2 : vector<1x2048x1xf32> to vector<2048x1xf32>
    %get3A_4 = arith.constant 0 : index
    %get3A_5 = arith.constant 0 : index
    %get3A_6 = arith.constant 0 : index
    %get3A_7 = vector.load %arg2[%get3A_4, %get3A_5, %get3A_6] : memref<2x2048x64xf32, #tpu.memory_space<vmem>>, vector<1x2048x64xf32>
    %get3A_8 = vector.shape_cast %get3A_7 : vector<1x2048x64xf32> to vector<2048x64xf32>
    %get3A_9 = arith.constant 1 : index
    %get3A_10 = arith.constant 0 : index
    %get3A_11 = arith.constant 0 : index
    %get3A_12 = vector.load %arg2[%get3A_9, %get3A_10, %get3A_11] : memref<2x2048x64xf32, #tpu.memory_space<vmem>>, vector<1x2048x64xf32>
    %get3A_13 = vector.shape_cast %get3A_12 : vector<1x2048x64xf32> to vector<2048x64xf32>
    %concatenate3A = tpu.concatenate %get3A_8, %get3A_13 in 1 : vector<2048x64xf32>, vector<2048x64xf32> -> vector<2048x128xf32>
    %get3A_14 = arith.constant 0 : index
    %get3A_15 = arith.constant 0 : index
    %get3A_16 = vector.load %arg1[%get3A_14, %get3A_15] : memref<2048x128xf32, #tpu.memory_space<vmem>>, vector<2048x128xf32>
    %add3A = arith.addf %concatenate3A, %get3A_16 : vector<2048x128xf32>
    %add3A_17 = arith.constant 1.000000e+00 : f32
    %add3A_18 = vector.broadcast %add3A_17 : f32 to vector<2048x1xf32>
    %add3A_19 = arith.addf %get3A_3, %add3A_18 : vector<2048x1xf32>
    %div3A = vector.broadcast %add3A_19 : vector<2048x1xf32> to vector<2048x128xf32>
    %div3A_20 = arith.divf %add3A, %div3A : vector<2048x128xf32>
    %get3A_21 = arith.constant 0 : index
    %get3A_22 = arith.constant 0 : index
    %get3A_23 = vector.load %arg4[%get3A_21, %get3A_22] : memref<128x128xf32, #tpu.memory_space<vmem>>, vector<128x128xf32>
    %dot_general3A = arith.constant dense<0.000000e+00> : vector<2048x128xf32>
    %dot_general3A_24 = tpu.matmul %div3A_20, %get3A_23, %dot_general3A {dimension_numbers = #tpu.dot_dimension_numbers<[1], [0], [0], [1], [0, 0, 1, 1], [], []>, transpose_lhs_hint = false} : vector<2048x128xf32>, vector<128x128xf32>, vector<2048x128xf32> -> vector<2048x128xf32>
    %get3A_25 = arith.constant 0 : index
    %get3A_26 = arith.constant 0 : index
    %get3A_27 = vector.load %arg5[%get3A_25, %get3A_26] : memref<1x128xf32, #tpu.memory_space<vmem>>, vector<1x128xf32>
    %add3A_28 = vector.broadcast %get3A_27 : vector<1x128xf32> to vector<2048x128xf32>
    %add3A_29 = arith.addf %dot_general3A_24, %add3A_28 : vector<2048x128xf32>
    %max3A = arith.constant 0.000000e+00 : f32
    %max3A_30 = vector.broadcast %max3A : f32 to vector<2048x128xf32>
    %max3A_31 = arith.maximumf %add3A_29, %max3A_30 : vector<2048x128xf32>
    %swap3A = arith.constant 0 : index
    %swap3A_32 = arith.constant 0 : index
    %swap3A_33 = vector.load %arg6[%swap3A, %swap3A_32] : memref<2048x128xf32, #tpu.memory_space<vmem>>, vector<2048x128xf32>
    tpu.vector_store %arg6[%swap3A, %swap3A_32], %max3A_31 {strides = array<i32>} : memref<2048x128xf32, #tpu.memory_space<vmem>>, vector<2048x128xf32>,
    return
  }
  func.func @transform_0(%arg0: i32) -> (i32, i32) {
    %c0_i32 = arith.constant 0 : i32
    %c0_i32_0 = arith.constant 0 : i32
    return %arg0, %c0_i32 : i32, i32
  }
  func.func @transform_1(%arg0: i32) -> (i32, i32, i32) {
    %c0_i32 = arith.constant 0 : i32
    %c0_i32_0 = arith.constant 0 : i32
    %c0_i32_1 = arith.constant 0 : i32
    return %c0_i32, %arg0, %c0_i32_0 : i32, i32, i32
  }
  func.func @transform_2(%arg0: i32) -> (i32, i32, i32) {
    %c0_i32 = arith.constant 0 : i32
    %c0_i32_0 = arith.constant 0 : i32
    %c0_i32_1 = arith.constant 0 : i32
    return %c0_i32, %arg0, %c0_i32_0 : i32, i32, i32
  }
  func.func @transform_3(%arg0: i32) -> (i32, i32) {
    %c0_i32 = arith.constant 0 : i32
    %c0_i32_0 = arith.constant 0 : i32
    %c0_i32_1 = arith.constant 0 : i32
    return %c0_i32, %c0_i32_0 : i32, i32
  }
  func.func @transform_4(%arg0: i32) -> (i32, i32) {
    %c0_i32 = arith.constant 0 : i32
    %c0_i32_0 = arith.constant 0 : i32
    %c0_i32_1 = arith.constant 0 : i32
    return %c0_i32, %c0_i32_0 : i32, i32
  }
  func.func @transform_5(%arg0: i32) -> (i32, i32) {
    %c0_i32 = arith.constant 0 : i32
    %c0_i32_0 = arith.constant 0 : i32
    return %arg0, %c0_i32 : i32, i32
  }
}

module attributes {stable_mosaic.version = 14 : i64} {
  func.func @_conv2_body(%arg0: i32, %arg1: memref<2048x128xf32, #tpu.memory_space<vmem>>, %arg2: memref<2x2048x64xf32, #tpu.memory_space<vmem>>, %arg3: memref<2x2048x8xf32, #tpu.memory_space<vmem>>, %arg4: memref<128x128xf32, #tpu.memory_space<vmem>>, %arg5: memref<128x128xf32, #tpu.memory_space<vmem>>, %arg6: memref<1x128xf32, #tpu.memory_space<vmem>>, %arg7: memref<128x2xf32, #tpu.memory_space<vmem>>, %arg8: memref<1x2xf32, #tpu.memory_space<vmem>>, %arg9: memref<2048x2xf32, #tpu.memory_space<vmem>>) attributes {dimension_semantics = [#tpu.dimension_semantics<arbitrary>], iteration_bounds = array<i64: 5>, scalar_prefetch = 0 : i64, scratch_operands = 0 : i64, tpu.core_type = #tpu.core_type<tc>, window_params = [{transform_indices = @transform_0, window_bounds = array<i64: 2048, 128>}, {transform_indices = @transform_1, window_bounds = array<i64: 2, 2048, 64>}, {transform_indices = @transform_2, window_bounds = array<i64: 2, 2048, 8>}, {pipeline_mode = #tpu.pipeline_mode<synchronous>, transform_indices = @transform_3, window_bounds = array<i64: 128, 128>}, {pipeline_mode = #tpu.pipeline_mode<synchronous>, transform_indices = @transform_4, window_bounds = array<i64: 128, 128>}, {pipeline_mode = #tpu.pipeline_mode<synchronous>, transform_indices = @transform_5, window_bounds = array<i64: 1, 128>}, {pipeline_mode = #tpu.pipeline_mode<synchronous>, transform_indices = @transform_6, window_bounds = array<i64: 128, 2>}, {pipeline_mode = #tpu.pipeline_mode<synchronous>, transform_indices = @transform_7, window_bounds = array<i64: 1, 2>}, {transform_indices = @transform_8, window_bounds = array<i64: 2048, 2>}]} {
    %get3A = arith.constant 0 : index
    %get3A_0 = arith.constant 0 : index
    %get3A_1 = arith.constant 0 : index
    %get3A_2 = vector.load %arg3[%get3A, %get3A_0, %get3A_1] : memref<2x2048x8xf32, #tpu.memory_space<vmem>>, vector<1x2048x1xf32>
    %get3A_3 = vector.shape_cast %get3A_2 : vector<1x2048x1xf32> to vector<2048x1xf32>
    %max3A = arith.constant 1.000000e+00 : f32
    %max3A_4 = vector.broadcast %max3A : f32 to vector<2048x1xf32>
    %max3A_5 = arith.maximumf %get3A_3, %max3A_4 : vector<2048x1xf32>
    %get3A_6 = arith.constant 0 : index
    %get3A_7 = arith.constant 0 : index
    %get3A_8 = arith.constant 0 : index
    %get3A_9 = vector.load %arg2[%get3A_6, %get3A_7, %get3A_8] : memref<2x2048x64xf32, #tpu.memory_space<vmem>>, vector<1x2048x64xf32>
    %get3A_10 = vector.shape_cast %get3A_9 : vector<1x2048x64xf32> to vector<2048x64xf32>
    %get3A_11 = arith.constant 1 : index
    %get3A_12 = arith.constant 0 : index
    %get3A_13 = arith.constant 0 : index
    %get3A_14 = vector.load %arg2[%get3A_11, %get3A_12, %get3A_13] : memref<2x2048x64xf32, #tpu.memory_space<vmem>>, vector<1x2048x64xf32>
    %get3A_15 = vector.shape_cast %get3A_14 : vector<1x2048x64xf32> to vector<2048x64xf32>
    %concatenate3A = tpu.concatenate %get3A_10, %get3A_15 in 1 : vector<2048x64xf32>, vector<2048x64xf32> -> vector<2048x128xf32>
    %div3A = vector.broadcast %max3A_5 : vector<2048x1xf32> to vector<2048x128xf32>
    %div3A_16 = arith.divf %concatenate3A, %div3A : vector<2048x128xf32>
    %get3A_17 = arith.constant 0 : index
    %get3A_18 = arith.constant 0 : index
    %get3A_19 = vector.load %arg1[%get3A_17, %get3A_18] : memref<2048x128xf32, #tpu.memory_space<vmem>>, vector<2048x128xf32>
    %get3A_20 = arith.constant 0 : index
    %get3A_21 = arith.constant 0 : index
    %get3A_22 = vector.load %arg4[%get3A_20, %get3A_21] : memref<128x128xf32, #tpu.memory_space<vmem>>, vector<128x128xf32>
    %dot_general3A = arith.constant dense<0.000000e+00> : vector<2048x128xf32>
    %dot_general3A_23 = tpu.matmul %get3A_19, %get3A_22, %dot_general3A {dimension_numbers = #tpu.dot_dimension_numbers<[1], [0], [0], [1], [0, 0, 1, 1], [], []>, transpose_lhs_hint = false} : vector<2048x128xf32>, vector<128x128xf32>, vector<2048x128xf32> -> vector<2048x128xf32>
    %get3A_24 = arith.constant 0 : index
    %get3A_25 = arith.constant 0 : index
    %get3A_26 = vector.load %arg5[%get3A_24, %get3A_25] : memref<128x128xf32, #tpu.memory_space<vmem>>, vector<128x128xf32>
    %dot_general3A_27 = arith.constant dense<0.000000e+00> : vector<2048x128xf32>
    %dot_general3A_28 = tpu.matmul %div3A_16, %get3A_26, %dot_general3A_27 {dimension_numbers = #tpu.dot_dimension_numbers<[1], [0], [0], [1], [0, 0, 1, 1], [], []>, transpose_lhs_hint = false} : vector<2048x128xf32>, vector<128x128xf32>, vector<2048x128xf32> -> vector<2048x128xf32>
    %add3A = arith.addf %dot_general3A_23, %dot_general3A_28 : vector<2048x128xf32>
    %get3A_29 = arith.constant 0 : index
    %get3A_30 = arith.constant 0 : index
    %get3A_31 = vector.load %arg6[%get3A_29, %get3A_30] : memref<1x128xf32, #tpu.memory_space<vmem>>, vector<1x128xf32>
    %add3A_32 = vector.broadcast %get3A_31 : vector<1x128xf32> to vector<2048x128xf32>
    %add3A_33 = arith.addf %add3A, %add3A_32 : vector<2048x128xf32>
    %get3A_34 = arith.constant 0 : index
    %get3A_35 = arith.constant 0 : index
    %get3A_36 = vector.load %arg7[%get3A_34, %get3A_35] : memref<128x2xf32, #tpu.memory_space<vmem>>, vector<128x2xf32>
    %dot_general3A_37 = arith.constant dense<0.000000e+00> : vector<2048x2xf32>
    %dot_general3A_38 = tpu.matmul %add3A_33, %get3A_36, %dot_general3A_37 {dimension_numbers = #tpu.dot_dimension_numbers<[1], [0], [0], [1], [0, 0, 1, 1], [], []>, transpose_lhs_hint = false} : vector<2048x128xf32>, vector<128x2xf32>, vector<2048x2xf32> -> vector<2048x2xf32>
    %get3A_39 = arith.constant 0 : index
    %get3A_40 = arith.constant 0 : index
    %get3A_41 = vector.load %arg8[%get3A_39, %get3A_40] : memref<1x2xf32, #tpu.memory_space<vmem>>, vector<1x2xf32>
    %add3A_42 = vector.broadcast %get3A_41 : vector<1x2xf32> to vector<2048x2xf32>
    %add3A_43 = arith.addf %dot_general3A_38, %add3A_42 : vector<2048x2xf32>
    %swap3A = arith.constant 0 : index
    %swap3A_44 = arith.constant 0 : index
    %swap3A_45 = vector.load %arg9[%swap3A, %swap3A_44] : memref<2048x2xf32, #tpu.memory_space<vmem>>, vector<2048x2xf32>
    tpu.vector_store %arg9[%swap3A, %swap3A_44], %add3A_43 {strides = array<i32>} : memref<2048x2xf32, #tpu.memory_space<vmem>>, vector<2048x2xf32>,
    return
  }
  func.func @transform_0(%arg0: i32) -> (i32, i32) {
    %c0_i32 = arith.constant 0 : i32
    %c0_i32_0 = arith.constant 0 : i32
    return %arg0, %c0_i32 : i32, i32
  }
  func.func @transform_1(%arg0: i32) -> (i32, i32, i32) {
    %c0_i32 = arith.constant 0 : i32
    %c0_i32_0 = arith.constant 0 : i32
    %c0_i32_1 = arith.constant 0 : i32
    return %c0_i32, %arg0, %c0_i32_0 : i32, i32, i32
  }
  func.func @transform_2(%arg0: i32) -> (i32, i32, i32) {
    %c0_i32 = arith.constant 0 : i32
    %c0_i32_0 = arith.constant 0 : i32
    %c0_i32_1 = arith.constant 0 : i32
    return %c0_i32, %arg0, %c0_i32_0 : i32, i32, i32
  }
  func.func @transform_3(%arg0: i32) -> (i32, i32) {
    %c0_i32 = arith.constant 0 : i32
    %c0_i32_0 = arith.constant 0 : i32
    %c0_i32_1 = arith.constant 0 : i32
    return %c0_i32, %c0_i32_0 : i32, i32
  }
  func.func @transform_4(%arg0: i32) -> (i32, i32) {
    %c0_i32 = arith.constant 0 : i32
    %c0_i32_0 = arith.constant 0 : i32
    %c0_i32_1 = arith.constant 0 : i32
    return %c0_i32, %c0_i32_0 : i32, i32
  }
  func.func @transform_5(%arg0: i32) -> (i32, i32) {
    %c0_i32 = arith.constant 0 : i32
    %c0_i32_0 = arith.constant 0 : i32
    %c0_i32_1 = arith.constant 0 : i32
    return %c0_i32, %c0_i32_0 : i32, i32
  }
  func.func @transform_6(%arg0: i32) -> (i32, i32) {
    %c0_i32 = arith.constant 0 : i32
    %c0_i32_0 = arith.constant 0 : i32
    %c0_i32_1 = arith.constant 0 : i32
    return %c0_i32, %c0_i32_0 : i32, i32
  }
  func.func @transform_7(%arg0: i32) -> (i32, i32) {
    %c0_i32 = arith.constant 0 : i32
    %c0_i32_0 = arith.constant 0 : i32
    %c0_i32_1 = arith.constant 0 : i32
    return %c0_i32, %c0_i32_0 : i32, i32
  }
  func.func @transform_8(%arg0: i32) -> (i32, i32) {
    %c0_i32 = arith.constant 0 : i32
    %c0_i32_0 = arith.constant 0 : i32
    return %arg0, %c0_i32 : i32, i32
  }
}

</mosaic_0001>

<sc_bundles>
// kernel: sc_edge_score.3.cloned.1.call-start
scs
__scs_entry_jumppad:
0x0: {  	(pc) =	sbr.rel $0x88, $3  }
0x1: {  	(tag) =	ssettag $0x0;
	lr =	simm.s32 $0x1  }
0x2: {  	[smem:$0x3F98] =	sst lr;
	_ =	strace $0xD0000000  }
0x3: {  	_ = 	snop  }
0x4: {  	_ = 	snop  }
0x5: {  	_ = 	snop  }
0x6: {  	_ = 	snop  }
0x7: {  	_ = 	snop  }
__scs_overlays_trampoline_lowered:
0x8: {  	[smem:$0x3FA7] =	sst s0  }
0x9: {  	[smem:$0x3FA8] =	sst s1  }
0xa: {  	[smem:$0x3FA9] =	sst s2  }
0xb: {  	[smem:$0x3FAA] =	sst s3  }
0xc: {  	[smem:$0x3FAB] =	sst s4  }
0xd: {  	[smem:$0x3FAC] =	sst s5  }
0xe: {  	[smem:$0x3FAD] =	sst s6  }
0xf: {  	[smem:$0x3FAE] =	sst s7  }
0x10: {  	[smem:$0x3FAF] =	sst s8  }
0x11: {  	[smem:$0x3FB0] =	sst s9;
	s0 =	simm.s32 @!p0 $0x0  }
0x12: {  	s1 =	sld [smem:$0x3F96];
	s0 =	simm.s32 @p0 $0x1  }
0x13: {  	[smem:$0x3FB1] =	sst s0;
	s0 =	simm.s32 @!p1 $0x0  }
0x14: {  	s2 =	sld [smem:$0x3F95];
	s0 =	simm.s32 @p1 $0x1  }
0x15: {  	[smem:$0x3FB2] =	sst s0;
	s0 =	simm.s32 @!p2 $0x0  }
0x16: {  	s3 =	sld [smem:$0x3FDB];
	s0 =	simm.s32 @p2 $0x1  }
0x17: {  	s4 =	simm.s32 $0x1BF5;
	[smem:$0x3FB4] =	sst s0  }
0x18: {  	s0 =	sld [smem:$0x3F97];
	_ =	swait.ge [sflag:s4], $0x0  }
0x19: {  	s7 =	sld [smem:$0x3F98]  }
0x1a: {  	s8 =	sadd.s32 $0xFFFFE003, lr  }
0x1b: {  	s9 =	sadd.s32 $0xFFFFFEF7, lr;
	s5 =	simm.s32 $0xFFFFFFFF;
	p2 =	slt.u32 s8, $0xFFFFF086  }
0x1c: {  	p1 =	slt.u32 s9, $0xF7A;
	s5 =	simm.s32 @!p2 $0x0  }
0x1d: {  	s5 =	simm.s32 @p1 $0x1;
	p0 =	seq.s32 s7, s2  }
0x1e: {  	s7 =	smul.u32 @!p0 $0xF7A, s2;
	p2 =	seq.s32 @!p0 s5, $0x0  }
0x1f: {  	s9 =	smul.u32 $0xF7A, s1;
	s8 =	simm.s32 @!p0 $0x1BF5;
	p2 =	por !p2, p0  }
0x20: {  	[sflag:s8] =	ssyncset.s32 @!p0 $0xFFFFF086;
	s6 =	sadd.s32 @!p0 s3, s7;
	s7 =	simm.s32 @!p0 $0x108  }
0x21: {  	s3 =	sadd.s32 s3, s9;
	s6 =	sadd.s32 @!p0 $0x88, s6;
	s7 =	simm.s32 @p2 $0x1082  }
0x22: {  	[simem:s7], [sflag:s8] =	dma.local @!p0 [hbm:s6], $0xF7A  }
0x23: {  	s9 =	sor.u32 $0xD0000000, s2;
	s6 =	simm.s32 $0x108;
	_ =	swait.ge @!p0 [sflag:s8], $0x0  }
0x24: {  	s3 =	sadd.s32 $0x88, s3;
	s6 =	simm.s32 @!p1 $0x1082;
	[sflag:s4] =	ssyncset.s32 $0xFFFFF086  }
0x25: {  	[simem:s6], [sflag:s4] =	dma.local [hbm:s3], $0xF7A  }
0x26: {  	[smem:$0x3F98] =	sst s1;
	(tag) =	ssettag s2;
	_ =	strace s9  }
0x27: {  	s1 =	sld [smem:$0x3FA8]  }
0x28: {  	s2 =	sld [smem:$0x3FA9]  }
0x29: {  	s4 =	sld [smem:$0x3FAB]  }
0x2a: {  	p0 =	seq.s32 s5, $0x0;
	s5 =	sld [smem:$0x3FAC]  }
0x2b: {  	s6 =	sld [smem:$0x3FAD]  }
0x2c: {  	s7 =	sld [smem:$0x3FAE]  }
0x2d: {  	s3 =	simm.s32 $0x108;
	s8 =	sld [smem:$0x3FAF]  }
0x2e: {  	s3 =	simm.s32 @!p0 $0x1082;
	s9 =	sld [smem:$0x3FB0]  }
0x2f: {  	lr =	sadd.s32 s0, s3;
	s0 =	sld [smem:$0x3FA7]  }
0x30: {  	s3 =	sld [smem:$0x3FAA]  }
0x31: {  	[smem:$0x3FB3] =	sst s10  }
0x32: {  	s10 =	sld [smem:$0x3FB1];
	_ =	sdelay $0x3  }
0x33: {  	p0 =	seq.s32 s10, $0x1;
	s10 =	sld [smem:$0x3FB3];
	_ =	sdelay $0x3  }
0x34: {  	[smem:$0x3FB3] =	sst s10  }
0x35: {  	s10 =	sld [smem:$0x3FB2];
	_ =	sdelay $0x3  }
0x36: {  	p1 =	seq.s32 s10, $0x1;
	s10 =	sld [smem:$0x3FB3];
	_ =	sdelay $0x3  }
0x37: {  	[smem:$0x3FB3] =	sst s10  }
0x38: {  	s10 =	sld [smem:$0x3FB4]  }
0x39: {  	_ = 	snop;
	(pc) =	sbr.ind lr, $3  }
0x3a: {  	_ = 	snop  }
0x3b: {  	_ = 	snop  }
0x3c: {  	p2 =	seq.s32 s10, $0x1;
	s10 =	sld [smem:$0x3FB3]  }
0x3d: {  	_ =	shalt  }
0x3e: {  	_ =	shalt  }
0x3f: {  	_ =	shalt  }
0x40: {  	_ =	shalt  }
0x41: {  	_ =	shalt  }
0x42: {  	_ =	shalt  }
0x43: {  	_ =	shalt  }
0x44: {  	_ =	shalt  }
0x45: {  	_ =	shalt  }
0x46: {  	_ =	shalt  }
0x47: {  	_ =	shalt  }
0x48: {  	_ =	shalt  }
0x49: {  	_ =	shalt  }
0x4a: {  	_ =	shalt  }
0x4b: {  	_ =	shalt  }
0x4c: {  	_ =	shalt  }
0x4d: {  	_ =	shalt  }
0x4e: {  	_ =	shalt  }
0x4f: {  	_ =	shalt  }
0x50: {  	_ =	shalt  }
0x51: {  	_ =	shalt  }
0x52: {  	_ =	shalt  }
0x53: {  	_ =	shalt  }
0x54: {  	_ =	shalt  }
0x55: {  	_ =	shalt  }
0x56: {  	_ =	shalt  }
0x57: {  	_ =	shalt  }
0x58: {  	_ =	shalt  }
0x59: {  	_ =	shalt  }
0x5a: {  	_ =	shalt  }
0x5b: {  	_ =	shalt  }
0x5c: {  	_ =	shalt  }
0x5d: {  	_ =	shalt  }
0x5e: {  	_ =	shalt  }
0x5f: {  	_ =	shalt  }
0x60: {  	_ =	shalt  }
0x61: {  	_ =	shalt  }
0x62: {  	_ =	shalt  }
0x63: {  	_ =	shalt  }
0x64: {  	_ =	shalt  }
0x65: {  	_ =	shalt  }
0x66: {  	_ =	shalt  }
0x67: {  	_ =	shalt  }
0x68: {  	_ =	shalt  }
0x69: {  	_ =	shalt  }
0x6a: {  	_ =	shalt  }
0x6b: {  	_ =	shalt  }
0x6c: {  	_ =	shalt  }
0x6d: {  	_ =	shalt  }
0x6e: {  	_ =	shalt  }
0x6f: {  	_ =	shalt  }
0x70: {  	_ =	shalt  }
0x71: {  	_ =	shalt  }
0x72: {  	_ =	shalt  }
0x73: {  	_ =	shalt  }
0x74: {  	_ =	shalt  }
0x75: {  	_ =	shalt  }
0x76: {  	_ =	shalt  }
0x77: {  	_ =	shalt  }
0x78: {  	_ =	shalt  }
0x79: {  	_ =	shalt  }
0x7a: {  	_ =	shalt  }
0x7b: {  	_ =	shalt  }
0x7c: {  	_ =	shalt  }
0x7d: {  	_ =	shalt  }
0x7e: {  	_ =	shalt  }
0x7f: {  	_ =	shalt  }
0x80: {  	_ =	shalt  }
0x81: {  	_ =	shalt  }
0x82: {  	_ =	shalt  }
0x83: {  	_ =	shalt  }
0x84: {  	_ =	shalt  }
0x85: {  	_ =	shalt  }
0x86: {  	_ =	shalt  }
0x87: {  	_ =	shalt  }
.Lfunc_end0:
.L_simem_size_0:
called_computation.2_lowered:
.L_overlay_start_0:
0x88: {  	s2 =	sld [smem:$0x3FD9]  }
0x89: {  	s3 =	sld [smem:$0x3FFE];
	_ =	sdelay $0x1  }
0x8a: {  	s1 =	srdreg.scid  }
0x8b: {  	s0 =	sand.u32 $0x1, s1  }
0x8c: {  	s17 =	sshll.u32 s0, $0xA;
	s2 =	sadd.s32 s3, s2  }
0x8d: {  	s2 =	sadd.s32 s2, s17  }
0x8e: {  	[smem:$0x3FBF] =	sst s2  }
0x8f: {  	_ = 	snop  }
0x90: {  	s2 =	sld [smem:$0x3FD0];
	(tm) =	ssettm $0x1  }
0x91: {  	s18 =	sld [smem:$0x3FFB];
	_ =	sdelay $0x3  }
0x92: {  	_ =	strace s18  }
0x93: {  	s3 =	sld [smem:$0x3FFC];
	_ =	sdelay $0x3  }
0x94: {  	_ =	strace s3  }
0x95: {  	s3 =	sld [smem:$0x3FFD];
	_ =	sdelay $0x3  }
0x96: {  	_ =	strace s3  }
0x97: {  	_ =	strace $0x8FFFFFFF  }
0x98: {  	s19 =	sld [smem:$0x3FDB];
	_ =	sdelay $0x1  }
0x99: {  	s4 =	simm.s32 $_scs_section_size  }
0x9a: {  	s5 =	simm.s32 $_size__tile_overlayer_lowered;
	s6 =	simm.s32 $_tile_overlayer_lowered  }
0x9b: {  	s22 =	simm.s32 $0x1BFF;
	s21 =	sshll.u32 s6, $0x1;
	s3 =	sadd.s32 s4, s19  }
0x9c: {  	s7 =	simm.s32 $0x0;
	s20 =	sshll.u32 s5, $0x1;
	s5 =	sadd.s32 s21, s3  }
0x9d: {  	[timem:s7], [sflag:s22] =	dma.local [hbm:s5], s20  }
0x9e: {  	_ =	swait.ge [sflag:s22], s20  }
0x9f: {  	s4 =	ssub.s32 $0x0, s20;
	[sflag:s22] =	ssyncset.done $0x0  }
0xa0: {  	[sflag:s22] =	ssyncadd.s32 s4;
	_ =	sdelay $0x1  }
0xa1: {  	s23 =	simm.s32 $0x1B8B  }
0xa2: {  	_ =	swait.ge [sflag:s23], $0x1  }
0xa3: {  	[sflag:s23] =	ssyncset.done $0x0  }
0xa4: {  	s25 =	simm.s32 $0x1B8E;
	s24 =	sld [smem:$0x3FFE];
	[sflag:s23] =	ssyncadd.s32 $0xFFFFFFFF  }
0xa5: {  	s26 =	simm.s32 $execute0_lowered;
	[smem:$0x3FD2] =	sst s25  }
0xa6: {  	s5 =	sshll.u32 s26, $0x1;
	_ =	strace $0x8000004C;
	[dreg:$0x1] =	wrdreg $0xFFFFFFFF  }
0xa7: {  	s28 =	simm.s32 $_size_execute0_lowered;
	s3 =	sadd.s32 s3, s5;
	[dreg:$0x0] =	wrdreg $0x0  }
0xa8: {  	s5 =	sshll.u32 s28, $0x1;
	[dreg:$0x2] =	wrdreg s3  }
0xa9: {  	[dreg:$0x3] =	wrdreg s5  }
0xaa: {  	[dreg:$0x4] =	wrdreg $0xC0  }
0xab: {  	_ =	task [dreg:s7], $0x5FFFF  }
0xac: {  	[dreg:$0x1] =	wrdreg $0xFFFFFFFF  }
0xad: {  	[dreg:$0x0] =	wrdreg $0x60  }
0xae: {  	[dreg:$0x2] =	wrdreg s2  }
0xaf: {  	[dreg:$0x3] =	wrdreg s24  }
0xb0: {  	[dreg:$0x4] =	wrdreg $0x9  }
0xb1: {  	_ =	task.clear_ibuf [dreg:s7], $0x5FFFF;
	_ =	strace $0x9000004C  }
0xb2: {  	s29 =	simm.s32 $0x9;
	_ =	strace $0x8000004E  }
0xb3: {  	_ =	swait.ge [sflag:s29], $0x1  }
0xb4: {  	[sflag:s29] =	ssyncadd.s32 $0xFFFFFFFF  }
0xb5: {  	_ =	strace $0x9000004E  }
0xb6: {  	_ =	sfence  }
0xb7: {  	s30 =	sld [smem:$0x0];
	_ =	sdelay $0x2  }
0xb8: {  	s31 =	sshll.u32 s1, $0xD;
	s1 =	sshrl.u32 s1, $0x2  }
0xb9: {  	s3 =	sand.u32 $0x4000, s31;
	s1 =	sadd.s32 s1, s30  }
0xba: {  	s0 =	sor.u32 s3, s0;
	s1 =	sshll.u32 s1, $0x11  }
0xbb: {  	s0 =	sor.u32 s1, s0  }
0xbc: {  	s0 =	sadd.s32 $0x8F2B, s0  }
0xbd: {  	[sflag:s0] =	ssyncadd.remote.s32 $0x1  }
0xbe: {  	_ =	sfence.sel $0xFFFF  }
0xbf: {  	[dreg:$0x0] =	wrdreg $0xFFFFFFFF;
	(pc) =	sbr.abs _section_cstart, $3  }
0xc0: {  	[dreg:$0x1] =	wrdreg $0xFFFFFFFF  }
0xc1: {  	_ =	task.clear_ibuf [dreg:s7], $0x2FFFF;
	_ =	strace $0x9FFFFFFF  }
0xc2: {  	(tm) =	ssettm $0x7FFFFFFF  }
0xc3: {  	_ =	shalt  }
tec
execute0_lowered:
.L_overlay_start_1:
0x0: {  	(tag) =	ssettag $0x1  }
0x1: {  	s2 =	rddreg [dreg:$0x0];
	s1 =	srdreg.scid  }
0x2: {  	s0 =	stileid.u32;
	s4 =	rddreg [dreg:$0x1]  }
0x3: {  	s8 =	simm.s32 $0x1;
	s9 =	simm.s32 $0x5000;
	s10 =	simm.s32 $0x7780  }
0x4: {  	s11 =	simm.s32 $0x9F00;
	s5 =	sand.u32 $0x1, s1;
	s3 =	sshll.u32 s0, $0x1  }
0x5: {  	s1 =	rddreg [dreg:$0x2];
	s6 =	sor.u32 s5, s3;
	s5 =	ssub.s32 $0x2, s5  }
0x6: {  	s3 =	simm.s32 $0x0;
	s6 =	smul.u32 $0x4E2, s6;
	s7 =	sshrl.u32 s5, $0x1  }
0x7: {  	s12 =	simm.s32 $0x0;
	[smem:$0x7FF] =	sst s3;
	s7 =	ssub.s32 s5, s7  }
0x8: {  	_ =	strace $0x8000004D;
	s6 =	sadd.s32 s6, s4;
	s7 =	smax.u32 s7, $0x1  }
0x9: {  	s4 =	sadd.s32 $0x3000, s6;
	s5 =	sadd.s32 $0xCE00, s6;
	s6 =	sadd.s32 $0x16C00, s6  }
.LBB2_1:
0xa: {  	[tilespmem:s3], [sflag:$0x1] =	stream.linear.gather [hbm4b:s2+s3], $0x5000, $0x38;
	[tilespmem:$0xC680] =	vst v63  }
0xb: {  	_ =	swait.ge [sflag:s8], $0x5000  }
0xc: {  	[sflag:s8] =	ssyncset.done $0x0  }
0xd: {  	[sflag:s8] =	ssyncadd.s32 $0xFFFFB000  }
0xe: {  	[tilespmem:s9], [sflag:$0x1] =	stream.linear.gather [hbm4b:s4+s3], $0x2710, $0x38;
	[tilespmem:$0xC680] =	vst v63  }
0xf: {  	_ =	swait.ge [sflag:s8], $0x2710  }
0x10: {  	[sflag:s8] =	ssyncset.done $0x0  }
0x11: {  	[sflag:s8] =	ssyncadd.s32 $0xFFFFD8F0  }
0x12: {  	[tilespmem:s10], [sflag:$0x1] =	stream.linear.gather [hbm4b:s5+s3], $0x2710, $0x38;
	[tilespmem:$0xC680] =	vst v63  }
0x13: {  	_ =	swait.ge [sflag:s8], $0x2710  }
0x14: {  	[sflag:s8] =	ssyncset.done $0x0  }
0x15: {  	s14 =	simm.s32 $0x0;
	[sflag:s8] =	ssyncadd.s32 $0xFFFFD8F0  }
0x16: {  	v0 =	vld [tilespmem:s14+$0x7780];
	_ =	sdelay $0x1  }
0x17: {  	v2 =	vld [tilespmem:s14+$0x5000];
	_ =	sdelay $0x2  }
0x18: {  	v1 =	vshll.u32 v0, $0x1  }
0x19: {  	v1 =	vor.u32 $0x1, v1  }
0x1a: {  	v2 =	vshll.u32 v2, $0x1  }
0x1b: {  	s13 =	simm.s32 $0x10  }
0x1c: {  	v3 =	vld [tilespmem:s13+$0x7780]  }
0x1d: {  	s15 =	simm.s32 $0x80;
	v0 =	vld [tilespmem:s13+$0x5000]  }
.LBB2_2:
0x1e: {  	p0 =	sne.s32 s15, $0x9C00;
	v4 =	vld.idx.msk [tilespmem:v1+s3+$0x0], $0xffff  }
0x1f: {  	v5 =	vld.idx.msk [tilespmem:v2+s3+$0x0], $0xffff;
	_ =	sdelay $0x2  }
0x20: {  	v1 =	vshll.u32 v3, $0x1  }
.Ltmp0:
0x21: {  	v1 =	vor.u32 $0x1, v1;
	(pc) =	sbr.rel @p0 .LBB2_2-.Ltmp0, $4  }
0x22: {  	v2 =	vshll.u32 v0, $0x1  }
0x23: {  	s16 =	sshra.s32 s15, $0x2;
	v4 =	vadd.f32 v4, v5  }
0x24: {  	v0 =	vld [tilespmem:s16+$0x5000]  }
0x25: {  	s15 =	sadd.s32 $0x40, s15;
	v3 =	vld [tilespmem:s16+$0x7780];
	[tilespmem:s14+$0x9F00] =	vst v4;
	s14 =	smov.u32 s13;
	s13 =	smov.u32 s16  }
0x26: {  	_ =	sdelay $0x3  }
0x27: {  	v1 =	vld.idx.msk [tilespmem:v1+s3+$0x0], $0xffff  }
0x28: {  	v2 =	vld.idx.msk [tilespmem:v2+s3+$0x0], $0xffff;
	_ =	sdelay $0x2  }
0x29: {  	v0 =	vshll.u32 v0, $0x1;
	v3 =	vshll.u32 v3, $0x1  }
0x2a: {  	v3 =	vor.u32 $0x1, v3  }
0x2b: {  	v1 =	vadd.f32 v1, v2;
	_ =	sdelay $0x1  }
0x2c: {  	[tilespmem:s14+$0x9F00] =	vst v1  }
0x2d: {  	v0 =	vld.idx.msk [tilespmem:v0+s3+$0x0], $0xffff  }
0x2e: {  	v1 =	vld.idx.msk [tilespmem:v3+s3+$0x0], $0xffff;
	_ =	sdelay $0x4  }
0x2f: {  	s12 =	sadd.s32 $0x1, s12;
	v0 =	vadd.f32 v1, v0  }
0x30: {  	p0 =	sne.s32 s12, s7  }
.Ltmp1:
0x31: {  	[tilespmem:s13+$0x9F00] =	vst v0;
	(pc) =	sbr.rel @p0 .LBB2_1-.Ltmp1, $4  }
0x32: {  	[hbm4b:s6+s3] =	stream.linear.scatter [tilespmem:s11], [sflag:$0x1], $0x2710, $0x38;
	[tilespmem:$0xC680] =	vst v63  }
0x33: {  	_ =	swait.ge [sflag:s8], $0x2710  }
0x34: {  	[sflag:s8] =	ssyncset.done $0x0  }
0x35: {  	[sflag:s8] =	ssyncadd.s32 $0xFFFFD8F0  }
0x36: {  	_ =	sfence.sel $0x180000  }
0x37: {  	[bflag:$0x0] =	sbarrier.arrive $0xFFFF  }
0x38: {  	p0 =	sne.s32 s0, $0x0;
	_ =	strace $0x9000004D  }
0x39: {  	s0 =	sadd.s32 @!p0 $0x100000, s1;
	[bflag:$0x2] =	sbarrier.arrive $0xFFFF  }
0x3a: {  	[sflag:s0] =	ssyncadd.tile.s32 @!p0 $0x1;
	_ =	shalt  }
.Lfunc_end2:
_tile_overlayer_lowered:
.L_overlay_start_2:
0x3b: {  	(tag) =	ssettag $0x2  }
0x3c: {  	s0 =	rddreg [dreg:$0x0];
	s2 =	stileid.u32  }
0x3d: {  	s1 =	rddreg [dreg:$0x1];
	p0 =	sne.s32 s2, $0x0  }
0x3e: {  	s3 =	rddreg [dreg:$0x2];
	[bflag:$0x3] =	sbarrier.arrive $0xFFFF;
	s2 =	simm.s32 @!p0 $0x1C01  }
0x3f: {  	[timem:s3], [sflag:s2] =	dma.local @!p0 [hbm:s0], s1  }
0x40: {  	s0 =	simm.s32 @!p0 $0x1  }
0x41: {  	_ =	swait.ge @!p0 [sflag:s0], s1  }
0x42: {  	s1 =	ssub.s32 @!p0 $0x0, s1;
	[sflag:s0] =	ssyncset.done @!p0 $0x0  }
0x43: {  	[sflag:s0] =	ssyncadd.s32 @!p0 s1  }
0x44: {  	[bflag:$0x3] =	sbarrier.arrive $0xFFFF  }
0x45: {  	_ =	shalt  }

// kernel: sc_seg_sum.3.cloned.1.call-start
scs
__scs_entry_jumppad:
0x0: {  	(pc) =	sbr.rel $0x88, $3  }
0x1: {  	(tag) =	ssettag $0x0;
	lr =	simm.s32 $0x1  }
0x2: {  	[smem:$0x3F98] =	sst lr;
	_ =	strace $0xD0000000  }
0x3: {  	_ = 	snop  }
0x4: {  	_ = 	snop  }
0x5: {  	_ = 	snop  }
0x6: {  	_ = 	snop  }
0x7: {  	_ = 	snop  }
__scs_overlays_trampoline_lowered:
0x8: {  	[smem:$0x3FA7] =	sst s0  }
0x9: {  	[smem:$0x3FA8] =	sst s1  }
0xa: {  	[smem:$0x3FA9] =	sst s2  }
0xb: {  	[smem:$0x3FAA] =	sst s3  }
0xc: {  	[smem:$0x3FAB] =	sst s4  }
0xd: {  	[smem:$0x3FAC] =	sst s5  }
0xe: {  	[smem:$0x3FAD] =	sst s6  }
0xf: {  	[smem:$0x3FAE] =	sst s7  }
0x10: {  	[smem:$0x3FAF] =	sst s8  }
0x11: {  	[smem:$0x3FB0] =	sst s9;
	s0 =	simm.s32 @!p0 $0x0  }
0x12: {  	s1 =	sld [smem:$0x3F96];
	s0 =	simm.s32 @p0 $0x1  }
0x13: {  	[smem:$0x3FB1] =	sst s0;
	s0 =	simm.s32 @!p1 $0x0  }
0x14: {  	s2 =	sld [smem:$0x3F95];
	s0 =	simm.s32 @p1 $0x1  }
0x15: {  	[smem:$0x3FB2] =	sst s0;
	s0 =	simm.s32 @!p2 $0x0  }
0x16: {  	s3 =	sld [smem:$0x3FDB];
	s0 =	simm.s32 @p2 $0x1  }
0x17: {  	s4 =	simm.s32 $0x1BF5;
	[smem:$0x3FB4] =	sst s0  }
0x18: {  	s0 =	sld [smem:$0x3F97];
	_ =	swait.ge [sflag:s4], $0x0  }
0x19: {  	s7 =	sld [smem:$0x3F98]  }
0x1a: {  	s8 =	sadd.s32 $0xFFFFE003, lr  }
0x1b: {  	s9 =	sadd.s32 $0xFFFFFEF7, lr;
	s5 =	simm.s32 $0xFFFFFFFF;
	p2 =	slt.u32 s8, $0xFFFFF086  }
0x1c: {  	p1 =	slt.u32 s9, $0xF7A;
	s5 =	simm.s32 @!p2 $0x0  }
0x1d: {  	s5 =	simm.s32 @p1 $0x1;
	p0 =	seq.s32 s7, s2  }
0x1e: {  	s7 =	smul.u32 @!p0 $0xF7A, s2;
	p2 =	seq.s32 @!p0 s5, $0x0  }
0x1f: {  	s9 =	smul.u32 $0xF7A, s1;
	s8 =	simm.s32 @!p0 $0x1BF5;
	p2 =	por !p2, p0  }
0x20: {  	[sflag:s8] =	ssyncset.s32 @!p0 $0xFFFFF086;
	s6 =	sadd.s32 @!p0 s3, s7;
	s7 =	simm.s32 @!p0 $0x108  }
0x21: {  	s3 =	sadd.s32 s3, s9;
	s6 =	sadd.s32 @!p0 $0x88, s6;
	s7 =	simm.s32 @p2 $0x1082  }
0x22: {  	[simem:s7], [sflag:s8] =	dma.local @!p0 [hbm:s6], $0xF7A  }
0x23: {  	s9 =	sor.u32 $0xD0000000, s2;
	s6 =	simm.s32 $0x108;
	_ =	swait.ge @!p0 [sflag:s8], $0x0  }
0x24: {  	s3 =	sadd.s32 $0x88, s3;
	s6 =	simm.s32 @!p1 $0x1082;
	[sflag:s4] =	ssyncset.s32 $0xFFFFF086  }
0x25: {  	[simem:s6], [sflag:s4] =	dma.local [hbm:s3], $0xF7A  }
0x26: {  	[smem:$0x3F98] =	sst s1;
	(tag) =	ssettag s2;
	_ =	strace s9  }
0x27: {  	s1 =	sld [smem:$0x3FA8]  }
0x28: {  	s2 =	sld [smem:$0x3FA9]  }
0x29: {  	s4 =	sld [smem:$0x3FAB]  }
0x2a: {  	p0 =	seq.s32 s5, $0x0;
	s5 =	sld [smem:$0x3FAC]  }
0x2b: {  	s6 =	sld [smem:$0x3FAD]  }
0x2c: {  	s7 =	sld [smem:$0x3FAE]  }
0x2d: {  	s3 =	simm.s32 $0x108;
	s8 =	sld [smem:$0x3FAF]  }
0x2e: {  	s3 =	simm.s32 @!p0 $0x1082;
	s9 =	sld [smem:$0x3FB0]  }
0x2f: {  	lr =	sadd.s32 s0, s3;
	s0 =	sld [smem:$0x3FA7]  }
0x30: {  	s3 =	sld [smem:$0x3FAA]  }
0x31: {  	[smem:$0x3FB3] =	sst s10  }
0x32: {  	s10 =	sld [smem:$0x3FB1];
	_ =	sdelay $0x3  }
0x33: {  	p0 =	seq.s32 s10, $0x1;
	s10 =	sld [smem:$0x3FB3];
	_ =	sdelay $0x3  }
0x34: {  	[smem:$0x3FB3] =	sst s10  }
0x35: {  	s10 =	sld [smem:$0x3FB2];
	_ =	sdelay $0x3  }
0x36: {  	p1 =	seq.s32 s10, $0x1;
	s10 =	sld [smem:$0x3FB3];
	_ =	sdelay $0x3  }
0x37: {  	[smem:$0x3FB3] =	sst s10  }
0x38: {  	s10 =	sld [smem:$0x3FB4]  }
0x39: {  	_ = 	snop;
	(pc) =	sbr.ind lr, $3  }
0x3a: {  	_ = 	snop  }
0x3b: {  	_ = 	snop  }
0x3c: {  	p2 =	seq.s32 s10, $0x1;
	s10 =	sld [smem:$0x3FB3]  }
0x3d: {  	_ =	shalt  }
0x3e: {  	_ =	shalt  }
0x3f: {  	_ =	shalt  }
0x40: {  	_ =	shalt  }
0x41: {  	_ =	shalt  }
0x42: {  	_ =	shalt  }
0x43: {  	_ =	shalt  }
0x44: {  	_ =	shalt  }
0x45: {  	_ =	shalt  }
0x46: {  	_ =	shalt  }
0x47: {  	_ =	shalt  }
0x48: {  	_ =	shalt  }
0x49: {  	_ =	shalt  }
0x4a: {  	_ =	shalt  }
0x4b: {  	_ =	shalt  }
0x4c: {  	_ =	shalt  }
0x4d: {  	_ =	shalt  }
0x4e: {  	_ =	shalt  }
0x4f: {  	_ =	shalt  }
0x50: {  	_ =	shalt  }
0x51: {  	_ =	shalt  }
0x52: {  	_ =	shalt  }
0x53: {  	_ =	shalt  }
0x54: {  	_ =	shalt  }
0x55: {  	_ =	shalt  }
0x56: {  	_ =	shalt  }
0x57: {  	_ =	shalt  }
0x58: {  	_ =	shalt  }
0x59: {  	_ =	shalt  }
0x5a: {  	_ =	shalt  }
0x5b: {  	_ =	shalt  }
0x5c: {  	_ =	shalt  }
0x5d: {  	_ =	shalt  }
0x5e: {  	_ =	shalt  }
0x5f: {  	_ =	shalt  }
0x60: {  	_ =	shalt  }
0x61: {  	_ =	shalt  }
0x62: {  	_ =	shalt  }
0x63: {  	_ =	shalt  }
0x64: {  	_ =	shalt  }
0x65: {  	_ =	shalt  }
0x66: {  	_ =	shalt  }
0x67: {  	_ =	shalt  }
0x68: {  	_ =	shalt  }
0x69: {  	_ =	shalt  }
0x6a: {  	_ =	shalt  }
0x6b: {  	_ =	shalt  }
0x6c: {  	_ =	shalt  }
0x6d: {  	_ =	shalt  }
0x6e: {  	_ =	shalt  }
0x6f: {  	_ =	shalt  }
0x70: {  	_ =	shalt  }
0x71: {  	_ =	shalt  }
0x72: {  	_ =	shalt  }
0x73: {  	_ =	shalt  }
0x74: {  	_ =	shalt  }
0x75: {  	_ =	shalt  }
0x76: {  	_ =	shalt  }
0x77: {  	_ =	shalt  }
0x78: {  	_ =	shalt  }
0x79: {  	_ =	shalt  }
0x7a: {  	_ =	shalt  }
0x7b: {  	_ =	shalt  }
0x7c: {  	_ =	shalt  }
0x7d: {  	_ =	shalt  }
0x7e: {  	_ =	shalt  }
0x7f: {  	_ =	shalt  }
0x80: {  	_ =	shalt  }
0x81: {  	_ =	shalt  }
0x82: {  	_ =	shalt  }
0x83: {  	_ =	shalt  }
0x84: {  	_ =	shalt  }
0x85: {  	_ =	shalt  }
0x86: {  	_ =	shalt  }
0x87: {  	_ =	shalt  }
.Lfunc_end0:
.L_simem_size_0:
called_computation.1_lowered:
.L_overlay_start_0:
0x88: {  	s2 =	sld [smem:$0x3FD9]  }
0x89: {  	s3 =	sld [smem:$0x3FFE];
	_ =	sdelay $0x1  }
0x8a: {  	s1 =	srdreg.scid  }
0x8b: {  	s0 =	sand.u32 $0x1, s1  }
0x8c: {  	s16 =	sshll.u32 s0, $0xA;
	s2 =	sadd.s32 s3, s2  }
0x8d: {  	s2 =	sadd.s32 s2, s16  }
0x8e: {  	[smem:$0x3FBF] =	sst s2  }
0x8f: {  	_ = 	snop  }
0x90: {  	(tm) =	ssettm $0x1  }
0x91: {  	s17 =	sld [smem:$0x3FFB];
	_ =	sdelay $0x3  }
0x92: {  	_ =	strace s17  }
0x93: {  	s2 =	sld [smem:$0x3FFC];
	_ =	sdelay $0x3  }
0x94: {  	_ =	strace s2  }
0x95: {  	s2 =	sld [smem:$0x3FFD];
	_ =	sdelay $0x3  }
0x96: {  	_ =	strace s2  }
0x97: {  	_ =	strace $0x8FFFFFFF  }
0x98: {  	s18 =	sld [smem:$0x3FDB];
	_ =	sdelay $0x1  }
0x99: {  	s19 =	simm.s32 $_scs_section_size  }
0x9a: {  	s4 =	simm.s32 $_size__tile_overlayer_lowered;
	s5 =	simm.s32 $_tile_overlayer_lowered  }
0x9b: {  	s22 =	simm.s32 $0x1BFF;
	s21 =	sshll.u32 s5, $0x1;
	s2 =	sadd.s32 s19, s18  }
0x9c: {  	s6 =	simm.s32 $0x0;
	s20 =	sshll.u32 s4, $0x1;
	s4 =	sadd.s32 s21, s2  }
0x9d: {  	[timem:s6], [sflag:s22] =	dma.local [hbm:s4], s20  }
0x9e: {  	_ =	swait.ge [sflag:s22], s20  }
0x9f: {  	s3 =	ssub.s32 $0x0, s20;
	[sflag:s22] =	ssyncset.done $0x0  }
0xa0: {  	[sflag:s22] =	ssyncadd.s32 s3;
	_ =	sdelay $0x1  }
0xa1: {  	s23 =	simm.s32 $0x1B8B  }
0xa2: {  	_ =	swait.ge [sflag:s23], $0x1  }
0xa3: {  	[sflag:s23] =	ssyncset.done $0x0  }
0xa4: {  	s25 =	simm.s32 $0x1B8E;
	s24 =	sld [smem:$0x3FFE];
	[sflag:s23] =	ssyncadd.s32 $0xFFFFFFFF  }
0xa5: {  	s26 =	simm.s32 $execute0_lowered;
	[smem:$0x3FD2] =	sst s25  }
0xa6: {  	s4 =	sshll.u32 s26, $0x1;
	_ =	strace $0x80000049;
	[dreg:$0x1] =	wrdreg $0xFFFFFFFF  }
0xa7: {  	s28 =	simm.s32 $_size_execute0_lowered;
	s2 =	sadd.s32 s2, s4;
	[dreg:$0x0] =	wrdreg $0x0  }
0xa8: {  	s4 =	sshll.u32 s28, $0x1;
	[dreg:$0x2] =	wrdreg s2  }
0xa9: {  	[dreg:$0x3] =	wrdreg s4  }
0xaa: {  	[dreg:$0x4] =	wrdreg $0xC0  }
0xab: {  	_ =	task [dreg:s6], $0x5FFFF  }
0xac: {  	[dreg:$0x1] =	wrdreg $0xFFFFFFFF  }
0xad: {  	[dreg:$0x0] =	wrdreg $0x60  }
0xae: {  	[dreg:$0x2] =	wrdreg s24  }
0xaf: {  	[dreg:$0x3] =	wrdreg $0xEC400  }
0xb0: {  	[dreg:$0x4] =	wrdreg $0x9  }
0xb1: {  	_ =	task.clear_ibuf [dreg:s6], $0x5FFFF;
	_ =	strace $0x90000049  }
0xb2: {  	s29 =	simm.s32 $0x9;
	_ =	strace $0x8000004B  }
0xb3: {  	_ =	swait.ge [sflag:s29], $0x1  }
0xb4: {  	[sflag:s29] =	ssyncadd.s32 $0xFFFFFFFF  }
0xb5: {  	_ =	strace $0x9000004B  }
0xb6: {  	_ =	sfence  }
0xb7: {  	s30 =	sld [smem:$0x0];
	_ =	sdelay $0x2  }
0xb8: {  	s31 =	sshll.u32 s1, $0xD;
	s1 =	sshrl.u32 s1, $0x2  }
0xb9: {  	s3 =	sand.u32 $0x4000, s31;
	s1 =	sadd.s32 s1, s30  }
0xba: {  	s0 =	sor.u32 s3, s0;
	s1 =	sshll.u32 s1, $0x11  }
0xbb: {  	s0 =	sor.u32 s1, s0  }
0xbc: {  	s0 =	sadd.s32 $0x8F2B, s0  }
0xbd: {  	[sflag:s0] =	ssyncadd.remote.s32 $0x1  }
0xbe: {  	_ =	sfence.sel $0xFFFF  }
0xbf: {  	[dreg:$0x0] =	wrdreg $0xFFFFFFFF;
	(pc) =	sbr.abs _section_cstart, $3  }
0xc0: {  	[dreg:$0x1] =	wrdreg $0xFFFFFFFF  }
0xc1: {  	_ =	task.clear_ibuf [dreg:s6], $0x2FFFF;
	_ =	strace $0x9FFFFFFF  }
0xc2: {  	(tm) =	ssettm $0x7FFFFFFF  }
0xc3: {  	_ =	shalt  }
tec
execute0_lowered:
.L_overlay_start_1:
0x0: {  	(tag) =	ssettag $0x1  }
0x1: {  	s0 =	rddreg [dreg:$0x0];
	s1 =	srdreg.scid  }
0x2: {  	s10 =	stileid.u32;
	s2 =	rddreg [dreg:$0x1];
	s3 =	simm.s32 $0x0  }
0x3: {  	s12 =	simm.s32 $0x9;
	s14 =	simm.s32 $0x50;
	s15 =	simm.s32 $0x9C40  }
0x4: {  	s16 =	simm.s32 $0xB040;
	s18 =	simm.s32 $0xC440;
	s20 =	simm.s32 $0xD840  }
0x5: {  	s21 =	simm.s32 $0x1;
	s22 =	simm.s32 $0x2;
	s28 =	simm.s32 $0x7  }
0x6: {  	s29 =	simm.s32 $0x8;
	s17 =	simm.s32 $0x4DD0;
	s19 =	simm.s32 $0x9BA0  }
0x7: {  	s30 =	simm.s32 $0x9BF0;
	s31 =	simm.s32 $0x0;
	s5 =	smul.u32 $0x4E20, s10  }
0x8: {  	s1 =	sand.u32 $0x1, s1;
	[smem:$0x7FF] =	sst s3;
	s6 =	smul.u32 $0xA000, s10  }
0x9: {  	s26 =	sshll.u32 s10, $0x6;
	s4 =	smul.u32 $0x4E200, s1;
	_ =	strace $0x8000004A  }
0xa: {  	s8 =	smul.u32 $0xA0000, s1;
	s1 =	ssub.s32 $0x2, s1;
	s24 =	sshrl.u32 s6, $0x3  }
0xb: {  	s25 =	sshrl.u32 s1, $0x1;
	s11 =	sadd.s32 s6, s2;
	s7 =	sadd.s32 s5, s4  }
0xc: {  	s4 =	sadd.s32 $0x2A600, s0;
	s5 =	sshrl.u32 s5, $0x3;
	s23 =	sadd.s32 s6, s8  }
0xd: {  	s8 =	sadd.s32 s24, s0;
	s1 =	ssub.s32 s1, s25;
	s6 =	sor.u32 $0x1C09, s26  }
0xe: {  	s11 =	sshrl.u32 s11, $0x3;
	s24 =	simm.s32 $0x4;
	s25 =	simm.s32 $0x5  }
0xf: {  	s26 =	simm.s32 $0x6;
	s7 =	sshrl.u32 s7, $0x3;
	s9 =	sadd.s32 s5, s0  }
0x10: {  	s5 =	sshrl.u32 s23, $0x3;
	s10 =	smax.u32 s1, $0x1;
	s23 =	simm.s32 $0x3  }
0x11: {  	s7 =	sadd.s32 s7, s0;
	s0 =	sadd.s32 s5, s0;
	s5 =	sadd.s32 $0x52600, s8  }
0x12: {  	s8 =	sadd.s32 $0xCE00, s9;
	s7 =	sadd.s32 $0x16C00, s7;
	s9 =	sadd.s32 $0x66600, s0  }
.LBB2_1:
0x13: {  	[spmem:s11], [sflag:s6] =	dma.local [hbm:s5], $0x1400  }
0x14: {  	_ =	swait.ge [sflag:s12], $0x1400  }
0x15: {  	[sflag:s12] =	ssyncset.done $0x0  }
0x16: {  	[sflag:s12] =	ssyncadd.s32 $0xFFFFEC00  }
0x17: {  	[tilespmem:s3], [sflag:$0x9] =	stream.linear.gather [hbm4b:s7+s3], $0x4E20, $0x38;
	[tilespmem:$0x18C40] =	vst v63  }
0x18: {  	_ =	swait.ge [sflag:s12], $0x4E20  }
0x19: {  	[sflag:s12] =	ssyncset.done $0x0  }
0x1a: {  	s0 =	simm.s32 $0x4E20;
	[sflag:s12] =	ssyncadd.s32 $0xFFFFB1E0  }
0x1b: {  	[tilespmem:s0], [sflag:$0x9] =	stream.linear.gather [hbm4b:s8+s3], $0x4E20, $0x38;
	[tilespmem:$0x18C40] =	vst v63  }
0x1c: {  	_ =	swait.ge [sflag:s12], $0x4E20  }
0x1d: {  	[sflag:s12] =	ssyncset.done $0x0  }
0x1e: {  	[sflag:s12] =	ssyncadd.s32 $0xFFFFB1E0  }
0x1f: {  	[bflag:$0x0] =	sbarrier.arrive $0xFFFF  }
0x20: {  	[tilespmem:s15], [sflag:$0x1] =	stream.indirect.gather [hbm4b:s4+s14], $0x40, s3, s14, $0xb8;
	[tilespmem:$0x18C40] =	vst v63  }
0x21: {  	_ = 	snop  }
0x22: {  	[tilespmem:s16], [sflag:$0x2] =	stream.indirect.gather [hbm4b:s4+s14], $0x40, s14, s14, $0xb8;
	[tilespmem:$0x18C40] =	vst v63  }
0x23: {  	s13 =	simm.s32 $0xA0  }
0x24: {  	[tilespmem:s18], [sflag:$0x3] =	stream.indirect.gather [hbm4b:s4+s14], $0x40, s13, s14, $0xb8;
	[tilespmem:$0x18C40] =	vst v63  }
0x25: {  	s1 =	simm.s32 $0xF0  }
0x26: {  	[tilespmem:s20], [sflag:$0x4] =	stream.indirect.gather [hbm4b:s4+s14], $0x40, s1, s14, $0xb8;
	[tilespmem:$0x18C40] =	vst v63  }
0x27: {  	_ =	swait.ge [sflag:s21], $0x1400  }
0x28: {  	[sflag:s21] =	ssyncset.done $0x0  }
0x29: {  	s13 =	simm.s32 $0x4E20;
	[sflag:s21] =	ssyncadd.s32 $0xFFFFEC00  }
0x2a: {  	[spmem:s2] =	stream.indirect.scatter.add.f32 [tilespmem:s15], [sflag:$0x5], $0x40, s13, s14, $0xb8;
	[tilespmem:$0x18C40] =	vst v63  }
0x2b: {  	_ =	swait.ge [sflag:s22], $0x1400  }
0x2c: {  	[sflag:s22] =	ssyncset.done $0x0  }
0x2d: {  	s1 =	simm.s32 $0x4E70;
	[sflag:s22] =	ssyncadd.s32 $0xFFFFEC00  }
0x2e: {  	[spmem:s2] =	stream.indirect.scatter.add.f32 [tilespmem:s16], [sflag:$0x6], $0x40, s1, s14, $0xb8;
	[tilespmem:$0x18C40] =	vst v63  }
0x2f: {  	_ =	swait.ge [sflag:s23], $0x1400  }
0x30: {  	[sflag:s23] =	ssyncset.done $0x0  }
0x31: {  	s13 =	simm.s32 $0x4EC0;
	[sflag:s23] =	ssyncadd.s32 $0xFFFFEC00  }
0x32: {  	[spmem:s2] =	stream.indirect.scatter.add.f32 [tilespmem:s18], [sflag:$0x7], $0x40, s13, s14, $0xb8;
	[tilespmem:$0x18C40] =	vst v63  }
0x33: {  	_ =	swait.ge [sflag:s24], $0x1400  }
0x34: {  	[sflag:s24] =	ssyncset.done $0x0  }
0x35: {  	s1 =	simm.s32 $0x4F10;
	[sflag:s24] =	ssyncadd.s32 $0xFFFFEC00  }
0x36: {  	[spmem:s2] =	stream.indirect.scatter.add.f32 [tilespmem:s20], [sflag:$0x8], $0x40, s1, s14, $0xb8;
	[tilespmem:$0x18C40] =	vst v63  }
0x37: {  	_ =	swait.ge [sflag:s25], $0x1400  }
0x38: {  	[sflag:s25] =	ssyncset.done $0x0  }
0x39: {  	s13 =	simm.s32 $0x140;
	[sflag:s25] =	ssyncadd.s32 $0xFFFFEC00  }
0x3a: {  	[tilespmem:s15], [sflag:$0x1] =	stream.indirect.gather [hbm4b:s4+s14], $0x40, s13, s14, $0xb8;
	[tilespmem:$0x18C40] =	vst v63  }
0x3b: {  	_ =	swait.ge [sflag:s26], $0x1400  }
0x3c: {  	[sflag:s26] =	ssyncset.done $0x0  }
0x3d: {  	s1 =	simm.s32 $0x190;
	[sflag:s26] =	ssyncadd.s32 $0xFFFFEC00  }
0x3e: {  	[tilespmem:s16], [sflag:$0x2] =	stream.indirect.gather [hbm4b:s4+s14], $0x40, s1, s14, $0xb8;
	[tilespmem:$0x18C40] =	vst v63  }
0x3f: {  	_ =	swait.ge [sflag:s28], $0x1400  }
0x40: {  	[sflag:s28] =	ssyncset.done $0x0  }
0x41: {  	s13 =	simm.s32 $0x1E0;
	[sflag:s28] =	ssyncadd.s32 $0xFFFFEC00  }
0x42: {  	[tilespmem:s18], [sflag:$0x3] =	stream.indirect.gather [hbm4b:s4+s14], $0x40, s13, s14, $0xb8;
	[tilespmem:$0x18C40] =	vst v63  }
0x43: {  	_ =	swait.ge [sflag:s29], $0x1400  }
0x44: {  	[sflag:s29] =	ssyncset.done $0x0  }
0x45: {  	s0 =	simm.s32 $0x230;
	s1 =	simm.s32 $0x500;
	[sflag:s29] =	ssyncadd.s32 $0xFFFFEC00  }
.LBB2_2:
0x46: {  	[tilespmem:s20], [sflag:$0x4] =	stream.indirect.gather [hbm4b:s4+s14], $0x40, s0, s14, $0xb8;
	[tilespmem:$0x18C40] =	vst v63  }
0x47: {  	s0 =	smov.u32 s1  }
0x48: {  	p0 =	sne.s32 s1, $0x12C00;
	s1 =	sadd.s32 $0x500, s1;
	_ =	swait.ge [sflag:s21], $0x1400  }
0x49: {  	s0 =	sshra.s32 s0, $0x2;
	[sflag:s21] =	ssyncset.done $0x0  }
0x4a: {  	s13 =	sadd.s32 $0x4E20, s0;
	[sflag:s21] =	ssyncadd.s32 $0xFFFFEC00  }
0x4b: {  	[spmem:s2] =	stream.indirect.scatter.add.f32 [tilespmem:s15], [sflag:$0x5], $0x40, s13, s14, $0xb8;
	[tilespmem:$0x18C40] =	vst v63  }
0x4c: {  	_ =	swait.ge [sflag:s22], $0x1400  }
0x4d: {  	[sflag:s22] =	ssyncset.done $0x0  }
0x4e: {  	s13 =	sadd.s32 $0x4E70, s0;
	[sflag:s22] =	ssyncadd.s32 $0xFFFFEC00  }
0x4f: {  	[spmem:s2] =	stream.indirect.scatter.add.f32 [tilespmem:s16], [sflag:$0x6], $0x40, s13, s14, $0xb8;
	[tilespmem:$0x18C40] =	vst v63  }
0x50: {  	_ =	swait.ge [sflag:s23], $0x1400  }
0x51: {  	[sflag:s23] =	ssyncset.done $0x0  }
0x52: {  	s13 =	sadd.s32 $0x4EC0, s0;
	[sflag:s23] =	ssyncadd.s32 $0xFFFFEC00  }
0x53: {  	[spmem:s2] =	stream.indirect.scatter.add.f32 [tilespmem:s18], [sflag:$0x7], $0x40, s13, s14, $0xb8;
	[tilespmem:$0x18C40] =	vst v63  }
0x54: {  	_ =	swait.ge [sflag:s24], $0x1400  }
0x55: {  	[sflag:s24] =	ssyncset.done $0x0  }
0x56: {  	s13 =	sadd.s32 $0x4F10, s0;
	[sflag:s24] =	ssyncadd.s32 $0xFFFFEC00  }
0x57: {  	[spmem:s2] =	stream.indirect.scatter.add.f32 [tilespmem:s20], [sflag:$0x8], $0x40, s13, s14, $0xb8;
	[tilespmem:$0x18C40] =	vst v63  }
0x58: {  	_ =	swait.ge [sflag:s25], $0x1400  }
0x59: {  	[sflag:s25] =	ssyncset.done $0x0  }
0x5a: {  	s13 =	sadd.s32 $0x140, s0;
	[sflag:s25] =	ssyncadd.s32 $0xFFFFEC00  }
0x5b: {  	[tilespmem:s15], [sflag:$0x1] =	stream.indirect.gather [hbm4b:s4+s14], $0x40, s13, s14, $0xb8;
	[tilespmem:$0x18C40] =	vst v63  }
0x5c: {  	_ =	swait.ge [sflag:s26], $0x1400  }
0x5d: {  	[sflag:s26] =	ssyncset.done $0x0  }
0x5e: {  	s13 =	sadd.s32 $0x190, s0;
	[sflag:s26] =	ssyncadd.s32 $0xFFFFEC00  }
0x5f: {  	[tilespmem:s16], [sflag:$0x2] =	stream.indirect.gather [hbm4b:s4+s14], $0x40, s13, s14, $0xb8;
	[tilespmem:$0x18C40] =	vst v63  }
0x60: {  	_ =	swait.ge [sflag:s28], $0x1400  }
0x61: {  	[sflag:s28] =	ssyncset.done $0x0  }
.Ltmp0:
0x62: {  	s13 =	sadd.s32 $0x1E0, s0;
	[sflag:s28] =	ssyncadd.s32 $0xFFFFEC00;
	(pc) =	sbr.rel @p0 .LBB2_2-.Ltmp0, $4  }
0x63: {  	[tilespmem:s18], [sflag:$0x3] =	stream.indirect.gather [hbm4b:s4+s14], $0x40, s13, s14, $0xb8;
	[tilespmem:$0x18C40] =	vst v63  }
0x64: {  	_ =	swait.ge [sflag:s29], $0x1400  }
0x65: {  	[sflag:s29] =	ssyncset.done $0x0  }
0x66: {  	s0 =	sadd.s32 $0x230, s0;
	[sflag:s29] =	ssyncadd.s32 $0xFFFFEC00  }
0x67: {  	[tilespmem:s20], [sflag:$0x4] =	stream.indirect.gather [hbm4b:s4+s14], $0x40, s0, s14, $0xb8;
	[tilespmem:$0x18C40] =	vst v63  }
0x68: {  	_ =	swait.ge [sflag:s21], $0x1400  }
0x69: {  	[sflag:s21] =	ssyncset.done $0x0  }
0x6a: {  	s13 =	simm.s32 $0x9A60;
	[sflag:s21] =	ssyncadd.s32 $0xFFFFEC00  }
0x6b: {  	[spmem:s2] =	stream.indirect.scatter.add.f32 [tilespmem:s15], [sflag:$0x5], $0x40, s13, s14, $0xb8;
	[tilespmem:$0x18C40] =	vst v63  }
0x6c: {  	_ =	swait.ge [sflag:s22], $0x1400  }
0x6d: {  	[sflag:s22] =	ssyncset.done $0x0  }
0x6e: {  	s1 =	simm.s32 $0x9AB0;
	[sflag:s22] =	ssyncadd.s32 $0xFFFFEC00  }
0x6f: {  	[spmem:s2] =	stream.indirect.scatter.add.f32 [tilespmem:s16], [sflag:$0x6], $0x40, s1, s14, $0xb8;
	[tilespmem:$0x18C40] =	vst v63  }
0x70: {  	_ =	swait.ge [sflag:s23], $0x1400  }
0x71: {  	[sflag:s23] =	ssyncset.done $0x0  }
0x72: {  	s13 =	simm.s32 $0x9B00;
	[sflag:s23] =	ssyncadd.s32 $0xFFFFEC00  }
0x73: {  	[spmem:s2] =	stream.indirect.scatter.add.f32 [tilespmem:s18], [sflag:$0x7], $0x40, s13, s14, $0xb8;
	[tilespmem:$0x18C40] =	vst v63  }
0x74: {  	_ =	swait.ge [sflag:s24], $0x1400  }
0x75: {  	[sflag:s24] =	ssyncset.done $0x0  }
0x76: {  	s1 =	simm.s32 $0x9B50;
	[sflag:s24] =	ssyncadd.s32 $0xFFFFEC00  }
0x77: {  	[spmem:s2] =	stream.indirect.scatter.add.f32 [tilespmem:s20], [sflag:$0x8], $0x40, s1, s14, $0xb8;
	[tilespmem:$0x18C40] =	vst v63  }
0x78: {  	_ =	swait.ge [sflag:s25], $0x1400  }
0x79: {  	[sflag:s25] =	ssyncset.done $0x0  }
0x7a: {  	s13 =	simm.s32 $0x4D80;
	[sflag:s25] =	ssyncadd.s32 $0xFFFFEC00  }
0x7b: {  	[tilespmem:s15], [sflag:$0x1] =	stream.indirect.gather [hbm4b:s4+s14], $0x40, s13, s14, $0xb8;
	[tilespmem:$0x18C40] =	vst v63  }
0x7c: {  	_ =	swait.ge [sflag:s26], $0x1400  }
0x7d: {  	[sflag:s26] =	ssyncset.done $0x0  }
0x7e: {  	[sflag:s26] =	ssyncadd.s32 $0xFFFFEC00  }
0x7f: {  	[tilespmem:s16], [sflag:$0x2] =	stream.indirect.gather [hbm4b:s4+s14], $0x40, s17, s14, $0xb8;
	[tilespmem:$0x18C40] =	vst v63  }
0x80: {  	_ =	swait.ge [sflag:s21], $0x1400  }
0x81: {  	[sflag:s21] =	ssyncset.done $0x0  }
0x82: {  	[sflag:s21] =	ssyncadd.s32 $0xFFFFEC00  }
0x83: {  	[spmem:s2] =	stream.indirect.scatter.add.f32 [tilespmem:s15], [sflag:$0x5], $0x40, s19, s14, $0xb8;
	[tilespmem:$0x18C40] =	vst v63  }
0x84: {  	_ =	swait.ge [sflag:s22], $0x1400  }
0x85: {  	[sflag:s22] =	ssyncset.done $0x0  }
0x86: {  	[sflag:s22] =	ssyncadd.s32 $0xFFFFEC00  }
0x87: {  	[spmem:s2] =	stream.indirect.scatter.add.f32 [tilespmem:s16], [sflag:$0x6], $0x40, s30, s14, $0xb8;
	[tilespmem:$0x18C40] =	vst v63  }
0x88: {  	_ =	swait.ge [sflag:s28], $0x1400  }
0x89: {  	[sflag:s28] =	ssyncset.done $0x0  }
0x8a: {  	[sflag:s28] =	ssyncadd.s32 $0xFFFFEC00  }
0x8b: {  	_ =	swait.ge [sflag:s29], $0x1400  }
0x8c: {  	[sflag:s29] =	ssyncset.done $0x0  }
0x8d: {  	[sflag:s29] =	ssyncadd.s32 $0xFFFFEC00  }
0x8e: {  	_ =	swait.ge [sflag:s25], $0x1400  }
0x8f: {  	[sflag:s25] =	ssyncset.done $0x0  }
0x90: {  	[sflag:s25] =	ssyncadd.s32 $0xFFFFEC00  }
0x91: {  	_ =	swait.ge [sflag:s26], $0x1400  }
0x92: {  	s31 =	sadd.s32 $0x1, s31;
	[sflag:s26] =	ssyncset.done $0x0  }
0x93: {  	p0 =	sne.s32 s31, s10;
	[sflag:s26] =	ssyncadd.s32 $0xFFFFEC00  }
.Ltmp1:
0x94: {  	[bflag:$0x0] =	sbarrier.arrive $0xFFFF;
	(pc) =	sbr.rel @p0 .LBB2_1-.Ltmp1, $4  }
0x95: {  	[hbm:s9], [sflag:s6] =	dma.local [spmem:s11], $0x1400  }
0x96: {  	_ =	swait.ge [sflag:s12], $0x1400  }
0x97: {  	[sflag:s12] =	ssyncset.done $0x0  }
0x98: {  	[sflag:s12] =	ssyncadd.s32 $0xFFFFEC00  }
0x99: {  	_ =	sfence.sel $0x180000  }
0x9a: {  	[bflag:$0x0] =	sbarrier.arrive $0xFFFF  }
0x9b: {  	_ =	strace $0x9000004A  }
0x9c: {  	s0 =	stileid.u32;
	[bflag:$0x2] =	sbarrier.arrive $0xFFFF  }
0x9d: {  	p0 =	sne.s32 s0, $0x0;
	s0 =	rddreg [dreg:$0x2]  }
0x9e: {  	s0 =	sadd.s32 @!p0 $0x100000, s0  }
0x9f: {  	[sflag:s0] =	ssyncadd.tile.s32 @!p0 $0x1;
	_ =	shalt  }
.Lfunc_end2:
_tile_overlayer_lowered:
.L_overlay_start_2:
0xa0: {  	(tag) =	ssettag $0x2  }
0xa1: {  	s0 =	rddreg [dreg:$0x0];
	s2 =	stileid.u32  }
0xa2: {  	s1 =	rddreg [dreg:$0x1];
	p0 =	sne.s32 s2, $0x0  }
0xa3: {  	s3 =	rddreg [dreg:$0x2];
	[bflag:$0x3] =	sbarrier.arrive $0xFFFF;
	s2 =	simm.s32 @!p0 $0x1C09  }
0xa4: {  	[timem:s3], [sflag:s2] =	dma.local @!p0 [hbm:s0], s1  }
0xa5: {  	s0 =	simm.s32 @!p0 $0x9  }
0xa6: {  	_ =	swait.ge @!p0 [sflag:s0], s1  }
0xa7: {  	s1 =	ssub.s32 @!p0 $0x0, s1;
	[sflag:s0] =	ssyncset.done @!p0 $0x0  }
0xa8: {  	[sflag:s0] =	ssyncadd.s32 @!p0 s1  }
0xa9: {  	[bflag:$0x3] =	sbarrier.arrive $0xFFFF  }
0xaa: {  	_ =	shalt  }

// kernel: sc_seg_sum_deg.3.cloned.1.call-start
scs
__scs_entry_jumppad:
0x0: {  	(pc) =	sbr.rel $0x88, $3  }
0x1: {  	(tag) =	ssettag $0x0;
	lr =	simm.s32 $0x1  }
0x2: {  	[smem:$0x3F98] =	sst lr;
	_ =	strace $0xD0000000  }
0x3: {  	_ = 	snop  }
0x4: {  	_ = 	snop  }
0x5: {  	_ = 	snop  }
0x6: {  	_ = 	snop  }
0x7: {  	_ = 	snop  }
__scs_overlays_trampoline_lowered:
0x8: {  	[smem:$0x3FA7] =	sst s0  }
0x9: {  	[smem:$0x3FA8] =	sst s1  }
0xa: {  	[smem:$0x3FA9] =	sst s2  }
0xb: {  	[smem:$0x3FAA] =	sst s3  }
0xc: {  	[smem:$0x3FAB] =	sst s4  }
0xd: {  	[smem:$0x3FAC] =	sst s5  }
0xe: {  	[smem:$0x3FAD] =	sst s6  }
0xf: {  	[smem:$0x3FAE] =	sst s7  }
0x10: {  	[smem:$0x3FAF] =	sst s8  }
0x11: {  	[smem:$0x3FB0] =	sst s9;
	s0 =	simm.s32 @!p0 $0x0  }
0x12: {  	s1 =	sld [smem:$0x3F96];
	s0 =	simm.s32 @p0 $0x1  }
0x13: {  	[smem:$0x3FB1] =	sst s0;
	s0 =	simm.s32 @!p1 $0x0  }
0x14: {  	s2 =	sld [smem:$0x3F95];
	s0 =	simm.s32 @p1 $0x1  }
0x15: {  	[smem:$0x3FB2] =	sst s0;
	s0 =	simm.s32 @!p2 $0x0  }
0x16: {  	s3 =	sld [smem:$0x3FDB];
	s0 =	simm.s32 @p2 $0x1  }
0x17: {  	s4 =	simm.s32 $0x1BF5;
	[smem:$0x3FB4] =	sst s0  }
0x18: {  	s0 =	sld [smem:$0x3F97];
	_ =	swait.ge [sflag:s4], $0x0  }
0x19: {  	s7 =	sld [smem:$0x3F98]  }
0x1a: {  	s8 =	sadd.s32 $0xFFFFE003, lr  }
0x1b: {  	s9 =	sadd.s32 $0xFFFFFEF7, lr;
	s5 =	simm.s32 $0xFFFFFFFF;
	p2 =	slt.u32 s8, $0xFFFFF086  }
0x1c: {  	p1 =	slt.u32 s9, $0xF7A;
	s5 =	simm.s32 @!p2 $0x0  }
0x1d: {  	s5 =	simm.s32 @p1 $0x1;
	p0 =	seq.s32 s7, s2  }
0x1e: {  	s7 =	smul.u32 @!p0 $0xF7A, s2;
	p2 =	seq.s32 @!p0 s5, $0x0  }
0x1f: {  	s9 =	smul.u32 $0xF7A, s1;
	s8 =	simm.s32 @!p0 $0x1BF5;
	p2 =	por !p2, p0  }
0x20: {  	[sflag:s8] =	ssyncset.s32 @!p0 $0xFFFFF086;
	s6 =	sadd.s32 @!p0 s3, s7;
	s7 =	simm.s32 @!p0 $0x108  }
0x21: {  	s3 =	sadd.s32 s3, s9;
	s6 =	sadd.s32 @!p0 $0x88, s6;
	s7 =	simm.s32 @p2 $0x1082  }
0x22: {  	[simem:s7], [sflag:s8] =	dma.local @!p0 [hbm:s6], $0xF7A  }
0x23: {  	s9 =	sor.u32 $0xD0000000, s2;
	s6 =	simm.s32 $0x108;
	_ =	swait.ge @!p0 [sflag:s8], $0x0  }
0x24: {  	s3 =	sadd.s32 $0x88, s3;
	s6 =	simm.s32 @!p1 $0x1082;
	[sflag:s4] =	ssyncset.s32 $0xFFFFF086  }
0x25: {  	[simem:s6], [sflag:s4] =	dma.local [hbm:s3], $0xF7A  }
0x26: {  	[smem:$0x3F98] =	sst s1;
	(tag) =	ssettag s2;
	_ =	strace s9  }
0x27: {  	s1 =	sld [smem:$0x3FA8]  }
0x28: {  	s2 =	sld [smem:$0x3FA9]  }
0x29: {  	s4 =	sld [smem:$0x3FAB]  }
0x2a: {  	p0 =	seq.s32 s5, $0x0;
	s5 =	sld [smem:$0x3FAC]  }
0x2b: {  	s6 =	sld [smem:$0x3FAD]  }
0x2c: {  	s7 =	sld [smem:$0x3FAE]  }
0x2d: {  	s3 =	simm.s32 $0x108;
	s8 =	sld [smem:$0x3FAF]  }
0x2e: {  	s3 =	simm.s32 @!p0 $0x1082;
	s9 =	sld [smem:$0x3FB0]  }
0x2f: {  	lr =	sadd.s32 s0, s3;
	s0 =	sld [smem:$0x3FA7]  }
0x30: {  	s3 =	sld [smem:$0x3FAA]  }
0x31: {  	[smem:$0x3FB3] =	sst s10  }
0x32: {  	s10 =	sld [smem:$0x3FB1];
	_ =	sdelay $0x3  }
0x33: {  	p0 =	seq.s32 s10, $0x1;
	s10 =	sld [smem:$0x3FB3];
	_ =	sdelay $0x3  }
0x34: {  	[smem:$0x3FB3] =	sst s10  }
0x35: {  	s10 =	sld [smem:$0x3FB2];
	_ =	sdelay $0x3  }
0x36: {  	p1 =	seq.s32 s10, $0x1;
	s10 =	sld [smem:$0x3FB3];
	_ =	sdelay $0x3  }
0x37: {  	[smem:$0x3FB3] =	sst s10  }
0x38: {  	s10 =	sld [smem:$0x3FB4]  }
0x39: {  	_ = 	snop;
	(pc) =	sbr.ind lr, $3  }
0x3a: {  	_ = 	snop  }
0x3b: {  	_ = 	snop  }
0x3c: {  	p2 =	seq.s32 s10, $0x1;
	s10 =	sld [smem:$0x3FB3]  }
0x3d: {  	_ =	shalt  }
0x3e: {  	_ =	shalt  }
0x3f: {  	_ =	shalt  }
0x40: {  	_ =	shalt  }
0x41: {  	_ =	shalt  }
0x42: {  	_ =	shalt  }
0x43: {  	_ =	shalt  }
0x44: {  	_ =	shalt  }
0x45: {  	_ =	shalt  }
0x46: {  	_ =	shalt  }
0x47: {  	_ =	shalt  }
0x48: {  	_ =	shalt  }
0x49: {  	_ =	shalt  }
0x4a: {  	_ =	shalt  }
0x4b: {  	_ =	shalt  }
0x4c: {  	_ =	shalt  }
0x4d: {  	_ =	shalt  }
0x4e: {  	_ =	shalt  }
0x4f: {  	_ =	shalt  }
0x50: {  	_ =	shalt  }
0x51: {  	_ =	shalt  }
0x52: {  	_ =	shalt  }
0x53: {  	_ =	shalt  }
0x54: {  	_ =	shalt  }
0x55: {  	_ =	shalt  }
0x56: {  	_ =	shalt  }
0x57: {  	_ =	shalt  }
0x58: {  	_ =	shalt  }
0x59: {  	_ =	shalt  }
0x5a: {  	_ =	shalt  }
0x5b: {  	_ =	shalt  }
0x5c: {  	_ =	shalt  }
0x5d: {  	_ =	shalt  }
0x5e: {  	_ =	shalt  }
0x5f: {  	_ =	shalt  }
0x60: {  	_ =	shalt  }
0x61: {  	_ =	shalt  }
0x62: {  	_ =	shalt  }
0x63: {  	_ =	shalt  }
0x64: {  	_ =	shalt  }
0x65: {  	_ =	shalt  }
0x66: {  	_ =	shalt  }
0x67: {  	_ =	shalt  }
0x68: {  	_ =	shalt  }
0x69: {  	_ =	shalt  }
0x6a: {  	_ =	shalt  }
0x6b: {  	_ =	shalt  }
0x6c: {  	_ =	shalt  }
0x6d: {  	_ =	shalt  }
0x6e: {  	_ =	shalt  }
0x6f: {  	_ =	shalt  }
0x70: {  	_ =	shalt  }
0x71: {  	_ =	shalt  }
0x72: {  	_ =	shalt  }
0x73: {  	_ =	shalt  }
0x74: {  	_ =	shalt  }
0x75: {  	_ =	shalt  }
0x76: {  	_ =	shalt  }
0x77: {  	_ =	shalt  }
0x78: {  	_ =	shalt  }
0x79: {  	_ =	shalt  }
0x7a: {  	_ =	shalt  }
0x7b: {  	_ =	shalt  }
0x7c: {  	_ =	shalt  }
0x7d: {  	_ =	shalt  }
0x7e: {  	_ =	shalt  }
0x7f: {  	_ =	shalt  }
0x80: {  	_ =	shalt  }
0x81: {  	_ =	shalt  }
0x82: {  	_ =	shalt  }
0x83: {  	_ =	shalt  }
0x84: {  	_ =	shalt  }
0x85: {  	_ =	shalt  }
0x86: {  	_ =	shalt  }
0x87: {  	_ =	shalt  }
.Lfunc_end0:
.L_simem_size_0:
called_computation_lowered:
.L_overlay_start_0:
0x88: {  	s2 =	sld [smem:$0x3FD9]  }
0x89: {  	s3 =	sld [smem:$0x3FFE];
	_ =	sdelay $0x1  }
0x8a: {  	s1 =	srdreg.scid  }
0x8b: {  	s0 =	sand.u32 $0x1, s1  }
0x8c: {  	s17 =	sshll.u32 s0, $0xA;
	s2 =	sadd.s32 s3, s2  }
0x8d: {  	s2 =	sadd.s32 s2, s17  }
0x8e: {  	[smem:$0x3FBF] =	sst s2  }
0x8f: {  	_ = 	snop  }
0x90: {  	s2 =	sld [smem:$0x3FD0];
	(tm) =	ssettm $0x1  }
0x91: {  	s18 =	sld [smem:$0x3FFB];
	_ =	sdelay $0x3  }
0x92: {  	_ =	strace s18  }
0x93: {  	s3 =	sld [smem:$0x3FFC];
	_ =	sdelay $0x3  }
0x94: {  	_ =	strace s3  }
0x95: {  	s3 =	sld [smem:$0x3FFD];
	_ =	sdelay $0x3  }
0x96: {  	_ =	strace s3  }
0x97: {  	_ =	strace $0x8FFFFFFF  }
0x98: {  	s19 =	sld [smem:$0x3FDB];
	_ =	sdelay $0x1  }
0x99: {  	s4 =	simm.s32 $_scs_section_size  }
0x9a: {  	s5 =	simm.s32 $_size__tile_overlayer_lowered;
	s6 =	simm.s32 $_tile_overlayer_lowered  }
0x9b: {  	s22 =	simm.s32 $0x1BFF;
	s21 =	sshll.u32 s6, $0x1;
	s3 =	sadd.s32 s4, s19  }
0x9c: {  	s7 =	simm.s32 $0x0;
	s20 =	sshll.u32 s5, $0x1;
	s5 =	sadd.s32 s21, s3  }
0x9d: {  	[timem:s7], [sflag:s22] =	dma.local [hbm:s5], s20  }
0x9e: {  	_ =	swait.ge [sflag:s22], s20  }
0x9f: {  	s4 =	ssub.s32 $0x0, s20;
	[sflag:s22] =	ssyncset.done $0x0  }
0xa0: {  	[sflag:s22] =	ssyncadd.s32 s4;
	_ =	sdelay $0x1  }
0xa1: {  	s23 =	simm.s32 $0x1B8B  }
0xa2: {  	_ =	swait.ge [sflag:s23], $0x1  }
0xa3: {  	[sflag:s23] =	ssyncset.done $0x0  }
0xa4: {  	s25 =	simm.s32 $0x1B8E;
	s24 =	sld [smem:$0x3FFE];
	[sflag:s23] =	ssyncadd.s32 $0xFFFFFFFF  }
0xa5: {  	s26 =	simm.s32 $execute0_lowered;
	[smem:$0x3FD2] =	sst s25  }
0xa6: {  	s5 =	sshll.u32 s26, $0x1;
	_ =	strace $0x80000046;
	[dreg:$0x1] =	wrdreg $0xFFFFFFFF  }
0xa7: {  	s28 =	simm.s32 $_size_execute0_lowered;
	s3 =	sadd.s32 s3, s5;
	[dreg:$0x0] =	wrdreg $0x0  }
0xa8: {  	s5 =	sshll.u32 s28, $0x1;
	[dreg:$0x2] =	wrdreg s3  }
0xa9: {  	[dreg:$0x3] =	wrdreg s5  }
0xaa: {  	[dreg:$0x4] =	wrdreg $0xC0  }
0xab: {  	_ =	task [dreg:s7], $0x5FFFF  }
0xac: {  	[dreg:$0x1] =	wrdreg $0xFFFFFFFF  }
0xad: {  	[dreg:$0x0] =	wrdreg $0x60  }
0xae: {  	[dreg:$0x2] =	wrdreg s24  }
0xaf: {  	[dreg:$0x3] =	wrdreg s2  }
0xb0: {  	[dreg:$0x4] =	wrdreg $0xEEC00  }
0xb1: {  	[dreg:$0x5] =	wrdreg $0x18EC00  }
0xb2: {  	[dreg:$0x6] =	wrdreg $0x9  }
0xb3: {  	_ =	task.clear_ibuf [dreg:s7], $0x7FFFF;
	_ =	strace $0x90000046  }
0xb4: {  	s29 =	simm.s32 $0x9;
	_ =	strace $0x80000048  }
0xb5: {  	_ =	swait.ge [sflag:s29], $0x1  }
0xb6: {  	[sflag:s29] =	ssyncadd.s32 $0xFFFFFFFF  }
0xb7: {  	_ =	strace $0x90000048  }
0xb8: {  	_ =	sfence  }
0xb9: {  	s30 =	sld [smem:$0x0];
	_ =	sdelay $0x2  }
0xba: {  	s31 =	sshll.u32 s1, $0xD;
	s1 =	sshrl.u32 s1, $0x2  }
0xbb: {  	s3 =	sand.u32 $0x4000, s31;
	s1 =	sadd.s32 s1, s30  }
0xbc: {  	s0 =	sor.u32 s3, s0;
	s1 =	sshll.u32 s1, $0x11  }
0xbd: {  	s0 =	sor.u32 s1, s0  }
0xbe: {  	s0 =	sadd.s32 $0x8F2B, s0  }
0xbf: {  	[sflag:s0] =	ssyncadd.remote.s32 $0x1  }
0xc0: {  	_ =	sfence.sel $0xFFFF  }
0xc1: {  	[dreg:$0x0] =	wrdreg $0xFFFFFFFF;
	(pc) =	sbr.abs _section_cstart, $3  }
0xc2: {  	[dreg:$0x1] =	wrdreg $0xFFFFFFFF  }
0xc3: {  	_ =	task.clear_ibuf [dreg:s7], $0x2FFFF;
	_ =	strace $0x9FFFFFFF  }
0xc4: {  	(tm) =	ssettm $0x7FFFFFFF  }
0xc5: {  	_ =	shalt  }
tec
execute0_lowered:
.L_overlay_start_1:
0x0: {  	(tag) =	ssettag $0x1  }
0x1: {  	s0 =	rddreg [dreg:$0x0]  }
0x2: {  	s1 =	rddreg [dreg:$0x1]  }
0x3: {  	s2 =	rddreg [dreg:$0x2]  }
0x4: {  	s3 =	rddreg [dreg:$0x3];
	s5 =	srdreg.scid  }
0x5: {  	s15 =	stileid.u32;
	s4 =	simm.s32 $0x0;
	s18 =	simm.s32 $0xEC40  }
0x6: {  	s28 =	simm.s32 $0x1;
	s29 =	simm.s32 $0x2;
	s30 =	simm.s32 $0x3  }
0x7: {  	s31 =	simm.s32 $0x4;
	s19 =	simm.s32 $0x6;
	s7 =	smul.u32 $0x4E20, s15  }
0x8: {  	s6 =	sand.u32 $0x1, s5;
	[smem:$0x7FF] =	sst s4;
	s9 =	smul.u32 $0xA000, s15  }
0x9: {  	s5 =	sadd.s32 $0x2A600, s0;
	s10 =	smul.u32 $0x1400, s15;
	s16 =	sadd.s32 $0x68E00, s0  }
0xa: {  	s22 =	sshll.u32 s15, $0x6;
	s8 =	smul.u32 $0x4E200, s6;
	_ =	strace $0x80000047  }
0xb: {  	s11 =	smul.u32 $0xA0000, s6;
	s14 =	ssub.s32 $0x2, s6;
	[dreg:$0x5] =	wrdreg s16  }
0xc: {  	s6 =	smul.u32 $0x14000, s6;
	s16 =	simm.s32 $0xD;
	s20 =	sshrl.u32 s9, $0x3  }
0xd: {  	s13 =	sshrl.u32 s10, $0x3;
	s21 =	sshrl.u32 s14, $0x1;
	s23 =	sadd.s32 s10, s3  }
0xe: {  	s8 =	sadd.s32 s7, s8;
	s7 =	sshrl.u32 s7, $0x3;
	s11 =	sadd.s32 s9, s11  }
0xf: {  	s13 =	sadd.s32 s13, s0;
	s9 =	sadd.s32 s9, s2;
	s6 =	sadd.s32 s10, s6  }
0x10: {  	s17 =	sshrl.u32 s23, $0x3;
	s23 =	simm.s32 $0xA;
	s10 =	simm.s32 $0x9BF0  }
0x11: {  	s8 =	sshrl.u32 s8, $0x3;
	s7 =	sadd.s32 s7, s0;
	s11 =	sshrl.u32 s11, $0x3  }
0x12: {  	s13 =	sadd.s32 $0x66600, s13;
	s6 =	sshrl.u32 s6, $0x3;
	s15 =	sshrl.u32 s9, $0x3  }
0x13: {  	s9 =	simm.s32 $0xC;
	s12 =	sadd.s32 s8, s0;
	s8 =	sadd.s32 s20, s0  }
0x14: {  	s0 =	sadd.s32 s11, s0;
	s11 =	ssub.s32 s14, s21;
	[dreg:$0x7] =	wrdreg s13  }
0x15: {  	s7 =	sadd.s32 $0xCE00, s7;
	s25 =	sadd.s32 s1, s6;
	s20 =	simm.s32 $0x50  }
0x16: {  	s21 =	simm.s32 $0x9C40;
	s1 =	simm.s32 $0x9;
	[dreg:$0x9] =	wrdreg s7  }
0x17: {  	s6 =	simm.s32 $0xB;
	s8 =	sadd.s32 $0x52600, s8;
	[dreg:$0xb] =	wrdreg s25  }
0x18: {  	s24 =	sadd.s32 $0x16C00, s12;
	s0 =	sadd.s32 $0x69000, s0;
	[dreg:$0x6] =	wrdreg s8  }
0x19: {  	s26 =	smax.u32 s11, $0x1;
	s25 =	simm.s32 $0x7;
	[dreg:$0x8] =	wrdreg s24  }
0x1a: {  	s7 =	simm.s32 $0x8;
	s11 =	simm.s32 $0x0;
	[dreg:$0xa] =	wrdreg s0  }
0x1b: {  	s8 =	sor.u32 $0x1C0D, s22;
	[dreg:$0xc] =	wrdreg s26;
	s22 =	simm.s32 $0xB040  }
0x1c: {  	s24 =	simm.s32 $0xC440;
	s26 =	simm.s32 $0xD840;
	s0 =	simm.s32 $0x5  }
.LBB2_1:
0x1d: {  	s12 =	rddreg [dreg:$0x6]  }
0x1e: {  	[spmem:s15], [sflag:s8] =	dma.local [hbm:s12], $0x1400  }
0x1f: {  	_ =	swait.ge [sflag:s16], $0x1400  }
0x20: {  	[sflag:s16] =	ssyncset.done $0x0  }
0x21: {  	s13 =	rddreg [dreg:$0x7];
	[sflag:s16] =	ssyncadd.s32 $0xFFFFEC00  }
0x22: {  	[spmem:s17], [sflag:s8] =	dma.local [hbm:s13], $0x280  }
0x23: {  	_ =	swait.ge [sflag:s16], $0x280  }
0x24: {  	[sflag:s16] =	ssyncset.done $0x0  }
0x25: {  	s14 =	rddreg [dreg:$0x5];
	[sflag:s16] =	ssyncadd.s32 $0xFFFFFD80  }
0x26: {  	[tilespmem:s18], [sflag:$0xD] =	stream.linear.gather [hbm4b:s14+s4], $0x280, $0x38;
	[tilespmem:$0x1A2C0] =	vst v63  }
0x27: {  	_ =	swait.ge [sflag:s16], $0x280  }
0x28: {  	[sflag:s16] =	ssyncset.done $0x0  }
0x29: {  	s13 =	rddreg [dreg:$0x8];
	[sflag:s16] =	ssyncadd.s32 $0xFFFFFD80  }
0x2a: {  	[tilespmem:s4], [sflag:$0xD] =	stream.linear.gather [hbm4b:s13+s4], $0x4E20, $0x38;
	[tilespmem:$0x1A2C0] =	vst v63  }
0x2b: {  	_ =	swait.ge [sflag:s16], $0x4E20  }
0x2c: {  	[sflag:s16] =	ssyncset.done $0x0  }
0x2d: {  	s13 =	simm.s32 $0x4E20;
	s14 =	rddreg [dreg:$0x9];
	[sflag:s16] =	ssyncadd.s32 $0xFFFFB1E0  }
0x2e: {  	[tilespmem:s13], [sflag:$0xD] =	stream.linear.gather [hbm4b:s14+s4], $0x4E20, $0x38;
	[tilespmem:$0x1A2C0] =	vst v63  }
0x2f: {  	_ =	swait.ge [sflag:s16], $0x4E20  }
0x30: {  	[sflag:s16] =	ssyncset.done $0x0  }
0x31: {  	[sflag:s16] =	ssyncadd.s32 $0xFFFFB1E0  }
0x32: {  	[bflag:$0x0] =	sbarrier.arrive $0xFFFF  }
0x33: {  	[tilespmem:s21], [sflag:$0x1] =	stream.indirect.gather [hbm4b:s5+s20], $0x40, s4, s20, $0xb8;
	[tilespmem:$0x1A2C0] =	vst v63  }
0x34: {  	_ = 	snop  }
0x35: {  	[tilespmem:s22], [sflag:$0x2] =	stream.indirect.gather [hbm4b:s5+s20], $0x40, s20, s20, $0xb8;
	[tilespmem:$0x1A2C0] =	vst v63  }
0x36: {  	s14 =	simm.s32 $0xA0  }
0x37: {  	[tilespmem:s24], [sflag:$0x3] =	stream.indirect.gather [hbm4b:s5+s20], $0x40, s14, s20, $0xb8;
	[tilespmem:$0x1A2C0] =	vst v63  }
0x38: {  	s13 =	simm.s32 $0xF0  }
0x39: {  	[tilespmem:s26], [sflag:$0x4] =	stream.indirect.gather [hbm4b:s5+s20], $0x40, s13, s20, $0xb8;
	[tilespmem:$0x1A2C0] =	vst v63  }
0x3a: {  	_ =	swait.ge [sflag:s28], $0x1400  }
0x3b: {  	[sflag:s28] =	ssyncset.done $0x0  }
0x3c: {  	s14 =	simm.s32 $0x4E20;
	[sflag:s28] =	ssyncadd.s32 $0xFFFFEC00  }
0x3d: {  	[spmem:s2] =	stream.indirect.scatter.add.f32 [tilespmem:s21], [sflag:$0x5], $0x40, s14, s20, $0xb8;
	[tilespmem:$0x1A2C0] =	vst v63  }
0x3e: {  	_ = 	snop  }
0x3f: {  	[spmem:s3] =	stream.indirect.scatter.add.f32 [tilespmem:s18], [sflag:$0x9], $0x8, s14, s20, $0xb8;
	[tilespmem:$0x1A2C0] =	vst v63  }
0x40: {  	_ =	swait.ge [sflag:s29], $0x1400  }
0x41: {  	[sflag:s29] =	ssyncset.done $0x0  }
0x42: {  	s13 =	simm.s32 $0x4E70;
	[sflag:s29] =	ssyncadd.s32 $0xFFFFEC00  }
0x43: {  	[spmem:s2] =	stream.indirect.scatter.add.f32 [tilespmem:s22], [sflag:$0x6], $0x40, s13, s20, $0xb8;
	[tilespmem:$0x1A2C0] =	vst v63  }
0x44: {  	_ = 	snop  }
0x45: {  	[spmem:s3] =	stream.indirect.scatter.add.f32 [tilespmem:s18], [sflag:$0xA], $0x8, s13, s20, $0xb8;
	[tilespmem:$0x1A2C0] =	vst v63  }
0x46: {  	_ =	swait.ge [sflag:s30], $0x1400  }
0x47: {  	[sflag:s30] =	ssyncset.done $0x0  }
0x48: {  	s14 =	simm.s32 $0x4EC0;
	[sflag:s30] =	ssyncadd.s32 $0xFFFFEC00  }
0x49: {  	[spmem:s2] =	stream.indirect.scatter.add.f32 [tilespmem:s24], [sflag:$0x7], $0x40, s14, s20, $0xb8;
	[tilespmem:$0x1A2C0] =	vst v63  }
0x4a: {  	_ = 	snop  }
0x4b: {  	[spmem:s3] =	stream.indirect.scatter.add.f32 [tilespmem:s18], [sflag:$0xB], $0x8, s14, s20, $0xb8;
	[tilespmem:$0x1A2C0] =	vst v63  }
0x4c: {  	_ =	swait.ge [sflag:s31], $0x1400  }
0x4d: {  	[sflag:s31] =	ssyncset.done $0x0  }
0x4e: {  	s13 =	simm.s32 $0x4F10;
	[sflag:s31] =	ssyncadd.s32 $0xFFFFEC00  }
0x4f: {  	[spmem:s2] =	stream.indirect.scatter.add.f32 [tilespmem:s26], [sflag:$0x8], $0x40, s13, s20, $0xb8;
	[tilespmem:$0x1A2C0] =	vst v63  }
0x50: {  	_ = 	snop  }
0x51: {  	[spmem:s3] =	stream.indirect.scatter.add.f32 [tilespmem:s18], [sflag:$0xC], $0x8, s13, s20, $0xb8;
	[tilespmem:$0x1A2C0] =	vst v63  }
0x52: {  	_ =	swait.ge [sflag:s0], $0x1400  }
0x53: {  	[sflag:s0] =	ssyncset.done $0x0  }
0x54: {  	[sflag:s0] =	ssyncadd.s32 $0xFFFFEC00  }
0x55: {  	_ =	swait.ge [sflag:s1], $0x280  }
0x56: {  	[sflag:s1] =	ssyncset.done $0x0  }
0x57: {  	s14 =	simm.s32 $0x140;
	[sflag:s1] =	ssyncadd.s32 $0xFFFFFD80  }
0x58: {  	[tilespmem:s21], [sflag:$0x1] =	stream.indirect.gather [hbm4b:s5+s20], $0x40, s14, s20, $0xb8;
	[tilespmem:$0x1A2C0] =	vst v63  }
0x59: {  	_ =	swait.ge [sflag:s19], $0x1400  }
0x5a: {  	[sflag:s19] =	ssyncset.done $0x0  }
0x5b: {  	[sflag:s19] =	ssyncadd.s32 $0xFFFFEC00  }
0x5c: {  	_ =	swait.ge [sflag:s23], $0x280  }
0x5d: {  	[sflag:s23] =	ssyncset.done $0x0  }
0x5e: {  	s13 =	simm.s32 $0x190;
	[sflag:s23] =	ssyncadd.s32 $0xFFFFFD80  }
0x5f: {  	[tilespmem:s22], [sflag:$0x2] =	stream.indirect.gather [hbm4b:s5+s20], $0x40, s13, s20, $0xb8;
	[tilespmem:$0x1A2C0] =	vst v63  }
0x60: {  	_ =	swait.ge [sflag:s25], $0x1400  }
0x61: {  	[sflag:s25] =	ssyncset.done $0x0  }
0x62: {  	[sflag:s25] =	ssyncadd.s32 $0xFFFFEC00  }
0x63: {  	_ =	swait.ge [sflag:s6], $0x280  }
0x64: {  	[sflag:s6] =	ssyncset.done $0x0  }
0x65: {  	s14 =	simm.s32 $0x1E0;
	[sflag:s6] =	ssyncadd.s32 $0xFFFFFD80  }
0x66: {  	[tilespmem:s24], [sflag:$0x3] =	stream.indirect.gather [hbm4b:s5+s20], $0x40, s14, s20, $0xb8;
	[tilespmem:$0x1A2C0] =	vst v63  }
0x67: {  	_ =	swait.ge [sflag:s7], $0x1400  }
0x68: {  	[sflag:s7] =	ssyncset.done $0x0  }
0x69: {  	[sflag:s7] =	ssyncadd.s32 $0xFFFFEC00  }
0x6a: {  	_ =	swait.ge [sflag:s9], $0x280  }
0x6b: {  	[sflag:s9] =	ssyncset.done $0x0  }
0x6c: {  	s12 =	simm.s32 $0x500;
	s13 =	simm.s32 $0x230;
	[sflag:s9] =	ssyncadd.s32 $0xFFFFFD80  }
.LBB2_2:
0x6d: {  	[tilespmem:s26], [sflag:$0x4] =	stream.indirect.gather [hbm4b:s5+s20], $0x40, s13, s20, $0xb8;
	[tilespmem:$0x1A2C0] =	vst v63  }
0x6e: {  	s13 =	smov.u32 s12  }
0x6f: {  	p0 =	sne.s32 s12, $0x12C00;
	s12 =	sadd.s32 $0x500, s12;
	_ =	swait.ge [sflag:s28], $0x1400  }
0x70: {  	s13 =	sshra.s32 s13, $0x2;
	[sflag:s28] =	ssyncset.done $0x0  }
0x71: {  	s14 =	sadd.s32 $0x4E20, s13;
	[sflag:s28] =	ssyncadd.s32 $0xFFFFEC00  }
0x72: {  	[spmem:s2] =	stream.indirect.scatter.add.f32 [tilespmem:s21], [sflag:$0x5], $0x40, s14, s20, $0xb8;
	[tilespmem:$0x1A2C0] =	vst v63  }
0x73: {  	_ = 	snop  }
0x74: {  	[spmem:s3] =	stream.indirect.scatter.add.f32 [tilespmem:s18], [sflag:$0x9], $0x8, s14, s20, $0xb8;
	[tilespmem:$0x1A2C0] =	vst v63  }
0x75: {  	_ =	swait.ge [sflag:s29], $0x1400  }
0x76: {  	[sflag:s29] =	ssyncset.done $0x0  }
0x77: {  	s14 =	sadd.s32 $0x4E70, s13;
	[sflag:s29] =	ssyncadd.s32 $0xFFFFEC00  }
0x78: {  	[spmem:s2] =	stream.indirect.scatter.add.f32 [tilespmem:s22], [sflag:$0x6], $0x40, s14, s20, $0xb8;
	[tilespmem:$0x1A2C0] =	vst v63  }
0x79: {  	_ = 	snop  }
0x7a: {  	[spmem:s3] =	stream.indirect.scatter.add.f32 [tilespmem:s18], [sflag:$0xA], $0x8, s14, s20, $0xb8;
	[tilespmem:$0x1A2C0] =	vst v63  }
0x7b: {  	_ =	swait.ge [sflag:s30], $0x1400  }
0x7c: {  	[sflag:s30] =	ssyncset.done $0x0  }
0x7d: {  	s14 =	sadd.s32 $0x4EC0, s13;
	[sflag:s30] =	ssyncadd.s32 $0xFFFFEC00  }
0x7e: {  	[spmem:s2] =	stream.indirect.scatter.add.f32 [tilespmem:s24], [sflag:$0x7], $0x40, s14, s20, $0xb8;
	[tilespmem:$0x1A2C0] =	vst v63  }
0x7f: {  	_ = 	snop  }
0x80: {  	[spmem:s3] =	stream.indirect.scatter.add.f32 [tilespmem:s18], [sflag:$0xB], $0x8, s14, s20, $0xb8;
	[tilespmem:$0x1A2C0] =	vst v63  }
0x81: {  	_ =	swait.ge [sflag:s31], $0x1400  }
0x82: {  	[sflag:s31] =	ssyncset.done $0x0  }
0x83: {  	s14 =	sadd.s32 $0x4F10, s13;
	[sflag:s31] =	ssyncadd.s32 $0xFFFFEC00  }
0x84: {  	[spmem:s2] =	stream.indirect.scatter.add.f32 [tilespmem:s26], [sflag:$0x8], $0x40, s14, s20, $0xb8;
	[tilespmem:$0x1A2C0] =	vst v63  }
0x85: {  	_ = 	snop  }
0x86: {  	[spmem:s3] =	stream.indirect.scatter.add.f32 [tilespmem:s18], [sflag:$0xC], $0x8, s14, s20, $0xb8;
	[tilespmem:$0x1A2C0] =	vst v63  }
0x87: {  	_ =	swait.ge [sflag:s0], $0x1400  }
0x88: {  	[sflag:s0] =	ssyncset.done $0x0  }
0x89: {  	[sflag:s0] =	ssyncadd.s32 $0xFFFFEC00  }
0x8a: {  	_ =	swait.ge [sflag:s1], $0x280  }
0x8b: {  	[sflag:s1] =	ssyncset.done $0x0  }
0x8c: {  	s14 =	sadd.s32 $0x140, s13;
	[sflag:s1] =	ssyncadd.s32 $0xFFFFFD80  }
0x8d: {  	[tilespmem:s21], [sflag:$0x1] =	stream.indirect.gather [hbm4b:s5+s20], $0x40, s14, s20, $0xb8;
	[tilespmem:$0x1A2C0] =	vst v63  }
0x8e: {  	_ =	swait.ge [sflag:s19], $0x1400  }
0x8f: {  	[sflag:s19] =	ssyncset.done $0x0  }
0x90: {  	[sflag:s19] =	ssyncadd.s32 $0xFFFFEC00  }
0x91: {  	_ =	swait.ge [sflag:s23], $0x280  }
0x92: {  	[sflag:s23] =	ssyncset.done $0x0  }
0x93: {  	s14 =	sadd.s32 $0x190, s13;
	[sflag:s23] =	ssyncadd.s32 $0xFFFFFD80  }
0x94: {  	[tilespmem:s22], [sflag:$0x2] =	stream.indirect.gather [hbm4b:s5+s20], $0x40, s14, s20, $0xb8;
	[tilespmem:$0x1A2C0] =	vst v63  }
0x95: {  	_ =	swait.ge [sflag:s25], $0x1400  }
0x96: {  	[sflag:s25] =	ssyncset.done $0x0  }
0x97: {  	[sflag:s25] =	ssyncadd.s32 $0xFFFFEC00  }
0x98: {  	_ =	swait.ge [sflag:s6], $0x280  }
0x99: {  	[sflag:s6] =	ssyncset.done $0x0  }
0x9a: {  	s14 =	sadd.s32 $0x1E0, s13;
	[sflag:s6] =	ssyncadd.s32 $0xFFFFFD80  }
0x9b: {  	[tilespmem:s24], [sflag:$0x3] =	stream.indirect.gather [hbm4b:s5+s20], $0x40, s14, s20, $0xb8;
	[tilespmem:$0x1A2C0] =	vst v63  }
0x9c: {  	_ =	swait.ge [sflag:s7], $0x1400  }
.Ltmp0:
0x9d: {  	[sflag:s7] =	ssyncset.done $0x0;
	(pc) =	sbr.rel @p0 .LBB2_2-.Ltmp0, $4  }
0x9e: {  	[sflag:s7] =	ssyncadd.s32 $0xFFFFEC00  }
0x9f: {  	_ =	swait.ge [sflag:s9], $0x280  }
0xa0: {  	[sflag:s9] =	ssyncset.done $0x0  }
0xa1: {  	s13 =	sadd.s32 $0x230, s13;
	[sflag:s9] =	ssyncadd.s32 $0xFFFFFD80  }
0xa2: {  	[tilespmem:s26], [sflag:$0x4] =	stream.indirect.gather [hbm4b:s5+s20], $0x40, s13, s20, $0xb8;
	[tilespmem:$0x1A2C0] =	vst v63  }
0xa3: {  	_ =	swait.ge [sflag:s28], $0x1400  }
0xa4: {  	[sflag:s28] =	ssyncset.done $0x0  }
0xa5: {  	s12 =	simm.s32 $0x9A60;
	[sflag:s28] =	ssyncadd.s32 $0xFFFFEC00  }
0xa6: {  	[spmem:s2] =	stream.indirect.scatter.add.f32 [tilespmem:s21], [sflag:$0x5], $0x40, s12, s20, $0xb8;
	[tilespmem:$0x1A2C0] =	vst v63  }
0xa7: {  	_ = 	snop  }
0xa8: {  	[spmem:s3] =	stream.indirect.scatter.add.f32 [tilespmem:s18], [sflag:$0x9], $0x8, s12, s20, $0xb8;
	[tilespmem:$0x1A2C0] =	vst v63  }
0xa9: {  	_ =	swait.ge [sflag:s29], $0x1400  }
0xaa: {  	[sflag:s29] =	ssyncset.done $0x0  }
0xab: {  	s14 =	simm.s32 $0x9AB0;
	[sflag:s29] =	ssyncadd.s32 $0xFFFFEC00  }
0xac: {  	[spmem:s2] =	stream.indirect.scatter.add.f32 [tilespmem:s22], [sflag:$0x6], $0x40, s14, s20, $0xb8;
	[tilespmem:$0x1A2C0] =	vst v63  }
0xad: {  	_ = 	snop  }
0xae: {  	[spmem:s3] =	stream.indirect.scatter.add.f32 [tilespmem:s18], [sflag:$0xA], $0x8, s14, s20, $0xb8;
	[tilespmem:$0x1A2C0] =	vst v63  }
0xaf: {  	_ =	swait.ge [sflag:s30], $0x1400  }
0xb0: {  	[sflag:s30] =	ssyncset.done $0x0  }
0xb1: {  	s13 =	simm.s32 $0x9B00;
	[sflag:s30] =	ssyncadd.s32 $0xFFFFEC00  }
0xb2: {  	[spmem:s2] =	stream.indirect.scatter.add.f32 [tilespmem:s24], [sflag:$0x7], $0x40, s13, s20, $0xb8;
	[tilespmem:$0x1A2C0] =	vst v63  }
0xb3: {  	_ = 	snop  }
0xb4: {  	[spmem:s3] =	stream.indirect.scatter.add.f32 [tilespmem:s18], [sflag:$0xB], $0x8, s13, s20, $0xb8;
	[tilespmem:$0x1A2C0] =	vst v63  }
0xb5: {  	_ =	swait.ge [sflag:s31], $0x1400  }
0xb6: {  	[sflag:s31] =	ssyncset.done $0x0  }
0xb7: {  	s14 =	simm.s32 $0x9B50;
	[sflag:s31] =	ssyncadd.s32 $0xFFFFEC00  }
0xb8: {  	[spmem:s2] =	stream.indirect.scatter.add.f32 [tilespmem:s26], [sflag:$0x8], $0x40, s14, s20, $0xb8;
	[tilespmem:$0x1A2C0] =	vst v63  }
0xb9: {  	_ = 	snop  }
0xba: {  	[spmem:s3] =	stream.indirect.scatter.add.f32 [tilespmem:s18], [sflag:$0xC], $0x8, s14, s20, $0xb8;
	[tilespmem:$0x1A2C0] =	vst v63  }
0xbb: {  	_ =	swait.ge [sflag:s0], $0x1400  }
0xbc: {  	[sflag:s0] =	ssyncset.done $0x0  }
0xbd: {  	[sflag:s0] =	ssyncadd.s32 $0xFFFFEC00  }
0xbe: {  	_ =	swait.ge [sflag:s1], $0x280  }
0xbf: {  	[sflag:s1] =	ssyncset.done $0x0  }
0xc0: {  	s13 =	simm.s32 $0x4D80;
	[sflag:s1] =	ssyncadd.s32 $0xFFFFFD80  }
0xc1: {  	[tilespmem:s21], [sflag:$0x1] =	stream.indirect.gather [hbm4b:s5+s20], $0x40, s13, s20, $0xb8;
	[tilespmem:$0x1A2C0] =	vst v63  }
0xc2: {  	_ =	swait.ge [sflag:s19], $0x1400  }
0xc3: {  	[sflag:s19] =	ssyncset.done $0x0  }
0xc4: {  	[sflag:s19] =	ssyncadd.s32 $0xFFFFEC00  }
0xc5: {  	_ =	swait.ge [sflag:s23], $0x280  }
0xc6: {  	[sflag:s23] =	ssyncset.done $0x0  }
0xc7: {  	s14 =	simm.s32 $0x4DD0;
	[sflag:s23] =	ssyncadd.s32 $0xFFFFFD80  }
0xc8: {  	[tilespmem:s22], [sflag:$0x2] =	stream.indirect.gather [hbm4b:s5+s20], $0x40, s14, s20, $0xb8;
	[tilespmem:$0x1A2C0] =	vst v63  }
0xc9: {  	_ =	swait.ge [sflag:s28], $0x1400  }
0xca: {  	[sflag:s28] =	ssyncset.done $0x0  }
0xcb: {  	s13 =	simm.s32 $0x9BA0;
	[sflag:s28] =	ssyncadd.s32 $0xFFFFEC00  }
0xcc: {  	[spmem:s2] =	stream.indirect.scatter.add.f32 [tilespmem:s21], [sflag:$0x5], $0x40, s13, s20, $0xb8;
	[tilespmem:$0x1A2C0] =	vst v63  }
0xcd: {  	_ = 	snop  }
0xce: {  	[spmem:s3] =	stream.indirect.scatter.add.f32 [tilespmem:s18], [sflag:$0x9], $0x8, s13, s20, $0xb8;
	[tilespmem:$0x1A2C0] =	vst v63  }
0xcf: {  	_ =	swait.ge [sflag:s29], $0x1400  }
0xd0: {  	[sflag:s29] =	ssyncset.done $0x0  }
0xd1: {  	[sflag:s29] =	ssyncadd.s32 $0xFFFFEC00  }
0xd2: {  	[spmem:s2] =	stream.indirect.scatter.add.f32 [tilespmem:s22], [sflag:$0x6], $0x40, s10, s20, $0xb8;
	[tilespmem:$0x1A2C0] =	vst v63  }
0xd3: {  	_ = 	snop  }
0xd4: {  	[spmem:s3] =	stream.indirect.scatter.add.f32 [tilespmem:s18], [sflag:$0xA], $0x8, s10, s20, $0xb8;
	[tilespmem:$0x1A2C0] =	vst v63  }
0xd5: {  	_ =	swait.ge [sflag:s25], $0x1400  }
0xd6: {  	[sflag:s25] =	ssyncset.done $0x0  }
0xd7: {  	[sflag:s25] =	ssyncadd.s32 $0xFFFFEC00  }
0xd8: {  	_ =	swait.ge [sflag:s6], $0x280  }
0xd9: {  	[sflag:s6] =	ssyncset.done $0x0  }
0xda: {  	[sflag:s6] =	ssyncadd.s32 $0xFFFFFD80  }
0xdb: {  	_ =	swait.ge [sflag:s7], $0x1400  }
0xdc: {  	[sflag:s7] =	ssyncset.done $0x0  }
0xdd: {  	[sflag:s7] =	ssyncadd.s32 $0xFFFFEC00  }
0xde: {  	_ =	swait.ge [sflag:s9], $0x280  }
0xdf: {  	[sflag:s9] =	ssyncset.done $0x0  }
0xe0: {  	[sflag:s9] =	ssyncadd.s32 $0xFFFFFD80  }
0xe1: {  	_ =	swait.ge [sflag:s0], $0x1400  }
0xe2: {  	[sflag:s0] =	ssyncset.done $0x0  }
0xe3: {  	[sflag:s0] =	ssyncadd.s32 $0xFFFFEC00  }
0xe4: {  	_ =	swait.ge [sflag:s1], $0x280  }
0xe5: {  	[sflag:s1] =	ssyncset.done $0x0  }
0xe6: {  	[sflag:s1] =	ssyncadd.s32 $0xFFFFFD80  }
0xe7: {  	_ =	swait.ge [sflag:s19], $0x1400  }
0xe8: {  	[sflag:s19] =	ssyncset.done $0x0  }
0xe9: {  	[sflag:s19] =	ssyncadd.s32 $0xFFFFEC00  }
0xea: {  	_ =	swait.ge [sflag:s23], $0x280  }
0xeb: {  	[sflag:s23] =	ssyncset.done $0x0  }
0xec: {  	[sflag:s23] =	ssyncadd.s32 $0xFFFFFD80  }
0xed: {  	[bflag:$0x0] =	sbarrier.arrive $0xFFFF  }
0xee: {  	s14 =	rddreg [dreg:$0xa]  }
0xef: {  	[hbm:s14], [sflag:s8] =	dma.local [spmem:s15], $0x1400  }
0xf0: {  	_ =	swait.ge [sflag:s16], $0x1400  }
0xf1: {  	[sflag:s16] =	ssyncset.done $0x0  }
0xf2: {  	s13 =	rddreg [dreg:$0xb];
	[sflag:s16] =	ssyncadd.s32 $0xFFFFEC00  }
0xf3: {  	[hbm:s13], [sflag:s8] =	dma.local [spmem:s17], $0x280  }
0xf4: {  	_ =	swait.ge [sflag:s16], $0x280  }
0xf5: {  	s11 =	sadd.s32 $0x1, s11;
	s14 =	rddreg [dreg:$0xc]  }
0xf6: {  	p0 =	sne.s32 s11, s14  }
.Ltmp1:
0xf7: {  	_ = 	snop;
	(pc) =	sbr.rel @p0 .LBB2_1-.Ltmp1, $3  }
0xf8: {  	_ =	sdelay $0x1  }
0xf9: {  	[sflag:s16] =	ssyncset.done $0x0  }
0xfa: {  	[sflag:s16] =	ssyncadd.s32 $0xFFFFFD80  }
0xfb: {  	_ =	sfence.sel $0x180000  }
0xfc: {  	[bflag:$0x0] =	sbarrier.arrive $0xFFFF  }
0xfd: {  	_ =	strace $0x90000047  }
0xfe: {  	s0 =	stileid.u32;
	[bflag:$0x2] =	sbarrier.arrive $0xFFFF  }
0xff: {  	p0 =	sne.s32 s0, $0x0;
	s0 =	rddreg [dreg:$0x4]  }
0x100: {  	s0 =	sadd.s32 @!p0 $0x100000, s0  }
0x101: {  	[sflag:s0] =	ssyncadd.tile.s32 @!p0 $0x1;
	_ =	shalt  }
.Lfunc_end2:
_tile_overlayer_lowered:
.L_overlay_start_2:
0x102: {  	(tag) =	ssettag $0x2  }
0x103: {  	s0 =	rddreg [dreg:$0x0];
	s2 =	stileid.u32  }
0x104: {  	s1 =	rddreg [dreg:$0x1];
	p0 =	sne.s32 s2, $0x0  }
0x105: {  	s3 =	rddreg [dreg:$0x2];
	[bflag:$0x3] =	sbarrier.arrive $0xFFFF;
	s2 =	simm.s32 @!p0 $0x1C0D  }
0x106: {  	[timem:s3], [sflag:s2] =	dma.local @!p0 [hbm:s0], s1  }
0x107: {  	s0 =	simm.s32 @!p0 $0xD  }
0x108: {  	_ =	swait.ge @!p0 [sflag:s0], s1  }
0x109: {  	s1 =	ssub.s32 @!p0 $0x0, s1;
	[sflag:s0] =	ssyncset.done @!p0 $0x0  }
0x10a: {  	[sflag:s0] =	ssyncadd.s32 @!p0 s1  }
0x10b: {  	[bflag:$0x3] =	sbarrier.arrive $0xFFFF  }
0x10c: {  	_ =	shalt  }

</sc_bundles>
